<compile_context>
chip_gen: v7x
topology: tpu7x:2x2x1
jax: 0.10.2.dev20260603
libtpu: 0.0.44.dev20260713+nightly
codegen_flags: <defaults>
</compile_context>

<pallas_src>
import functools

import jax
import jax.numpy as jnp
from jax import lax
from jax.experimental import pallas as pl
from jax.experimental.pallas import tpu as pltpu
from jax.experimental.pallas import tpu_sc as plsc

N = 10000
D = 128
G = 64
NC, NS = 2, 16
NW = NC * NS
CHUNK = 128
BI = 16
BLK = 256
N_PAD = 10240
RPT = N_PAD // NS



def _sc_mesh():
    return plsc.VectorSubcoreMesh(core_axis_name="c", subcore_axis_name="s",
                                  num_cores=NC, num_subcores=NS)


def _degree_body(nchunks, dst2_hbm, zero_hbm, ones_hbm, out_hbm,
                 dall, ones_v, cnt):
    cid = lax.axis_index("c")
    sid = lax.axis_index("s")
    wid = sid * NC + cid
    r0 = sid * RPT
    pltpu.sync_copy(zero_hbm.at[pl.ds(r0, RPT)], cnt.at[pl.ds(r0, RPT)])
    pltpu.sync_copy(ones_hbm, ones_v)
    pltpu.sync_copy(dst2_hbm.at[pl.ds(wid * nchunks, nchunks)], dall)
    plsc.subcore_barrier()

    def body(c, carry):
        pltpu.sync_copy(ones_v, cnt.at[dall.at[c]], add=True)
        return carry

    lax.fori_loop(0, nchunks, body, 0)
    plsc.subcore_barrier()
    pltpu.sync_copy(cnt.at[pl.ds(r0, RPT)],
                    out_hbm.at[pl.ds(cid * N_PAD + r0, RPT)])


def _spmm_body(nchunks, g_hbm, src2_hbm, dst2_hbm, zero_hbm, out_hbm,
               sblk, dall, rows0, rows1, acc, sem0, sem1):
    cid = lax.axis_index("c")
    sid = lax.axis_index("s")
    wid = sid * NC + cid
    r0 = sid * RPT
    pltpu.sync_copy(zero_hbm.at[pl.ds(r0, RPT)], acc.at[pl.ds(r0, RPT)])
    pltpu.sync_copy(dst2_hbm.at[pl.ds(wid * nchunks, nchunks)], dall)
    plsc.subcore_barrier()

    def blk_body(b, carry):
        c_base = b * BI
        pltpu.sync_copy(src2_hbm.at[pl.ds(wid * nchunks + c_base, BI)], sblk)
        pltpu.async_copy(g_hbm.at[sblk.at[0]], rows0, sem0)

        def body(p, carry2):
            c0 = 2 * p
            pltpu.async_copy(g_hbm.at[sblk.at[c0 + 1]], rows1, sem1)
            pltpu.make_async_copy(g_hbm.at[sblk.at[0]], rows0, sem0).wait()
            pltpu.sync_copy(rows0, acc.at[dall.at[c_base + c0]], add=True)
            pltpu.async_copy(g_hbm.at[sblk.at[c0 + 2]], rows0, sem0)
            pltpu.make_async_copy(g_hbm.at[sblk.at[0]], rows1, sem1).wait()
            pltpu.sync_copy(rows1, acc.at[dall.at[c_base + c0 + 1]], add=True)
            return carry2

        lax.fori_loop(0, BI // 2 - 1, body, 0)
        cE = BI - 2
        pltpu.async_copy(g_hbm.at[sblk.at[cE + 1]], rows1, sem1)
        pltpu.make_async_copy(g_hbm.at[sblk.at[0]], rows0, sem0).wait()
        pltpu.sync_copy(rows0, acc.at[dall.at[c_base + cE]], add=True)
        pltpu.make_async_copy(g_hbm.at[sblk.at[0]], rows1, sem1).wait()
        pltpu.sync_copy(rows1, acc.at[dall.at[c_base + cE + 1]], add=True)
        return carry

    lax.fori_loop(0, nchunks // BI, blk_body, 0)
    plsc.subcore_barrier()
    pltpu.sync_copy(acc.at[pl.ds(r0, RPT)],
                    out_hbm.at[pl.ds(cid * N_PAD + r0, RPT)])


def _make_degree_call(nchunks):
    return pl.kernel(
        functools.partial(_degree_body, nchunks),
        out_type=jax.ShapeDtypeStruct((2 * N_PAD, D), jnp.float32),
        mesh=_sc_mesh(),
        scratch_types=[
            pltpu.VMEM((nchunks, CHUNK), jnp.int32),
            pltpu.VMEM((CHUNK, D), jnp.float32),
            pltpu.VMEM_SHARED((N_PAD, D), jnp.float32),
        ],
    )


def _make_spmm_call(nchunks):
    return pl.kernel(
        functools.partial(_spmm_body, nchunks),
        out_type=jax.ShapeDtypeStruct((2 * N_PAD, D), jnp.float32),
        mesh=_sc_mesh(),
        scratch_types=[
            pltpu.VMEM((BI, CHUNK), jnp.int32),
            pltpu.VMEM((nchunks, CHUNK), jnp.int32),
            pltpu.VMEM((CHUNK, D), jnp.float32),
            pltpu.VMEM((CHUNK, D), jnp.float32),
            pltpu.VMEM_SHARED((N_PAD, D), jnp.float32),
            pltpu.SemaphoreType.DMA,
            pltpu.SemaphoreType.DMA,
        ],
    )



def _prep_kernel(x_ref, w_ref, c0_ref, c1_ref, dinv_ref, g_ref):
    deg = 1.0 + c0_ref[:, 0:1] + c1_ref[:, 0:1]
    dinvb = jnp.broadcast_to(lax.rsqrt(deg), (BLK, D))
    dinv_ref[...] = dinvb
    g_ref[...] = jnp.dot(x_ref[...], w_ref[...],
                         preferred_element_type=jnp.float32) * dinvb


def _mid_kernel(p0_ref, p1_ref, g_ref, dinv_ref, b_ref, w_ref, gout_ref):
    dinvb = dinv_ref[...]
    s = (p0_ref[...] + p1_ref[...] + g_ref[...]) * dinvb + b_ref[...]
    h = jnp.maximum(s, 0.0)
    gout_ref[...] = jnp.dot(h, w_ref[...],
                            preferred_element_type=jnp.float32) * dinvb


def _final_kernel(p0_ref, p1_ref, g_ref, dinv_ref, b_ref, batch_ref,
                  wl_ref, bl_ref, out_ref, s_acc, c_acc):
    i = pl.program_id(0)
    nblk = pl.num_programs(0)

    @pl.when(i == 0)
    def _init():
        s_acc[...] = jnp.zeros_like(s_acc)
        c_acc[...] = jnp.zeros_like(c_acc)

    h3 = (p0_ref[...] + p1_ref[...] + g_ref[...]) * dinv_ref[...] + b_ref[...]
    onehot = (batch_ref[...] == lax.broadcasted_iota(jnp.int32, (1, G), 1)
              ).astype(jnp.float32)
    dn = (((0,), (0,)), ((), ()))
    s_acc[...] += lax.dot_general(onehot, h3, dn,
                                  preferred_element_type=jnp.float32)
    c_acc[...] += lax.dot_general(onehot, jnp.ones((BLK, D), jnp.float32), dn,
                                  preferred_element_type=jnp.float32)

    @pl.when(i == nblk - 1)
    def _fin():
        hG = s_acc[...] / jnp.maximum(c_acc[...], 1.0)
        logits = jnp.dot(hG, wl_ref[...],
                         preferred_element_type=jnp.float32) + bl_ref[...]
        m = jnp.max(logits, axis=1, keepdims=True)
        e = jnp.exp(logits - m)
        out_ref[...] = e / jnp.sum(e, axis=1, keepdims=True)


_NBLK = N_PAD // BLK

_row_spec = pl.BlockSpec((BLK, D), lambda i: (i, 0))
_full_spec = pl.BlockSpec((D, D), lambda i: (0, 0))
_vec_spec = pl.BlockSpec((1, D), lambda i: (0, 0))


def _prep_call(x_p, W1, c0, c1):
    return pl.pallas_call(
        _prep_kernel,
        grid=(_NBLK,),
        in_specs=[_row_spec, _full_spec, _row_spec, _row_spec],
        out_specs=[_row_spec, _row_spec],
        out_shape=[jax.ShapeDtypeStruct((N_PAD, D), jnp.float32),
                   jax.ShapeDtypeStruct((N_PAD, D), jnp.float32)],
    )(x_p, W1, c0, c1)


def _mid_call(p0, p1, g, dinvb, b, W):
    return pl.pallas_call(
        _mid_kernel,
        grid=(_NBLK,),
        in_specs=[_row_spec, _row_spec, _row_spec, _row_spec,
                  _vec_spec, _full_spec],
        out_specs=_row_spec,
        out_shape=jax.ShapeDtypeStruct((N_PAD, D), jnp.float32),
    )(p0, p1, g, dinvb, b, W)


def _final_call(p0, p1, g, dinvb, b, batch_p, Wl, bl):
    return pl.pallas_call(
        _final_kernel,
        grid=(_NBLK,),
        in_specs=[_row_spec, _row_spec, _row_spec, _row_spec, _vec_spec,
                  pl.BlockSpec((BLK, 1), lambda i: (i, 0)),
                  _full_spec, _vec_spec],
        out_specs=pl.BlockSpec((G, D), lambda i: (0, 0)),
        out_shape=jax.ShapeDtypeStruct((G, D), jnp.float32),
        scratch_shapes=[pltpu.VMEM((G, D), jnp.float32),
                        pltpu.VMEM((G, D), jnp.float32)],
    )(p0, p1, g, dinvb, b, batch_p, Wl, bl)



def kernel(x, edge_index, batch, W1, b1, W2, b2, W3, b3, Wl, bl):
    src = edge_index[0]
    dst = edge_index[1]
    e = src.shape[0]
    epw = BI * CHUNK * NW
    e_pad = ((e + epw - 1) // epw) * epw
    nchunks = e_pad // (CHUNK * NW)
    pad = e_pad - e
    src_p = jnp.concatenate([src, jnp.zeros((pad,), jnp.int32)])
    trash = N + jnp.arange(pad, dtype=jnp.int32) % (N_PAD - N)
    dst_p = jnp.concatenate([dst, trash])
    src2 = src_p.reshape(NW * nchunks, CHUNK)
    dst2 = dst_p.reshape(NW * nchunks, CHUNK)
    x_p = jnp.pad(x, ((0, N_PAD - N), (0, 0)))
    batch_p = jnp.pad(batch, (0, N_PAD - N), constant_values=G)[:, None]
    zeros_d = jnp.zeros((N_PAD, D), jnp.float32)
    ones_d = jnp.ones((CHUNK, D), jnp.float32)

    cnt = _make_degree_call(nchunks)(dst2, zeros_d, ones_d)
    c0, c1 = cnt[:N_PAD], cnt[N_PAD:]

    dinvb, g1 = _prep_call(x_p, W1, c0, c1)

    spmm = _make_spmm_call(nchunks)
    p = spmm(g1, src2, dst2, zeros_d)
    g2 = _mid_call(p[:N_PAD], p[N_PAD:], g1, dinvb, b1[None, :], W2)
    p = spmm(g2, src2, dst2, zeros_d)
    g3 = _mid_call(p[:N_PAD], p[N_PAD:], g2, dinvb, b2[None, :], W3)
    p = spmm(g3, src2, dst2, zeros_d)
    return _final_call(p[:N_PAD], p[N_PAD:], g3, dinvb, b3[None, :],
                       batch_p, Wl, bl[None, :])

# --- scband reference (transcript-rebuilt; emitter-appended) ---
"""Pipeline reference for scband-gcn-3530463117755 (READ-ONLY COPY).

The authoritative reference and input builder live on the scoring server;
editing this copy changes nothing except your own understanding.
"""

import jax, jax.numpy as jnp
import numpy as np

N = 10000
E = 320000
D_I = 128
D_H = 128
D_O = 128
G = 64


def setup_inputs(seed: int = 0) -> dict:
    key = jax.random.key(seed)
    ks = jax.random.split(key, 12)
    x = jax.random.normal(ks[0], (N, D_I), dtype=jnp.float32)
    edge_index = jax.random.randint(ks[1], (2, E), 0, N, dtype=jnp.int32)
    batch = jnp.sort(jax.random.randint(ks[2], (N,), 0, G, dtype=jnp.int32))
    s1 = 1.0 / np.sqrt(D_I)
    s2 = 1.0 / np.sqrt(D_H)
    W1 = jax.random.normal(ks[3], (D_I, D_H), dtype=jnp.float32) * s1
    b1 = jnp.zeros((D_H,), dtype=jnp.float32)
    W2 = jax.random.normal(ks[4], (D_H, D_H), dtype=jnp.float32) * s2
    b2 = jnp.zeros((D_H,), dtype=jnp.float32)
    W3 = jax.random.normal(ks[5], (D_H, D_H), dtype=jnp.float32) * s2
    b3 = jnp.zeros((D_H,), dtype=jnp.float32)
    Wl = jax.random.normal(ks[6], (D_H, D_O), dtype=jnp.float32) * s2
    bl = jnp.zeros((D_O,), dtype=jnp.float32)
    return {"x": x, "edge_index": edge_index, "batch": batch,
            "W1": W1, "b1": b1, "W2": W2, "b2": b2, "W3": W3, "b3": b3,
            "Wl": Wl, "bl": bl}


def _gcn_conv(x, edge_index, W, b):
    # GCNConv: add self-loops, symmetric normalization, linear transform, scatter-add
    n = x.shape[0]
    loops = jnp.arange(n, dtype=edge_index.dtype)
    src = jnp.concatenate([edge_index[0], loops])
    dst = jnp.concatenate([edge_index[1], loops])
    deg = jax.ops.segment_sum(jnp.ones_like(src, dtype=jnp.float32), dst, num_segments=n)
    deg_inv_sqrt = jnp.where(deg > 0, 1.0 / jnp.sqrt(deg), 0.0)
    norm = deg_inv_sqrt[src] * deg_inv_sqrt[dst]
    h = x @ W
    msg = h[src] * norm[:, None]
    out = jax.ops.segment_sum(msg, dst, num_segments=n)
    return out + b


def reference(x, edge_index, batch, W1, b1, W2, b2, W3, b3, Wl, bl):
    h = _gcn_conv(x, edge_index, W1, b1)
    h = jax.nn.relu(h)
    h = _gcn_conv(h, edge_index, W2, b2)
    h = jax.nn.relu(h)
    h = _gcn_conv(h, edge_index, W3, b3)
    # global_mean_pool over graphs in the batch
    counts = jax.ops.segment_sum(jnp.ones((h.shape[0],), dtype=jnp.float32), batch, num_segments=G)
    hG = jax.ops.segment_sum(h, batch, num_segments=G) / jnp.maximum(counts, 1.0)[:, None]
    # dropout is identity in eval mode
    logits = hG @ Wl + bl
    return jax.nn.softmax(logits, axis=1)

if __name__ == "__main__":
    import jax
    _d = setup_inputs()
    print(jax.jit(kernel)(*tuple(_d.values())))

</pallas_src>

<mosaic_0001>
#map = affine_map<(d0, d1) -> (0, 0)>
module attributes {stable_mosaic.version = 14 : i64} {
  func.func @_degree_body(%arg0: i32, %arg1: i32, %arg2: memref<2560x128xi32, #tpu.memory_space<hbm>>, %arg3: memref<10240x128xf32, #tpu.memory_space<hbm>>, %arg4: memref<128x128xf32, #tpu.memory_space<hbm>>, %arg5: memref<20480x128xf32, #tpu.memory_space<hbm>>, %arg6: memref<80x128xi32, #tpu.memory_space<vmem>>, %arg7: memref<128x128xf32, #tpu.memory_space<vmem>>, %arg8: memref<10240x128xf32, #tpu.memory_space<vmem_shared>>) attributes {dimension_semantics = [#tpu.dimension_semantics<core_parallel>, #tpu.dimension_semantics<subcore_parallel>], iteration_bounds = array<i64: 2, 16>, scalar_prefetch = 0 : i64, scratch_operands = 3 : i64, tpu.core_type = #tpu.core_type<sc_vector_subcore>, window_params = [{transform_indices = #map}, {transform_indices = #map}, {transform_indices = #map}, {transform_indices = #map}]} {
    %mul3A = arith.constant 2 : i32
    %mul3A_0 = arith.muli %arg1, %mul3A : i32
    %add3A = arith.addi %mul3A_0, %arg0 : i32
    %mul3A_1 = arith.constant 640 : i32
    %mul3A_2 = arith.muli %arg1, %mul3A_1 : i32
    "tpu.region"() ({
      %run_scoped3A = tpu.sem_alloc : memref<!tpu.dma_semaphore, #tpu.memory_space<semaphore_mem>>
      %dma_start3A = arith.constant 0 : i32
      %dma_start3A_14 = tpu.memref_slice %arg8[%mul3A_2, %dma_start3A] : memref<10240x128xf32, #tpu.memory_space<vmem_shared>> -> memref<640x128xf32, #tpu.memory_space<vmem_shared>>
      %dma_start3A_15 = arith.constant 0 : i32
      %dma_start3A_16 = tpu.memref_slice %arg3[%mul3A_2, %dma_start3A_15] : memref<10240x128xf32, #tpu.memory_space<hbm>> -> memref<640x128xf32, #tpu.memory_space<hbm>>
      tpu.enqueue_dma source(%dma_start3A_16 : memref<640x128xf32, #tpu.memory_space<hbm>>) target(%dma_start3A_14 : memref<640x128xf32, #tpu.memory_space<vmem_shared>>) target_semaphore(%run_scoped3A : memref<!tpu.dma_semaphore, #tpu.memory_space<semaphore_mem>>)
      %dma_wait3A = arith.constant 0 : i32
      %dma_wait3A_17 = tpu.memref_slice %arg8[%mul3A_2, %dma_wait3A] : memref<10240x128xf32, #tpu.memory_space<vmem_shared>> -> memref<640x128xf32, #tpu.memory_space<vmem_shared>>
      %dma_wait3A_18 = arith.constant 0 : i32
      %dma_wait3A_19 = tpu.memref_slice %arg3[%mul3A_2, %dma_wait3A_18] : memref<10240x128xf32, #tpu.memory_space<hbm>> -> memref<640x128xf32, #tpu.memory_space<hbm>>
      tpu.wait_dma2 semaphore(%run_scoped3A : memref<!tpu.dma_semaphore, #tpu.memory_space<semaphore_mem>>) src(%dma_wait3A_19 : memref<640x128xf32, #tpu.memory_space<hbm>>) dst(%dma_wait3A_17 : memref<640x128xf32, #tpu.memory_space<vmem_shared>>)
      tpu.yield
    }) : () -> ()
    "tpu.region"() ({
      %run_scoped3A = tpu.sem_alloc : memref<!tpu.dma_semaphore, #tpu.memory_space<semaphore_mem>>
      tpu.enqueue_dma source(%arg4 : memref<128x128xf32, #tpu.memory_space<hbm>>) target(%arg7 : memref<128x128xf32, #tpu.memory_space<vmem>>) target_semaphore(%run_scoped3A : memref<!tpu.dma_semaphore, #tpu.memory_space<semaphore_mem>>)
      tpu.wait_dma2 semaphore(%run_scoped3A : memref<!tpu.dma_semaphore, #tpu.memory_space<semaphore_mem>>) src(%arg4 : memref<128x128xf32, #tpu.memory_space<hbm>>) dst(%arg7 : memref<128x128xf32, #tpu.memory_space<vmem>>)
      tpu.yield
    }) : () -> ()
    %mul3A_3 = arith.constant 80 : i32
    %mul3A_4 = arith.muli %add3A, %mul3A_3 : i32
    "tpu.region"() ({
      %run_scoped3A = tpu.sem_alloc : memref<!tpu.dma_semaphore, #tpu.memory_space<semaphore_mem>>
      %dma_start3A = arith.constant 0 : i32
      %dma_start3A_14 = tpu.memref_slice %arg2[%mul3A_4, %dma_start3A] : memref<2560x128xi32, #tpu.memory_space<hbm>> -> memref<80x128xi32, #tpu.memory_space<hbm>>
      %dma_start3A_15 = arith.constant 0 : i32
      %dma_start3A_16 = tpu.memref_slice %arg2[%mul3A_4, %dma_start3A_15] : memref<2560x128xi32, #tpu.memory_space<hbm>> -> memref<80x128xi32, #tpu.memory_space<hbm>>
      tpu.enqueue_dma source(%dma_start3A_16 : memref<80x128xi32, #tpu.memory_space<hbm>>) target(%arg6 : memref<80x128xi32, #tpu.memory_space<vmem>>) target_semaphore(%run_scoped3A : memref<!tpu.dma_semaphore, #tpu.memory_space<semaphore_mem>>)
      %dma_wait3A = arith.constant 0 : i32
      %dma_wait3A_17 = tpu.memref_slice %arg2[%mul3A_4, %dma_wait3A] : memref<2560x128xi32, #tpu.memory_space<hbm>> -> memref<80x128xi32, #tpu.memory_space<hbm>>
      %dma_wait3A_18 = arith.constant 0 : i32
      %dma_wait3A_19 = tpu.memref_slice %arg2[%mul3A_4, %dma_wait3A_18] : memref<2560x128xi32, #tpu.memory_space<hbm>> -> memref<80x128xi32, #tpu.memory_space<hbm>>
      tpu.wait_dma2 semaphore(%run_scoped3A : memref<!tpu.dma_semaphore, #tpu.memory_space<semaphore_mem>>) src(%dma_wait3A_19 : memref<80x128xi32, #tpu.memory_space<hbm>>) dst(%arg6 : memref<80x128xi32, #tpu.memory_space<vmem>>)
      tpu.yield
    }) : () -> ()
    %barrier3A = arith.constant 0 : index
    tpu.barrier barrier_id(%barrier3A)
    %scan3A = arith.constant 0 : i32
    %scan3A_5 = arith.constant 0 : i32
    %scan3A_6 = arith.constant 80 : i32
    %scan3A_7 = arith.addi %scan3A_5, %scan3A_6 : i32
    %scan3A_8 = arith.constant 1 : i32
    scf.for %scan3A_14 = %scan3A_5 to %scan3A_7 step %scan3A_8  : i32 {
      "tpu.region"() ({
        %run_scoped3A = tpu.sem_alloc : memref<!tpu.dma_semaphore, #tpu.memory_space<semaphore_mem>>
        %dma_start3A = arith.constant 0 : i32
        %dma_start3A_15 = tpu.memref_slice %arg6[%scan3A_14, %dma_start3A] : memref<80x128xi32, #tpu.memory_space<vmem>> -> memref<1x128xi32, #tpu.memory_space<vmem>>
        %dma_start3A_16 = tpu.memref_squeeze %dma_start3A_15 : memref<1x128xi32, #tpu.memory_space<vmem>> -> memref<128xi32, #tpu.memory_space<vmem>>
        %dma_start3A_17 = arith.constant 0 : i32
        %dma_start3A_18 = arith.constant 0 : i32
        %dma_start3A_19 = tpu.memref_slice %arg8[%dma_start3A_17, %dma_start3A_18] : memref<10240x128xf32, #tpu.memory_space<vmem_shared>> -> memref<10240x128xf32, #tpu.memory_space<vmem_shared>>
        tpu.enqueue_indirect_dma source(%arg7 : memref<128x128xf32, #tpu.memory_space<vmem>>) target(%dma_start3A_19 : memref<10240x128xf32, #tpu.memory_space<vmem_shared>>) offsets(%dma_start3A_16 : memref<128xi32, #tpu.memory_space<vmem>>) semaphore(%run_scoped3A : memref<!tpu.dma_semaphore, #tpu.memory_space<semaphore_mem>>) {add = true}
        %dma_wait3A = arith.constant 0 : i32
        %dma_wait3A_20 = tpu.memref_slice %arg6[%scan3A_14, %dma_wait3A] : memref<80x128xi32, #tpu.memory_space<vmem>> -> memref<1x128xi32, #tpu.memory_space<vmem>>
        %dma_wait3A_21 = tpu.memref_squeeze %dma_wait3A_20 : memref<1x128xi32, #tpu.memory_space<vmem>> -> memref<128xi32, #tpu.memory_space<vmem>>
        %dma_wait3A_22 = arith.constant 0 : i32
        %dma_wait3A_23 = arith.constant 0 : i32
        %dma_wait3A_24 = tpu.memref_slice %arg8[%dma_wait3A_22, %dma_wait3A_23] : memref<10240x128xf32, #tpu.memory_space<vmem_shared>> -> memref<10240x128xf32, #tpu.memory_space<vmem_shared>>
        tpu.wait_indirect_dma semaphore(%run_scoped3A : memref<!tpu.dma_semaphore, #tpu.memory_space<semaphore_mem>>) src(%arg7 : memref<128x128xf32, #tpu.memory_space<vmem>>) dst(%dma_wait3A_24 : memref<10240x128xf32, #tpu.memory_space<vmem_shared>>)
        tpu.yield
      }) : () -> ()
    }
    %scan3A_9 = arith.constant 80 : i32
    %barrier3A_10 = arith.constant 0 : index
    tpu.barrier barrier_id(%barrier3A_10)
    %mul3A_11 = arith.constant 10240 : i32
    %mul3A_12 = arith.muli %arg0, %mul3A_11 : i32
    %add3A_13 = arith.addi %mul3A_12, %mul3A_2 : i32
    "tpu.region"() ({
      %run_scoped3A = tpu.sem_alloc : memref<!tpu.dma_semaphore, #tpu.memory_space<semaphore_mem>>
      %dma_start3A = arith.constant 0 : i32
      %dma_start3A_14 = tpu.memref_slice %arg5[%add3A_13, %dma_start3A] : memref<20480x128xf32, #tpu.memory_space<hbm>> -> memref<640x128xf32, #tpu.memory_space<hbm>>
      %dma_start3A_15 = arith.constant 0 : i32
      %dma_start3A_16 = tpu.memref_slice %arg8[%mul3A_2, %dma_start3A_15] : memref<10240x128xf32, #tpu.memory_space<vmem_shared>> -> memref<640x128xf32, #tpu.memory_space<vmem_shared>>
      tpu.enqueue_dma source(%dma_start3A_16 : memref<640x128xf32, #tpu.memory_space<vmem_shared>>) target(%dma_start3A_14 : memref<640x128xf32, #tpu.memory_space<hbm>>) target_semaphore(%run_scoped3A : memref<!tpu.dma_semaphore, #tpu.memory_space<semaphore_mem>>)
      %dma_wait3A = arith.constant 0 : i32
      %dma_wait3A_17 = tpu.memref_slice %arg5[%add3A_13, %dma_wait3A] : memref<20480x128xf32, #tpu.memory_space<hbm>> -> memref<640x128xf32, #tpu.memory_space<hbm>>
      %dma_wait3A_18 = arith.constant 0 : i32
      %dma_wait3A_19 = tpu.memref_slice %arg8[%mul3A_2, %dma_wait3A_18] : memref<10240x128xf32, #tpu.memory_space<vmem_shared>> -> memref<640x128xf32, #tpu.memory_space<vmem_shared>>
      tpu.wait_dma2 semaphore(%run_scoped3A : memref<!tpu.dma_semaphore, #tpu.memory_space<semaphore_mem>>) src(%dma_wait3A_19 : memref<640x128xf32, #tpu.memory_space<vmem_shared>>) dst(%dma_wait3A_17 : memref<640x128xf32, #tpu.memory_space<hbm>>)
      tpu.yield
    }) : () -> ()
    return
  }
}

#map = affine_map<(d0, d1) -> (0, 0)>
module attributes {stable_mosaic.version = 14 : i64} {
  func.func @_spmm_body(%arg0: i32, %arg1: i32, %arg2: memref<10240x128xf32, #tpu.memory_space<hbm>>, %arg3: memref<2560x128xi32, #tpu.memory_space<hbm>>, %arg4: memref<2560x128xi32, #tpu.memory_space<hbm>>, %arg5: memref<10240x128xf32, #tpu.memory_space<hbm>>, %arg6: memref<20480x128xf32, #tpu.memory_space<hbm>>, %arg7: memref<16x128xi32, #tpu.memory_space<vmem>>, %arg8: memref<80x128xi32, #tpu.memory_space<vmem>>, %arg9: memref<128x128xf32, #tpu.memory_space<vmem>>, %arg10: memref<128x128xf32, #tpu.memory_space<vmem>>, %arg11: memref<10240x128xf32, #tpu.memory_space<vmem_shared>>, %arg12: memref<!tpu.dma_semaphore, #tpu.memory_space<semaphore_mem>>, %arg13: memref<!tpu.dma_semaphore, #tpu.memory_space<semaphore_mem>>) attributes {dimension_semantics = [#tpu.dimension_semantics<core_parallel>, #tpu.dimension_semantics<subcore_parallel>], iteration_bounds = array<i64: 2, 16>, scalar_prefetch = 0 : i64, scratch_operands = 7 : i64, tpu.core_type = #tpu.core_type<sc_vector_subcore>, window_params = [{transform_indices = #map}, {transform_indices = #map}, {transform_indices = #map}, {transform_indices = #map}, {transform_indices = #map}]} {
    %mul3A = arith.constant 2 : i32
    %mul3A_0 = arith.muli %arg1, %mul3A : i32
    %add3A = arith.addi %mul3A_0, %arg0 : i32
    %mul3A_1 = arith.constant 640 : i32
    %mul3A_2 = arith.muli %arg1, %mul3A_1 : i32
    "tpu.region"() ({
      %run_scoped3A = tpu.sem_alloc : memref<!tpu.dma_semaphore, #tpu.memory_space<semaphore_mem>>
      %dma_start3A = arith.constant 0 : i32
      %dma_start3A_14 = tpu.memref_slice %arg11[%mul3A_2, %dma_start3A] : memref<10240x128xf32, #tpu.memory_space<vmem_shared>> -> memref<640x128xf32, #tpu.memory_space<vmem_shared>>
      %dma_start3A_15 = arith.constant 0 : i32
      %dma_start3A_16 = tpu.memref_slice %arg5[%mul3A_2, %dma_start3A_15] : memref<10240x128xf32, #tpu.memory_space<hbm>> -> memref<640x128xf32, #tpu.memory_space<hbm>>
      tpu.enqueue_dma source(%dma_start3A_16 : memref<640x128xf32, #tpu.memory_space<hbm>>) target(%dma_start3A_14 : memref<640x128xf32, #tpu.memory_space<vmem_shared>>) target_semaphore(%run_scoped3A : memref<!tpu.dma_semaphore, #tpu.memory_space<semaphore_mem>>)
      %dma_wait3A = arith.constant 0 : i32
      %dma_wait3A_17 = tpu.memref_slice %arg11[%mul3A_2, %dma_wait3A] : memref<10240x128xf32, #tpu.memory_space<vmem_shared>> -> memref<640x128xf32, #tpu.memory_space<vmem_shared>>
      %dma_wait3A_18 = arith.constant 0 : i32
      %dma_wait3A_19 = tpu.memref_slice %arg5[%mul3A_2, %dma_wait3A_18] : memref<10240x128xf32, #tpu.memory_space<hbm>> -> memref<640x128xf32, #tpu.memory_space<hbm>>
      tpu.wait_dma2 semaphore(%run_scoped3A : memref<!tpu.dma_semaphore, #tpu.memory_space<semaphore_mem>>) src(%dma_wait3A_19 : memref<640x128xf32, #tpu.memory_space<hbm>>) dst(%dma_wait3A_17 : memref<640x128xf32, #tpu.memory_space<vmem_shared>>)
      tpu.yield
    }) : () -> ()
    %mul3A_3 = arith.constant 80 : i32
    %mul3A_4 = arith.muli %add3A, %mul3A_3 : i32
    "tpu.region"() ({
      %run_scoped3A = tpu.sem_alloc : memref<!tpu.dma_semaphore, #tpu.memory_space<semaphore_mem>>
      %dma_start3A = arith.constant 0 : i32
      %dma_start3A_14 = tpu.memref_slice %arg4[%mul3A_4, %dma_start3A] : memref<2560x128xi32, #tpu.memory_space<hbm>> -> memref<80x128xi32, #tpu.memory_space<hbm>>
      %dma_start3A_15 = arith.constant 0 : i32
      %dma_start3A_16 = tpu.memref_slice %arg4[%mul3A_4, %dma_start3A_15] : memref<2560x128xi32, #tpu.memory_space<hbm>> -> memref<80x128xi32, #tpu.memory_space<hbm>>
      tpu.enqueue_dma source(%dma_start3A_16 : memref<80x128xi32, #tpu.memory_space<hbm>>) target(%arg8 : memref<80x128xi32, #tpu.memory_space<vmem>>) target_semaphore(%run_scoped3A : memref<!tpu.dma_semaphore, #tpu.memory_space<semaphore_mem>>)
      %dma_wait3A = arith.constant 0 : i32
      %dma_wait3A_17 = tpu.memref_slice %arg4[%mul3A_4, %dma_wait3A] : memref<2560x128xi32, #tpu.memory_space<hbm>> -> memref<80x128xi32, #tpu.memory_space<hbm>>
      %dma_wait3A_18 = arith.constant 0 : i32
      %dma_wait3A_19 = tpu.memref_slice %arg4[%mul3A_4, %dma_wait3A_18] : memref<2560x128xi32, #tpu.memory_space<hbm>> -> memref<80x128xi32, #tpu.memory_space<hbm>>
      tpu.wait_dma2 semaphore(%run_scoped3A : memref<!tpu.dma_semaphore, #tpu.memory_space<semaphore_mem>>) src(%dma_wait3A_19 : memref<80x128xi32, #tpu.memory_space<hbm>>) dst(%arg8 : memref<80x128xi32, #tpu.memory_space<vmem>>)
      tpu.yield
    }) : () -> ()
    %barrier3A = arith.constant 0 : index
    tpu.barrier barrier_id(%barrier3A)
    %scan3A = arith.constant 0 : i32
    %scan3A_5 = arith.constant 0 : i32
    %scan3A_6 = arith.constant 5 : i32
    %scan3A_7 = arith.addi %scan3A_5, %scan3A_6 : i32
    %scan3A_8 = arith.constant 1 : i32
    scf.for %scan3A_14 = %scan3A_5 to %scan3A_7 step %scan3A_8  : i32 {
      %mul3A_15 = arith.constant 16 : i32
      %mul3A_16 = arith.muli %scan3A_14, %mul3A_15 : i32
      %mul3A_17 = arith.constant 80 : i32
      %mul3A_18 = arith.muli %add3A, %mul3A_17 : i32
      %add3A_19 = arith.addi %mul3A_18, %mul3A_16 : i32
      "tpu.region"() ({
        %run_scoped3A = tpu.sem_alloc : memref<!tpu.dma_semaphore, #tpu.memory_space<semaphore_mem>>
        %dma_start3A_58 = arith.constant 0 : i32
        %dma_start3A_59 = tpu.memref_slice %arg3[%add3A_19, %dma_start3A_58] : memref<2560x128xi32, #tpu.memory_space<hbm>> -> memref<16x128xi32, #tpu.memory_space<hbm>>
        %dma_start3A_60 = arith.constant 0 : i32
        %dma_start3A_61 = tpu.memref_slice %arg3[%add3A_19, %dma_start3A_60] : memref<2560x128xi32, #tpu.memory_space<hbm>> -> memref<16x128xi32, #tpu.memory_space<hbm>>
        tpu.enqueue_dma source(%dma_start3A_61 : memref<16x128xi32, #tpu.memory_space<hbm>>) target(%arg7 : memref<16x128xi32, #tpu.memory_space<vmem>>) target_semaphore(%run_scoped3A : memref<!tpu.dma_semaphore, #tpu.memory_space<semaphore_mem>>)
        %dma_wait3A_62 = arith.constant 0 : i32
        %dma_wait3A_63 = tpu.memref_slice %arg3[%add3A_19, %dma_wait3A_62] : memref<2560x128xi32, #tpu.memory_space<hbm>> -> memref<16x128xi32, #tpu.memory_space<hbm>>
        %dma_wait3A_64 = arith.constant 0 : i32
        %dma_wait3A_65 = tpu.memref_slice %arg3[%add3A_19, %dma_wait3A_64] : memref<2560x128xi32, #tpu.memory_space<hbm>> -> memref<16x128xi32, #tpu.memory_space<hbm>>
        tpu.wait_dma2 semaphore(%run_scoped3A : memref<!tpu.dma_semaphore, #tpu.memory_space<semaphore_mem>>) src(%dma_wait3A_65 : memref<16x128xi32, #tpu.memory_space<hbm>>) dst(%arg7 : memref<16x128xi32, #tpu.memory_space<vmem>>)
        tpu.yield
      }) : () -> ()
      %dma_start3A = arith.constant 0 : i32
      %dma_start3A_20 = arith.constant 0 : i32
      %dma_start3A_21 = tpu.memref_slice %arg7[%dma_start3A, %dma_start3A_20] : memref<16x128xi32, #tpu.memory_space<vmem>> -> memref<1x128xi32, #tpu.memory_space<vmem>>
      %dma_start3A_22 = tpu.memref_squeeze %dma_start3A_21 : memref<1x128xi32, #tpu.memory_space<vmem>> -> memref<128xi32, #tpu.memory_space<vmem>>
      %dma_start3A_23 = arith.constant 0 : i32
      %dma_start3A_24 = arith.constant 0 : i32
      %dma_start3A_25 = tpu.memref_slice %arg2[%dma_start3A_23, %dma_start3A_24] : memref<10240x128xf32, #tpu.memory_space<hbm>> -> memref<10240x128xf32, #tpu.memory_space<hbm>>
      tpu.enqueue_indirect_dma source(%dma_start3A_25 : memref<10240x128xf32, #tpu.memory_space<hbm>>) target(%arg9 : memref<128x128xf32, #tpu.memory_space<vmem>>) offsets(%dma_start3A_22 : memref<128xi32, #tpu.memory_space<vmem>>) semaphore(%arg12 : memref<!tpu.dma_semaphore, #tpu.memory_space<semaphore_mem>>)
      %scan3A_26 = arith.constant 0 : i32
      %scan3A_27 = arith.constant 0 : i32
      %scan3A_28 = arith.constant 7 : i32
      %scan3A_29 = arith.addi %scan3A_27, %scan3A_28 : i32
      %scan3A_30 = arith.constant 1 : i32
      scf.for %scan3A_58 = %scan3A_27 to %scan3A_29 step %scan3A_30  : i32 {
        %mul3A_59 = arith.constant 2 : i32
        %mul3A_60 = arith.muli %mul3A_59, %scan3A_58 : i32
        %add3A_61 = arith.constant 1 : i32
        %add3A_62 = arith.addi %mul3A_60, %add3A_61 : i32
        %dma_start3A_63 = arith.constant 0 : i32
        %dma_start3A_64 = tpu.memref_slice %arg7[%add3A_62, %dma_start3A_63] : memref<16x128xi32, #tpu.memory_space<vmem>> -> memref<1x128xi32, #tpu.memory_space<vmem>>
        %dma_start3A_65 = tpu.memref_squeeze %dma_start3A_64 : memref<1x128xi32, #tpu.memory_space<vmem>> -> memref<128xi32, #tpu.memory_space<vmem>>
        %dma_start3A_66 = arith.constant 0 : i32
        %dma_start3A_67 = arith.constant 0 : i32
        %dma_start3A_68 = tpu.memref_slice %arg2[%dma_start3A_66, %dma_start3A_67] : memref<10240x128xf32, #tpu.memory_space<hbm>> -> memref<10240x128xf32, #tpu.memory_space<hbm>>
        tpu.enqueue_indirect_dma source(%dma_start3A_68 : memref<10240x128xf32, #tpu.memory_space<hbm>>) target(%arg10 : memref<128x128xf32, #tpu.memory_space<vmem>>) offsets(%dma_start3A_65 : memref<128xi32, #tpu.memory_space<vmem>>) semaphore(%arg13 : memref<!tpu.dma_semaphore, #tpu.memory_space<semaphore_mem>>)
        %dma_wait3A_69 = arith.constant 0 : i32
        %dma_wait3A_70 = arith.constant 0 : i32
        %dma_wait3A_71 = tpu.memref_slice %arg7[%dma_wait3A_69, %dma_wait3A_70] : memref<16x128xi32, #tpu.memory_space<vmem>> -> memref<1x128xi32, #tpu.memory_space<vmem>>
        %dma_wait3A_72 = tpu.memref_squeeze %dma_wait3A_71 : memref<1x128xi32, #tpu.memory_space<vmem>> -> memref<128xi32, #tpu.memory_space<vmem>>
        %dma_wait3A_73 = arith.constant 0 : i32
        %dma_wait3A_74 = arith.constant 0 : i32
        %dma_wait3A_75 = tpu.memref_slice %arg2[%dma_wait3A_73, %dma_wait3A_74] : memref<10240x128xf32, #tpu.memory_space<hbm>> -> memref<10240x128xf32, #tpu.memory_space<hbm>>
        tpu.wait_indirect_dma semaphore(%arg12 : memref<!tpu.dma_semaphore, #tpu.memory_space<semaphore_mem>>) src(%dma_wait3A_75 : memref<10240x128xf32, #tpu.memory_space<hbm>>) dst(%arg9 : memref<128x128xf32, #tpu.memory_space<vmem>>)
        %add3A_76 = arith.addi %mul3A_16, %mul3A_60 : i32
        "tpu.region"() ({
          %run_scoped3A = tpu.sem_alloc : memref<!tpu.dma_semaphore, #tpu.memory_space<semaphore_mem>>
          %dma_start3A_95 = arith.constant 0 : i32
          %dma_start3A_96 = tpu.memref_slice %arg8[%add3A_76, %dma_start3A_95] : memref<80x128xi32, #tpu.memory_space<vmem>> -> memref<1x128xi32, #tpu.memory_space<vmem>>
          %dma_start3A_97 = tpu.memref_squeeze %dma_start3A_96 : memref<1x128xi32, #tpu.memory_space<vmem>> -> memref<128xi32, #tpu.memory_space<vmem>>
          %dma_start3A_98 = arith.constant 0 : i32
          %dma_start3A_99 = arith.constant 0 : i32
          %dma_start3A_100 = tpu.memref_slice %arg11[%dma_start3A_98, %dma_start3A_99] : memref<10240x128xf32, #tpu.memory_space<vmem_shared>> -> memref<10240x128xf32, #tpu.memory_space<vmem_shared>>
          tpu.enqueue_indirect_dma source(%arg9 : memref<128x128xf32, #tpu.memory_space<vmem>>) target(%dma_start3A_100 : memref<10240x128xf32, #tpu.memory_space<vmem_shared>>) offsets(%dma_start3A_97 : memref<128xi32, #tpu.memory_space<vmem>>) semaphore(%run_scoped3A : memref<!tpu.dma_semaphore, #tpu.memory_space<semaphore_mem>>) {add = true}
          %dma_wait3A_101 = arith.constant 0 : i32
          %dma_wait3A_102 = tpu.memref_slice %arg8[%add3A_76, %dma_wait3A_101] : memref<80x128xi32, #tpu.memory_space<vmem>> -> memref<1x128xi32, #tpu.memory_space<vmem>>
          %dma_wait3A_103 = tpu.memref_squeeze %dma_wait3A_102 : memref<1x128xi32, #tpu.memory_space<vmem>> -> memref<128xi32, #tpu.memory_space<vmem>>
          %dma_wait3A_104 = arith.constant 0 : i32
          %dma_wait3A_105 = arith.constant 0 : i32
          %dma_wait3A_106 = tpu.memref_slice %arg11[%dma_wait3A_104, %dma_wait3A_105] : memref<10240x128xf32, #tpu.memory_space<vmem_shared>> -> memref<10240x128xf32, #tpu.memory_space<vmem_shared>>
          tpu.wait_indirect_dma semaphore(%run_scoped3A : memref<!tpu.dma_semaphore, #tpu.memory_space<semaphore_mem>>) src(%arg9 : memref<128x128xf32, #tpu.memory_space<vmem>>) dst(%dma_wait3A_106 : memref<10240x128xf32, #tpu.memory_space<vmem_shared>>)
          tpu.yield
        }) : () -> ()
        %add3A_77 = arith.constant 2 : i32
        %add3A_78 = arith.addi %mul3A_60, %add3A_77 : i32
        %dma_start3A_79 = arith.constant 0 : i32
        %dma_start3A_80 = tpu.memref_slice %arg7[%add3A_78, %dma_start3A_79] : memref<16x128xi32, #tpu.memory_space<vmem>> -> memref<1x128xi32, #tpu.memory_space<vmem>>
        %dma_start3A_81 = tpu.memref_squeeze %dma_start3A_80 : memref<1x128xi32, #tpu.memory_space<vmem>> -> memref<128xi32, #tpu.memory_space<vmem>>
        %dma_start3A_82 = arith.constant 0 : i32
        %dma_start3A_83 = arith.constant 0 : i32
        %dma_start3A_84 = tpu.memref_slice %arg2[%dma_start3A_82, %dma_start3A_83] : memref<10240x128xf32, #tpu.memory_space<hbm>> -> memref<10240x128xf32, #tpu.memory_space<hbm>>
        tpu.enqueue_indirect_dma source(%dma_start3A_84 : memref<10240x128xf32, #tpu.memory_space<hbm>>) target(%arg9 : memref<128x128xf32, #tpu.memory_space<vmem>>) offsets(%dma_start3A_81 : memref<128xi32, #tpu.memory_space<vmem>>) semaphore(%arg12 : memref<!tpu.dma_semaphore, #tpu.memory_space<semaphore_mem>>)
        %dma_wait3A_85 = arith.constant 0 : i32
        %dma_wait3A_86 = arith.constant 0 : i32
        %dma_wait3A_87 = tpu.memref_slice %arg7[%dma_wait3A_85, %dma_wait3A_86] : memref<16x128xi32, #tpu.memory_space<vmem>> -> memref<1x128xi32, #tpu.memory_space<vmem>>
        %dma_wait3A_88 = tpu.memref_squeeze %dma_wait3A_87 : memref<1x128xi32, #tpu.memory_space<vmem>> -> memref<128xi32, #tpu.memory_space<vmem>>
        %dma_wait3A_89 = arith.constant 0 : i32
        %dma_wait3A_90 = arith.constant 0 : i32
        %dma_wait3A_91 = tpu.memref_slice %arg2[%dma_wait3A_89, %dma_wait3A_90] : memref<10240x128xf32, #tpu.memory_space<hbm>> -> memref<10240x128xf32, #tpu.memory_space<hbm>>
        tpu.wait_indirect_dma semaphore(%arg13 : memref<!tpu.dma_semaphore, #tpu.memory_space<semaphore_mem>>) src(%dma_wait3A_91 : memref<10240x128xf32, #tpu.memory_space<hbm>>) dst(%arg10 : memref<128x128xf32, #tpu.memory_space<vmem>>)
        %add3A_92 = arith.addi %mul3A_16, %mul3A_60 : i32
        %add3A_93 = arith.constant 1 : i32
        %add3A_94 = arith.addi %add3A_92, %add3A_93 : i32
        "tpu.region"() ({
          %run_scoped3A = tpu.sem_alloc : memref<!tpu.dma_semaphore, #tpu.memory_space<semaphore_mem>>
          %dma_start3A_95 = arith.constant 0 : i32
          %dma_start3A_96 = tpu.memref_slice %arg8[%add3A_94, %dma_start3A_95] : memref<80x128xi32, #tpu.memory_space<vmem>> -> memref<1x128xi32, #tpu.memory_space<vmem>>
          %dma_start3A_97 = tpu.memref_squeeze %dma_start3A_96 : memref<1x128xi32, #tpu.memory_space<vmem>> -> memref<128xi32, #tpu.memory_space<vmem>>
          %dma_start3A_98 = arith.constant 0 : i32
          %dma_start3A_99 = arith.constant 0 : i32
          %dma_start3A_100 = tpu.memref_slice %arg11[%dma_start3A_98, %dma_start3A_99] : memref<10240x128xf32, #tpu.memory_space<vmem_shared>> -> memref<10240x128xf32, #tpu.memory_space<vmem_shared>>
          tpu.enqueue_indirect_dma source(%arg10 : memref<128x128xf32, #tpu.memory_space<vmem>>) target(%dma_start3A_100 : memref<10240x128xf32, #tpu.memory_space<vmem_shared>>) offsets(%dma_start3A_97 : memref<128xi32, #tpu.memory_space<vmem>>) semaphore(%run_scoped3A : memref<!tpu.dma_semaphore, #tpu.memory_space<semaphore_mem>>) {add = true}
          %dma_wait3A_101 = arith.constant 0 : i32
          %dma_wait3A_102 = tpu.memref_slice %arg8[%add3A_94, %dma_wait3A_101] : memref<80x128xi32, #tpu.memory_space<vmem>> -> memref<1x128xi32, #tpu.memory_space<vmem>>
          %dma_wait3A_103 = tpu.memref_squeeze %dma_wait3A_102 : memref<1x128xi32, #tpu.memory_space<vmem>> -> memref<128xi32, #tpu.memory_space<vmem>>
          %dma_wait3A_104 = arith.constant 0 : i32
          %dma_wait3A_105 = arith.constant 0 : i32
          %dma_wait3A_106 = tpu.memref_slice %arg11[%dma_wait3A_104, %dma_wait3A_105] : memref<10240x128xf32, #tpu.memory_space<vmem_shared>> -> memref<10240x128xf32, #tpu.memory_space<vmem_shared>>
          tpu.wait_indirect_dma semaphore(%run_scoped3A : memref<!tpu.dma_semaphore, #tpu.memory_space<semaphore_mem>>) src(%arg10 : memref<128x128xf32, #tpu.memory_space<vmem>>) dst(%dma_wait3A_106 : memref<10240x128xf32, #tpu.memory_space<vmem_shared>>)
          tpu.yield
        }) : () -> ()
      }
      %scan3A_31 = arith.constant 7 : i32
      %dma_start3A_32 = arith.constant 15 : i32
      %dma_start3A_33 = arith.constant 0 : i32
      %dma_start3A_34 = tpu.memref_slice %arg7[%dma_start3A_32, %dma_start3A_33] : memref<16x128xi32, #tpu.memory_space<vmem>> -> memref<1x128xi32, #tpu.memory_space<vmem>>
      %dma_start3A_35 = tpu.memref_squeeze %dma_start3A_34 : memref<1x128xi32, #tpu.memory_space<vmem>> -> memref<128xi32, #tpu.memory_space<vmem>>
      %dma_start3A_36 = arith.constant 0 : i32
      %dma_start3A_37 = arith.constant 0 : i32
      %dma_start3A_38 = tpu.memref_slice %arg2[%dma_start3A_36, %dma_start3A_37] : memref<10240x128xf32, #tpu.memory_space<hbm>> -> memref<10240x128xf32, #tpu.memory_space<hbm>>
      tpu.enqueue_indirect_dma source(%dma_start3A_38 : memref<10240x128xf32, #tpu.memory_space<hbm>>) target(%arg10 : memref<128x128xf32, #tpu.memory_space<vmem>>) offsets(%dma_start3A_35 : memref<128xi32, #tpu.memory_space<vmem>>) semaphore(%arg13 : memref<!tpu.dma_semaphore, #tpu.memory_space<semaphore_mem>>)
      %dma_wait3A = arith.constant 0 : i32
      %dma_wait3A_39 = arith.constant 0 : i32
      %dma_wait3A_40 = tpu.memref_slice %arg7[%dma_wait3A, %dma_wait3A_39] : memref<16x128xi32, #tpu.memory_space<vmem>> -> memref<1x128xi32, #tpu.memory_space<vmem>>
      %dma_wait3A_41 = tpu.memref_squeeze %dma_wait3A_40 : memref<1x128xi32, #tpu.memory_space<vmem>> -> memref<128xi32, #tpu.memory_space<vmem>>
      %dma_wait3A_42 = arith.constant 0 : i32
      %dma_wait3A_43 = arith.constant 0 : i32
      %dma_wait3A_44 = tpu.memref_slice %arg2[%dma_wait3A_42, %dma_wait3A_43] : memref<10240x128xf32, #tpu.memory_space<hbm>> -> memref<10240x128xf32, #tpu.memory_space<hbm>>
      tpu.wait_indirect_dma semaphore(%arg12 : memref<!tpu.dma_semaphore, #tpu.memory_space<semaphore_mem>>) src(%dma_wait3A_44 : memref<10240x128xf32, #tpu.memory_space<hbm>>) dst(%arg9 : memref<128x128xf32, #tpu.memory_space<vmem>>)
      %add3A_45 = arith.constant 14 : i32
      %add3A_46 = arith.addi %mul3A_16, %add3A_45 : i32
      "tpu.region"() ({
        %run_scoped3A = tpu.sem_alloc : memref<!tpu.dma_semaphore, #tpu.memory_space<semaphore_mem>>
        %dma_start3A_58 = arith.constant 0 : i32
        %dma_start3A_59 = tpu.memref_slice %arg8[%add3A_46, %dma_start3A_58] : memref<80x128xi32, #tpu.memory_space<vmem>> -> memref<1x128xi32, #tpu.memory_space<vmem>>
        %dma_start3A_60 = tpu.memref_squeeze %dma_start3A_59 : memref<1x128xi32, #tpu.memory_space<vmem>> -> memref<128xi32, #tpu.memory_space<vmem>>
        %dma_start3A_61 = arith.constant 0 : i32
        %dma_start3A_62 = arith.constant 0 : i32
        %dma_start3A_63 = tpu.memref_slice %arg11[%dma_start3A_61, %dma_start3A_62] : memref<10240x128xf32, #tpu.memory_space<vmem_shared>> -> memref<10240x128xf32, #tpu.memory_space<vmem_shared>>
        tpu.enqueue_indirect_dma source(%arg9 : memref<128x128xf32, #tpu.memory_space<vmem>>) target(%dma_start3A_63 : memref<10240x128xf32, #tpu.memory_space<vmem_shared>>) offsets(%dma_start3A_60 : memref<128xi32, #tpu.memory_space<vmem>>) semaphore(%run_scoped3A : memref<!tpu.dma_semaphore, #tpu.memory_space<semaphore_mem>>) {add = true}
        %dma_wait3A_64 = arith.constant 0 : i32
        %dma_wait3A_65 = tpu.memref_slice %arg8[%add3A_46, %dma_wait3A_64] : memref<80x128xi32, #tpu.memory_space<vmem>> -> memref<1x128xi32, #tpu.memory_space<vmem>>
        %dma_wait3A_66 = tpu.memref_squeeze %dma_wait3A_65 : memref<1x128xi32, #tpu.memory_space<vmem>> -> memref<128xi32, #tpu.memory_space<vmem>>
        %dma_wait3A_67 = arith.constant 0 : i32
        %dma_wait3A_68 = arith.constant 0 : i32
        %dma_wait3A_69 = tpu.memref_slice %arg11[%dma_wait3A_67, %dma_wait3A_68] : memref<10240x128xf32, #tpu.memory_space<vmem_shared>> -> memref<10240x128xf32, #tpu.memory_space<vmem_shared>>
        tpu.wait_indirect_dma semaphore(%run_scoped3A : memref<!tpu.dma_semaphore, #tpu.memory_space<semaphore_mem>>) src(%arg9 : memref<128x128xf32, #tpu.memory_space<vmem>>) dst(%dma_wait3A_69 : memref<10240x128xf32, #tpu.memory_space<vmem_shared>>)
        tpu.yield
      }) : () -> ()
      %dma_wait3A_47 = arith.constant 0 : i32
      %dma_wait3A_48 = arith.constant 0 : i32
      %dma_wait3A_49 = tpu.memref_slice %arg7[%dma_wait3A_47, %dma_wait3A_48] : memref<16x128xi32, #tpu.memory_space<vmem>> -> memref<1x128xi32, #tpu.memory_space<vmem>>
      %dma_wait3A_50 = tpu.memref_squeeze %dma_wait3A_49 : memref<1x128xi32, #tpu.memory_space<vmem>> -> memref<128xi32, #tpu.memory_space<vmem>>
      %dma_wait3A_51 = arith.constant 0 : i32
      %dma_wait3A_52 = arith.constant 0 : i32
      %dma_wait3A_53 = tpu.memref_slice %arg2[%dma_wait3A_51, %dma_wait3A_52] : memref<10240x128xf32, #tpu.memory_space<hbm>> -> memref<10240x128xf32, #tpu.memory_space<hbm>>
      tpu.wait_indirect_dma semaphore(%arg13 : memref<!tpu.dma_semaphore, #tpu.memory_space<semaphore_mem>>) src(%dma_wait3A_53 : memref<10240x128xf32, #tpu.memory_space<hbm>>) dst(%arg10 : memref<128x128xf32, #tpu.memory_space<vmem>>)
      %add3A_54 = arith.constant 14 : i32
      %add3A_55 = arith.addi %mul3A_16, %add3A_54 : i32
      %add3A_56 = arith.constant 1 : i32
      %add3A_57 = arith.addi %add3A_55, %add3A_56 : i32
      "tpu.region"() ({
        %run_scoped3A = tpu.sem_alloc : memref<!tpu.dma_semaphore, #tpu.memory_space<semaphore_mem>>
        %dma_start3A_58 = arith.constant 0 : i32
        %dma_start3A_59 = tpu.memref_slice %arg8[%add3A_57, %dma_start3A_58] : memref<80x128xi32, #tpu.memory_space<vmem>> -> memref<1x128xi32, #tpu.memory_space<vmem>>
        %dma_start3A_60 = tpu.memref_squeeze %dma_start3A_59 : memref<1x128xi32, #tpu.memory_space<vmem>> -> memref<128xi32, #tpu.memory_space<vmem>>
        %dma_start3A_61 = arith.constant 0 : i32
        %dma_start3A_62 = arith.constant 0 : i32
        %dma_start3A_63 = tpu.memref_slice %arg11[%dma_start3A_61, %dma_start3A_62] : memref<10240x128xf32, #tpu.memory_space<vmem_shared>> -> memref<10240x128xf32, #tpu.memory_space<vmem_shared>>
        tpu.enqueue_indirect_dma source(%arg10 : memref<128x128xf32, #tpu.memory_space<vmem>>) target(%dma_start3A_63 : memref<10240x128xf32, #tpu.memory_space<vmem_shared>>) offsets(%dma_start3A_60 : memref<128xi32, #tpu.memory_space<vmem>>) semaphore(%run_scoped3A : memref<!tpu.dma_semaphore, #tpu.memory_space<semaphore_mem>>) {add = true}
        %dma_wait3A_64 = arith.constant 0 : i32
        %dma_wait3A_65 = tpu.memref_slice %arg8[%add3A_57, %dma_wait3A_64] : memref<80x128xi32, #tpu.memory_space<vmem>> -> memref<1x128xi32, #tpu.memory_space<vmem>>
        %dma_wait3A_66 = tpu.memref_squeeze %dma_wait3A_65 : memref<1x128xi32, #tpu.memory_space<vmem>> -> memref<128xi32, #tpu.memory_space<vmem>>
        %dma_wait3A_67 = arith.constant 0 : i32
        %dma_wait3A_68 = arith.constant 0 : i32
        %dma_wait3A_69 = tpu.memref_slice %arg11[%dma_wait3A_67, %dma_wait3A_68] : memref<10240x128xf32, #tpu.memory_space<vmem_shared>> -> memref<10240x128xf32, #tpu.memory_space<vmem_shared>>
        tpu.wait_indirect_dma semaphore(%run_scoped3A : memref<!tpu.dma_semaphore, #tpu.memory_space<semaphore_mem>>) src(%arg10 : memref<128x128xf32, #tpu.memory_space<vmem>>) dst(%dma_wait3A_69 : memref<10240x128xf32, #tpu.memory_space<vmem_shared>>)
        tpu.yield
      }) : () -> ()
    }
    %scan3A_9 = arith.constant 5 : i32
    %barrier3A_10 = arith.constant 0 : index
    tpu.barrier barrier_id(%barrier3A_10)
    %mul3A_11 = arith.constant 10240 : i32
    %mul3A_12 = arith.muli %arg0, %mul3A_11 : i32
    %add3A_13 = arith.addi %mul3A_12, %mul3A_2 : i32
    "tpu.region"() ({
      %run_scoped3A = tpu.sem_alloc : memref<!tpu.dma_semaphore, #tpu.memory_space<semaphore_mem>>
      %dma_start3A = arith.constant 0 : i32
      %dma_start3A_14 = tpu.memref_slice %arg6[%add3A_13, %dma_start3A] : memref<20480x128xf32, #tpu.memory_space<hbm>> -> memref<640x128xf32, #tpu.memory_space<hbm>>
      %dma_start3A_15 = arith.constant 0 : i32
      %dma_start3A_16 = tpu.memref_slice %arg11[%mul3A_2, %dma_start3A_15] : memref<10240x128xf32, #tpu.memory_space<vmem_shared>> -> memref<640x128xf32, #tpu.memory_space<vmem_shared>>
      tpu.enqueue_dma source(%dma_start3A_16 : memref<640x128xf32, #tpu.memory_space<vmem_shared>>) target(%dma_start3A_14 : memref<640x128xf32, #tpu.memory_space<hbm>>) target_semaphore(%run_scoped3A : memref<!tpu.dma_semaphore, #tpu.memory_space<semaphore_mem>>)
      %dma_wait3A = arith.constant 0 : i32
      %dma_wait3A_17 = tpu.memref_slice %arg6[%add3A_13, %dma_wait3A] : memref<20480x128xf32, #tpu.memory_space<hbm>> -> memref<640x128xf32, #tpu.memory_space<hbm>>
      %dma_wait3A_18 = arith.constant 0 : i32
      %dma_wait3A_19 = tpu.memref_slice %arg11[%mul3A_2, %dma_wait3A_18] : memref<10240x128xf32, #tpu.memory_space<vmem_shared>> -> memref<640x128xf32, #tpu.memory_space<vmem_shared>>
      tpu.wait_dma2 semaphore(%run_scoped3A : memref<!tpu.dma_semaphore, #tpu.memory_space<semaphore_mem>>) src(%dma_wait3A_19 : memref<640x128xf32, #tpu.memory_space<vmem_shared>>) dst(%dma_wait3A_17 : memref<640x128xf32, #tpu.memory_space<hbm>>)
      tpu.yield
    }) : () -> ()
    return
  }
}

#map = affine_map<(d0, d1) -> (0, 0)>
module attributes {stable_mosaic.version = 14 : i64} {
  func.func @_spmm_body(%arg0: i32, %arg1: i32, %arg2: memref<10240x128xf32, #tpu.memory_space<hbm>>, %arg3: memref<2560x128xi32, #tpu.memory_space<hbm>>, %arg4: memref<2560x128xi32, #tpu.memory_space<hbm>>, %arg5: memref<10240x128xf32, #tpu.memory_space<hbm>>, %arg6: memref<20480x128xf32, #tpu.memory_space<hbm>>, %arg7: memref<16x128xi32, #tpu.memory_space<vmem>>, %arg8: memref<80x128xi32, #tpu.memory_space<vmem>>, %arg9: memref<128x128xf32, #tpu.memory_space<vmem>>, %arg10: memref<128x128xf32, #tpu.memory_space<vmem>>, %arg11: memref<10240x128xf32, #tpu.memory_space<vmem_shared>>, %arg12: memref<!tpu.dma_semaphore, #tpu.memory_space<semaphore_mem>>, %arg13: memref<!tpu.dma_semaphore, #tpu.memory_space<semaphore_mem>>) attributes {dimension_semantics = [#tpu.dimension_semantics<core_parallel>, #tpu.dimension_semantics<subcore_parallel>], iteration_bounds = array<i64: 2, 16>, scalar_prefetch = 0 : i64, scratch_operands = 7 : i64, tpu.core_type = #tpu.core_type<sc_vector_subcore>, window_params = [{transform_indices = #map}, {transform_indices = #map}, {transform_indices = #map}, {transform_indices = #map}, {transform_indices = #map}]} {
    %mul3A = arith.constant 2 : i32
    %mul3A_0 = arith.muli %arg1, %mul3A : i32
    %add3A = arith.addi %mul3A_0, %arg0 : i32
    %mul3A_1 = arith.constant 640 : i32
    %mul3A_2 = arith.muli %arg1, %mul3A_1 : i32
    "tpu.region"() ({
      %run_scoped3A = tpu.sem_alloc : memref<!tpu.dma_semaphore, #tpu.memory_space<semaphore_mem>>
      %dma_start3A = arith.constant 0 : i32
      %dma_start3A_14 = tpu.memref_slice %arg11[%mul3A_2, %dma_start3A] : memref<10240x128xf32, #tpu.memory_space<vmem_shared>> -> memref<640x128xf32, #tpu.memory_space<vmem_shared>>
      %dma_start3A_15 = arith.constant 0 : i32
      %dma_start3A_16 = tpu.memref_slice %arg5[%mul3A_2, %dma_start3A_15] : memref<10240x128xf32, #tpu.memory_space<hbm>> -> memref<640x128xf32, #tpu.memory_space<hbm>>
      tpu.enqueue_dma source(%dma_start3A_16 : memref<640x128xf32, #tpu.memory_space<hbm>>) target(%dma_start3A_14 : memref<640x128xf32, #tpu.memory_space<vmem_shared>>) target_semaphore(%run_scoped3A : memref<!tpu.dma_semaphore, #tpu.memory_space<semaphore_mem>>)
      %dma_wait3A = arith.constant 0 : i32
      %dma_wait3A_17 = tpu.memref_slice %arg11[%mul3A_2, %dma_wait3A] : memref<10240x128xf32, #tpu.memory_space<vmem_shared>> -> memref<640x128xf32, #tpu.memory_space<vmem_shared>>
      %dma_wait3A_18 = arith.constant 0 : i32
      %dma_wait3A_19 = tpu.memref_slice %arg5[%mul3A_2, %dma_wait3A_18] : memref<10240x128xf32, #tpu.memory_space<hbm>> -> memref<640x128xf32, #tpu.memory_space<hbm>>
      tpu.wait_dma2 semaphore(%run_scoped3A : memref<!tpu.dma_semaphore, #tpu.memory_space<semaphore_mem>>) src(%dma_wait3A_19 : memref<640x128xf32, #tpu.memory_space<hbm>>) dst(%dma_wait3A_17 : memref<640x128xf32, #tpu.memory_space<vmem_shared>>)
      tpu.yield
    }) : () -> ()
    %mul3A_3 = arith.constant 80 : i32
    %mul3A_4 = arith.muli %add3A, %mul3A_3 : i32
    "tpu.region"() ({
      %run_scoped3A = tpu.sem_alloc : memref<!tpu.dma_semaphore, #tpu.memory_space<semaphore_mem>>
      %dma_start3A = arith.constant 0 : i32
      %dma_start3A_14 = tpu.memref_slice %arg4[%mul3A_4, %dma_start3A] : memref<2560x128xi32, #tpu.memory_space<hbm>> -> memref<80x128xi32, #tpu.memory_space<hbm>>
      %dma_start3A_15 = arith.constant 0 : i32
      %dma_start3A_16 = tpu.memref_slice %arg4[%mul3A_4, %dma_start3A_15] : memref<2560x128xi32, #tpu.memory_space<hbm>> -> memref<80x128xi32, #tpu.memory_space<hbm>>
      tpu.enqueue_dma source(%dma_start3A_16 : memref<80x128xi32, #tpu.memory_space<hbm>>) target(%arg8 : memref<80x128xi32, #tpu.memory_space<vmem>>) target_semaphore(%run_scoped3A : memref<!tpu.dma_semaphore, #tpu.memory_space<semaphore_mem>>)
      %dma_wait3A = arith.constant 0 : i32
      %dma_wait3A_17 = tpu.memref_slice %arg4[%mul3A_4, %dma_wait3A] : memref<2560x128xi32, #tpu.memory_space<hbm>> -> memref<80x128xi32, #tpu.memory_space<hbm>>
      %dma_wait3A_18 = arith.constant 0 : i32
      %dma_wait3A_19 = tpu.memref_slice %arg4[%mul3A_4, %dma_wait3A_18] : memref<2560x128xi32, #tpu.memory_space<hbm>> -> memref<80x128xi32, #tpu.memory_space<hbm>>
      tpu.wait_dma2 semaphore(%run_scoped3A : memref<!tpu.dma_semaphore, #tpu.memory_space<semaphore_mem>>) src(%dma_wait3A_19 : memref<80x128xi32, #tpu.memory_space<hbm>>) dst(%arg8 : memref<80x128xi32, #tpu.memory_space<vmem>>)
      tpu.yield
    }) : () -> ()
    %barrier3A = arith.constant 0 : index
    tpu.barrier barrier_id(%barrier3A)
    %scan3A = arith.constant 0 : i32
    %scan3A_5 = arith.constant 0 : i32
    %scan3A_6 = arith.constant 5 : i32
    %scan3A_7 = arith.addi %scan3A_5, %scan3A_6 : i32
    %scan3A_8 = arith.constant 1 : i32
    scf.for %scan3A_14 = %scan3A_5 to %scan3A_7 step %scan3A_8  : i32 {
      %mul3A_15 = arith.constant 16 : i32
      %mul3A_16 = arith.muli %scan3A_14, %mul3A_15 : i32
      %mul3A_17 = arith.constant 80 : i32
      %mul3A_18 = arith.muli %add3A, %mul3A_17 : i32
      %add3A_19 = arith.addi %mul3A_18, %mul3A_16 : i32
      "tpu.region"() ({
        %run_scoped3A = tpu.sem_alloc : memref<!tpu.dma_semaphore, #tpu.memory_space<semaphore_mem>>
        %dma_start3A_58 = arith.constant 0 : i32
        %dma_start3A_59 = tpu.memref_slice %arg3[%add3A_19, %dma_start3A_58] : memref<2560x128xi32, #tpu.memory_space<hbm>> -> memref<16x128xi32, #tpu.memory_space<hbm>>
        %dma_start3A_60 = arith.constant 0 : i32
        %dma_start3A_61 = tpu.memref_slice %arg3[%add3A_19, %dma_start3A_60] : memref<2560x128xi32, #tpu.memory_space<hbm>> -> memref<16x128xi32, #tpu.memory_space<hbm>>
        tpu.enqueue_dma source(%dma_start3A_61 : memref<16x128xi32, #tpu.memory_space<hbm>>) target(%arg7 : memref<16x128xi32, #tpu.memory_space<vmem>>) target_semaphore(%run_scoped3A : memref<!tpu.dma_semaphore, #tpu.memory_space<semaphore_mem>>)
        %dma_wait3A_62 = arith.constant 0 : i32
        %dma_wait3A_63 = tpu.memref_slice %arg3[%add3A_19, %dma_wait3A_62] : memref<2560x128xi32, #tpu.memory_space<hbm>> -> memref<16x128xi32, #tpu.memory_space<hbm>>
        %dma_wait3A_64 = arith.constant 0 : i32
        %dma_wait3A_65 = tpu.memref_slice %arg3[%add3A_19, %dma_wait3A_64] : memref<2560x128xi32, #tpu.memory_space<hbm>> -> memref<16x128xi32, #tpu.memory_space<hbm>>
        tpu.wait_dma2 semaphore(%run_scoped3A : memref<!tpu.dma_semaphore, #tpu.memory_space<semaphore_mem>>) src(%dma_wait3A_65 : memref<16x128xi32, #tpu.memory_space<hbm>>) dst(%arg7 : memref<16x128xi32, #tpu.memory_space<vmem>>)
        tpu.yield
      }) : () -> ()
      %dma_start3A = arith.constant 0 : i32
      %dma_start3A_20 = arith.constant 0 : i32
      %dma_start3A_21 = tpu.memref_slice %arg7[%dma_start3A, %dma_start3A_20] : memref<16x128xi32, #tpu.memory_space<vmem>> -> memref<1x128xi32, #tpu.memory_space<vmem>>
      %dma_start3A_22 = tpu.memref_squeeze %dma_start3A_21 : memref<1x128xi32, #tpu.memory_space<vmem>> -> memref<128xi32, #tpu.memory_space<vmem>>
      %dma_start3A_23 = arith.constant 0 : i32
      %dma_start3A_24 = arith.constant 0 : i32
      %dma_start3A_25 = tpu.memref_slice %arg2[%dma_start3A_23, %dma_start3A_24] : memref<10240x128xf32, #tpu.memory_space<hbm>> -> memref<10240x128xf32, #tpu.memory_space<hbm>>
      tpu.enqueue_indirect_dma source(%dma_start3A_25 : memref<10240x128xf32, #tpu.memory_space<hbm>>) target(%arg9 : memref<128x128xf32, #tpu.memory_space<vmem>>) offsets(%dma_start3A_22 : memref<128xi32, #tpu.memory_space<vmem>>) semaphore(%arg12 : memref<!tpu.dma_semaphore, #tpu.memory_space<semaphore_mem>>)
      %scan3A_26 = arith.constant 0 : i32
      %scan3A_27 = arith.constant 0 : i32
      %scan3A_28 = arith.constant 7 : i32
      %scan3A_29 = arith.addi %scan3A_27, %scan3A_28 : i32
      %scan3A_30 = arith.constant 1 : i32
      scf.for %scan3A_58 = %scan3A_27 to %scan3A_29 step %scan3A_30  : i32 {
        %mul3A_59 = arith.constant 2 : i32
        %mul3A_60 = arith.muli %mul3A_59, %scan3A_58 : i32
        %add3A_61 = arith.constant 1 : i32
        %add3A_62 = arith.addi %mul3A_60, %add3A_61 : i32
        %dma_start3A_63 = arith.constant 0 : i32
        %dma_start3A_64 = tpu.memref_slice %arg7[%add3A_62, %dma_start3A_63] : memref<16x128xi32, #tpu.memory_space<vmem>> -> memref<1x128xi32, #tpu.memory_space<vmem>>
        %dma_start3A_65 = tpu.memref_squeeze %dma_start3A_64 : memref<1x128xi32, #tpu.memory_space<vmem>> -> memref<128xi32, #tpu.memory_space<vmem>>
        %dma_start3A_66 = arith.constant 0 : i32
        %dma_start3A_67 = arith.constant 0 : i32
        %dma_start3A_68 = tpu.memref_slice %arg2[%dma_start3A_66, %dma_start3A_67] : memref<10240x128xf32, #tpu.memory_space<hbm>> -> memref<10240x128xf32, #tpu.memory_space<hbm>>
        tpu.enqueue_indirect_dma source(%dma_start3A_68 : memref<10240x128xf32, #tpu.memory_space<hbm>>) target(%arg10 : memref<128x128xf32, #tpu.memory_space<vmem>>) offsets(%dma_start3A_65 : memref<128xi32, #tpu.memory_space<vmem>>) semaphore(%arg13 : memref<!tpu.dma_semaphore, #tpu.memory_space<semaphore_mem>>)
        %dma_wait3A_69 = arith.constant 0 : i32
        %dma_wait3A_70 = arith.constant 0 : i32
        %dma_wait3A_71 = tpu.memref_slice %arg7[%dma_wait3A_69, %dma_wait3A_70] : memref<16x128xi32, #tpu.memory_space<vmem>> -> memref<1x128xi32, #tpu.memory_space<vmem>>
        %dma_wait3A_72 = tpu.memref_squeeze %dma_wait3A_71 : memref<1x128xi32, #tpu.memory_space<vmem>> -> memref<128xi32, #tpu.memory_space<vmem>>
        %dma_wait3A_73 = arith.constant 0 : i32
        %dma_wait3A_74 = arith.constant 0 : i32
        %dma_wait3A_75 = tpu.memref_slice %arg2[%dma_wait3A_73, %dma_wait3A_74] : memref<10240x128xf32, #tpu.memory_space<hbm>> -> memref<10240x128xf32, #tpu.memory_space<hbm>>
        tpu.wait_indirect_dma semaphore(%arg12 : memref<!tpu.dma_semaphore, #tpu.memory_space<semaphore_mem>>) src(%dma_wait3A_75 : memref<10240x128xf32, #tpu.memory_space<hbm>>) dst(%arg9 : memref<128x128xf32, #tpu.memory_space<vmem>>)
        %add3A_76 = arith.addi %mul3A_16, %mul3A_60 : i32
        "tpu.region"() ({
          %run_scoped3A = tpu.sem_alloc : memref<!tpu.dma_semaphore, #tpu.memory_space<semaphore_mem>>
          %dma_start3A_95 = arith.constant 0 : i32
          %dma_start3A_96 = tpu.memref_slice %arg8[%add3A_76, %dma_start3A_95] : memref<80x128xi32, #tpu.memory_space<vmem>> -> memref<1x128xi32, #tpu.memory_space<vmem>>
          %dma_start3A_97 = tpu.memref_squeeze %dma_start3A_96 : memref<1x128xi32, #tpu.memory_space<vmem>> -> memref<128xi32, #tpu.memory_space<vmem>>
          %dma_start3A_98 = arith.constant 0 : i32
          %dma_start3A_99 = arith.constant 0 : i32
          %dma_start3A_100 = tpu.memref_slice %arg11[%dma_start3A_98, %dma_start3A_99] : memref<10240x128xf32, #tpu.memory_space<vmem_shared>> -> memref<10240x128xf32, #tpu.memory_space<vmem_shared>>
          tpu.enqueue_indirect_dma source(%arg9 : memref<128x128xf32, #tpu.memory_space<vmem>>) target(%dma_start3A_100 : memref<10240x128xf32, #tpu.memory_space<vmem_shared>>) offsets(%dma_start3A_97 : memref<128xi32, #tpu.memory_space<vmem>>) semaphore(%run_scoped3A : memref<!tpu.dma_semaphore, #tpu.memory_space<semaphore_mem>>) {add = true}
          %dma_wait3A_101 = arith.constant 0 : i32
          %dma_wait3A_102 = tpu.memref_slice %arg8[%add3A_76, %dma_wait3A_101] : memref<80x128xi32, #tpu.memory_space<vmem>> -> memref<1x128xi32, #tpu.memory_space<vmem>>
          %dma_wait3A_103 = tpu.memref_squeeze %dma_wait3A_102 : memref<1x128xi32, #tpu.memory_space<vmem>> -> memref<128xi32, #tpu.memory_space<vmem>>
          %dma_wait3A_104 = arith.constant 0 : i32
          %dma_wait3A_105 = arith.constant 0 : i32
          %dma_wait3A_106 = tpu.memref_slice %arg11[%dma_wait3A_104, %dma_wait3A_105] : memref<10240x128xf32, #tpu.memory_space<vmem_shared>> -> memref<10240x128xf32, #tpu.memory_space<vmem_shared>>
          tpu.wait_indirect_dma semaphore(%run_scoped3A : memref<!tpu.dma_semaphore, #tpu.memory_space<semaphore_mem>>) src(%arg9 : memref<128x128xf32, #tpu.memory_space<vmem>>) dst(%dma_wait3A_106 : memref<10240x128xf32, #tpu.memory_space<vmem_shared>>)
          tpu.yield
        }) : () -> ()
        %add3A_77 = arith.constant 2 : i32
        %add3A_78 = arith.addi %mul3A_60, %add3A_77 : i32
        %dma_start3A_79 = arith.constant 0 : i32
        %dma_start3A_80 = tpu.memref_slice %arg7[%add3A_78, %dma_start3A_79] : memref<16x128xi32, #tpu.memory_space<vmem>> -> memref<1x128xi32, #tpu.memory_space<vmem>>
        %dma_start3A_81 = tpu.memref_squeeze %dma_start3A_80 : memref<1x128xi32, #tpu.memory_space<vmem>> -> memref<128xi32, #tpu.memory_space<vmem>>
        %dma_start3A_82 = arith.constant 0 : i32
        %dma_start3A_83 = arith.constant 0 : i32
        %dma_start3A_84 = tpu.memref_slice %arg2[%dma_start3A_82, %dma_start3A_83] : memref<10240x128xf32, #tpu.memory_space<hbm>> -> memref<10240x128xf32, #tpu.memory_space<hbm>>
        tpu.enqueue_indirect_dma source(%dma_start3A_84 : memref<10240x128xf32, #tpu.memory_space<hbm>>) target(%arg9 : memref<128x128xf32, #tpu.memory_space<vmem>>) offsets(%dma_start3A_81 : memref<128xi32, #tpu.memory_space<vmem>>) semaphore(%arg12 : memref<!tpu.dma_semaphore, #tpu.memory_space<semaphore_mem>>)
        %dma_wait3A_85 = arith.constant 0 : i32
        %dma_wait3A_86 = arith.constant 0 : i32
        %dma_wait3A_87 = tpu.memref_slice %arg7[%dma_wait3A_85, %dma_wait3A_86] : memref<16x128xi32, #tpu.memory_space<vmem>> -> memref<1x128xi32, #tpu.memory_space<vmem>>
        %dma_wait3A_88 = tpu.memref_squeeze %dma_wait3A_87 : memref<1x128xi32, #tpu.memory_space<vmem>> -> memref<128xi32, #tpu.memory_space<vmem>>
        %dma_wait3A_89 = arith.constant 0 : i32
        %dma_wait3A_90 = arith.constant 0 : i32
        %dma_wait3A_91 = tpu.memref_slice %arg2[%dma_wait3A_89, %dma_wait3A_90] : memref<10240x128xf32, #tpu.memory_space<hbm>> -> memref<10240x128xf32, #tpu.memory_space<hbm>>
        tpu.wait_indirect_dma semaphore(%arg13 : memref<!tpu.dma_semaphore, #tpu.memory_space<semaphore_mem>>) src(%dma_wait3A_91 : memref<10240x128xf32, #tpu.memory_space<hbm>>) dst(%arg10 : memref<128x128xf32, #tpu.memory_space<vmem>>)
        %add3A_92 = arith.addi %mul3A_16, %mul3A_60 : i32
        %add3A_93 = arith.constant 1 : i32
        %add3A_94 = arith.addi %add3A_92, %add3A_93 : i32
        "tpu.region"() ({
          %run_scoped3A = tpu.sem_alloc : memref<!tpu.dma_semaphore, #tpu.memory_space<semaphore_mem>>
          %dma_start3A_95 = arith.constant 0 : i32
          %dma_start3A_96 = tpu.memref_slice %arg8[%add3A_94, %dma_start3A_95] : memref<80x128xi32, #tpu.memory_space<vmem>> -> memref<1x128xi32, #tpu.memory_space<vmem>>
          %dma_start3A_97 = tpu.memref_squeeze %dma_start3A_96 : memref<1x128xi32, #tpu.memory_space<vmem>> -> memref<128xi32, #tpu.memory_space<vmem>>
          %dma_start3A_98 = arith.constant 0 : i32
          %dma_start3A_99 = arith.constant 0 : i32
          %dma_start3A_100 = tpu.memref_slice %arg11[%dma_start3A_98, %dma_start3A_99] : memref<10240x128xf32, #tpu.memory_space<vmem_shared>> -> memref<10240x128xf32, #tpu.memory_space<vmem_shared>>
          tpu.enqueue_indirect_dma source(%arg10 : memref<128x128xf32, #tpu.memory_space<vmem>>) target(%dma_start3A_100 : memref<10240x128xf32, #tpu.memory_space<vmem_shared>>) offsets(%dma_start3A_97 : memref<128xi32, #tpu.memory_space<vmem>>) semaphore(%run_scoped3A : memref<!tpu.dma_semaphore, #tpu.memory_space<semaphore_mem>>) {add = true}
          %dma_wait3A_101 = arith.constant 0 : i32
          %dma_wait3A_102 = tpu.memref_slice %arg8[%add3A_94, %dma_wait3A_101] : memref<80x128xi32, #tpu.memory_space<vmem>> -> memref<1x128xi32, #tpu.memory_space<vmem>>
          %dma_wait3A_103 = tpu.memref_squeeze %dma_wait3A_102 : memref<1x128xi32, #tpu.memory_space<vmem>> -> memref<128xi32, #tpu.memory_space<vmem>>
          %dma_wait3A_104 = arith.constant 0 : i32
          %dma_wait3A_105 = arith.constant 0 : i32
          %dma_wait3A_106 = tpu.memref_slice %arg11[%dma_wait3A_104, %dma_wait3A_105] : memref<10240x128xf32, #tpu.memory_space<vmem_shared>> -> memref<10240x128xf32, #tpu.memory_space<vmem_shared>>
          tpu.wait_indirect_dma semaphore(%run_scoped3A : memref<!tpu.dma_semaphore, #tpu.memory_space<semaphore_mem>>) src(%arg10 : memref<128x128xf32, #tpu.memory_space<vmem>>) dst(%dma_wait3A_106 : memref<10240x128xf32, #tpu.memory_space<vmem_shared>>)
          tpu.yield
        }) : () -> ()
      }
      %scan3A_31 = arith.constant 7 : i32
      %dma_start3A_32 = arith.constant 15 : i32
      %dma_start3A_33 = arith.constant 0 : i32
      %dma_start3A_34 = tpu.memref_slice %arg7[%dma_start3A_32, %dma_start3A_33] : memref<16x128xi32, #tpu.memory_space<vmem>> -> memref<1x128xi32, #tpu.memory_space<vmem>>
      %dma_start3A_35 = tpu.memref_squeeze %dma_start3A_34 : memref<1x128xi32, #tpu.memory_space<vmem>> -> memref<128xi32, #tpu.memory_space<vmem>>
      %dma_start3A_36 = arith.constant 0 : i32
      %dma_start3A_37 = arith.constant 0 : i32
      %dma_start3A_38 = tpu.memref_slice %arg2[%dma_start3A_36, %dma_start3A_37] : memref<10240x128xf32, #tpu.memory_space<hbm>> -> memref<10240x128xf32, #tpu.memory_space<hbm>>
      tpu.enqueue_indirect_dma source(%dma_start3A_38 : memref<10240x128xf32, #tpu.memory_space<hbm>>) target(%arg10 : memref<128x128xf32, #tpu.memory_space<vmem>>) offsets(%dma_start3A_35 : memref<128xi32, #tpu.memory_space<vmem>>) semaphore(%arg13 : memref<!tpu.dma_semaphore, #tpu.memory_space<semaphore_mem>>)
      %dma_wait3A = arith.constant 0 : i32
      %dma_wait3A_39 = arith.constant 0 : i32
      %dma_wait3A_40 = tpu.memref_slice %arg7[%dma_wait3A, %dma_wait3A_39] : memref<16x128xi32, #tpu.memory_space<vmem>> -> memref<1x128xi32, #tpu.memory_space<vmem>>
      %dma_wait3A_41 = tpu.memref_squeeze %dma_wait3A_40 : memref<1x128xi32, #tpu.memory_space<vmem>> -> memref<128xi32, #tpu.memory_space<vmem>>
      %dma_wait3A_42 = arith.constant 0 : i32
      %dma_wait3A_43 = arith.constant 0 : i32
      %dma_wait3A_44 = tpu.memref_slice %arg2[%dma_wait3A_42, %dma_wait3A_43] : memref<10240x128xf32, #tpu.memory_space<hbm>> -> memref<10240x128xf32, #tpu.memory_space<hbm>>
      tpu.wait_indirect_dma semaphore(%arg12 : memref<!tpu.dma_semaphore, #tpu.memory_space<semaphore_mem>>) src(%dma_wait3A_44 : memref<10240x128xf32, #tpu.memory_space<hbm>>) dst(%arg9 : memref<128x128xf32, #tpu.memory_space<vmem>>)
      %add3A_45 = arith.constant 14 : i32
      %add3A_46 = arith.addi %mul3A_16, %add3A_45 : i32
      "tpu.region"() ({
        %run_scoped3A = tpu.sem_alloc : memref<!tpu.dma_semaphore, #tpu.memory_space<semaphore_mem>>
        %dma_start3A_58 = arith.constant 0 : i32
        %dma_start3A_59 = tpu.memref_slice %arg8[%add3A_46, %dma_start3A_58] : memref<80x128xi32, #tpu.memory_space<vmem>> -> memref<1x128xi32, #tpu.memory_space<vmem>>
        %dma_start3A_60 = tpu.memref_squeeze %dma_start3A_59 : memref<1x128xi32, #tpu.memory_space<vmem>> -> memref<128xi32, #tpu.memory_space<vmem>>
        %dma_start3A_61 = arith.constant 0 : i32
        %dma_start3A_62 = arith.constant 0 : i32
        %dma_start3A_63 = tpu.memref_slice %arg11[%dma_start3A_61, %dma_start3A_62] : memref<10240x128xf32, #tpu.memory_space<vmem_shared>> -> memref<10240x128xf32, #tpu.memory_space<vmem_shared>>
        tpu.enqueue_indirect_dma source(%arg9 : memref<128x128xf32, #tpu.memory_space<vmem>>) target(%dma_start3A_63 : memref<10240x128xf32, #tpu.memory_space<vmem_shared>>) offsets(%dma_start3A_60 : memref<128xi32, #tpu.memory_space<vmem>>) semaphore(%run_scoped3A : memref<!tpu.dma_semaphore, #tpu.memory_space<semaphore_mem>>) {add = true}
        %dma_wait3A_64 = arith.constant 0 : i32
        %dma_wait3A_65 = tpu.memref_slice %arg8[%add3A_46, %dma_wait3A_64] : memref<80x128xi32, #tpu.memory_space<vmem>> -> memref<1x128xi32, #tpu.memory_space<vmem>>
        %dma_wait3A_66 = tpu.memref_squeeze %dma_wait3A_65 : memref<1x128xi32, #tpu.memory_space<vmem>> -> memref<128xi32, #tpu.memory_space<vmem>>
        %dma_wait3A_67 = arith.constant 0 : i32
        %dma_wait3A_68 = arith.constant 0 : i32
        %dma_wait3A_69 = tpu.memref_slice %arg11[%dma_wait3A_67, %dma_wait3A_68] : memref<10240x128xf32, #tpu.memory_space<vmem_shared>> -> memref<10240x128xf32, #tpu.memory_space<vmem_shared>>
        tpu.wait_indirect_dma semaphore(%run_scoped3A : memref<!tpu.dma_semaphore, #tpu.memory_space<semaphore_mem>>) src(%arg9 : memref<128x128xf32, #tpu.memory_space<vmem>>) dst(%dma_wait3A_69 : memref<10240x128xf32, #tpu.memory_space<vmem_shared>>)
        tpu.yield
      }) : () -> ()
      %dma_wait3A_47 = arith.constant 0 : i32
      %dma_wait3A_48 = arith.constant 0 : i32
      %dma_wait3A_49 = tpu.memref_slice %arg7[%dma_wait3A_47, %dma_wait3A_48] : memref<16x128xi32, #tpu.memory_space<vmem>> -> memref<1x128xi32, #tpu.memory_space<vmem>>
      %dma_wait3A_50 = tpu.memref_squeeze %dma_wait3A_49 : memref<1x128xi32, #tpu.memory_space<vmem>> -> memref<128xi32, #tpu.memory_space<vmem>>
      %dma_wait3A_51 = arith.constant 0 : i32
      %dma_wait3A_52 = arith.constant 0 : i32
      %dma_wait3A_53 = tpu.memref_slice %arg2[%dma_wait3A_51, %dma_wait3A_52] : memref<10240x128xf32, #tpu.memory_space<hbm>> -> memref<10240x128xf32, #tpu.memory_space<hbm>>
      tpu.wait_indirect_dma semaphore(%arg13 : memref<!tpu.dma_semaphore, #tpu.memory_space<semaphore_mem>>) src(%dma_wait3A_53 : memref<10240x128xf32, #tpu.memory_space<hbm>>) dst(%arg10 : memref<128x128xf32, #tpu.memory_space<vmem>>)
      %add3A_54 = arith.constant 14 : i32
      %add3A_55 = arith.addi %mul3A_16, %add3A_54 : i32
      %add3A_56 = arith.constant 1 : i32
      %add3A_57 = arith.addi %add3A_55, %add3A_56 : i32
      "tpu.region"() ({
        %run_scoped3A = tpu.sem_alloc : memref<!tpu.dma_semaphore, #tpu.memory_space<semaphore_mem>>
        %dma_start3A_58 = arith.constant 0 : i32
        %dma_start3A_59 = tpu.memref_slice %arg8[%add3A_57, %dma_start3A_58] : memref<80x128xi32, #tpu.memory_space<vmem>> -> memref<1x128xi32, #tpu.memory_space<vmem>>
        %dma_start3A_60 = tpu.memref_squeeze %dma_start3A_59 : memref<1x128xi32, #tpu.memory_space<vmem>> -> memref<128xi32, #tpu.memory_space<vmem>>
        %dma_start3A_61 = arith.constant 0 : i32
        %dma_start3A_62 = arith.constant 0 : i32
        %dma_start3A_63 = tpu.memref_slice %arg11[%dma_start3A_61, %dma_start3A_62] : memref<10240x128xf32, #tpu.memory_space<vmem_shared>> -> memref<10240x128xf32, #tpu.memory_space<vmem_shared>>
        tpu.enqueue_indirect_dma source(%arg10 : memref<128x128xf32, #tpu.memory_space<vmem>>) target(%dma_start3A_63 : memref<10240x128xf32, #tpu.memory_space<vmem_shared>>) offsets(%dma_start3A_60 : memref<128xi32, #tpu.memory_space<vmem>>) semaphore(%run_scoped3A : memref<!tpu.dma_semaphore, #tpu.memory_space<semaphore_mem>>) {add = true}
        %dma_wait3A_64 = arith.constant 0 : i32
        %dma_wait3A_65 = tpu.memref_slice %arg8[%add3A_57, %dma_wait3A_64] : memref<80x128xi32, #tpu.memory_space<vmem>> -> memref<1x128xi32, #tpu.memory_space<vmem>>
        %dma_wait3A_66 = tpu.memref_squeeze %dma_wait3A_65 : memref<1x128xi32, #tpu.memory_space<vmem>> -> memref<128xi32, #tpu.memory_space<vmem>>
        %dma_wait3A_67 = arith.constant 0 : i32
        %dma_wait3A_68 = arith.constant 0 : i32
        %dma_wait3A_69 = tpu.memref_slice %arg11[%dma_wait3A_67, %dma_wait3A_68] : memref<10240x128xf32, #tpu.memory_space<vmem_shared>> -> memref<10240x128xf32, #tpu.memory_space<vmem_shared>>
        tpu.wait_indirect_dma semaphore(%run_scoped3A : memref<!tpu.dma_semaphore, #tpu.memory_space<semaphore_mem>>) src(%arg10 : memref<128x128xf32, #tpu.memory_space<vmem>>) dst(%dma_wait3A_69 : memref<10240x128xf32, #tpu.memory_space<vmem_shared>>)
        tpu.yield
      }) : () -> ()
    }
    %scan3A_9 = arith.constant 5 : i32
    %barrier3A_10 = arith.constant 0 : index
    tpu.barrier barrier_id(%barrier3A_10)
    %mul3A_11 = arith.constant 10240 : i32
    %mul3A_12 = arith.muli %arg0, %mul3A_11 : i32
    %add3A_13 = arith.addi %mul3A_12, %mul3A_2 : i32
    "tpu.region"() ({
      %run_scoped3A = tpu.sem_alloc : memref<!tpu.dma_semaphore, #tpu.memory_space<semaphore_mem>>
      %dma_start3A = arith.constant 0 : i32
      %dma_start3A_14 = tpu.memref_slice %arg6[%add3A_13, %dma_start3A] : memref<20480x128xf32, #tpu.memory_space<hbm>> -> memref<640x128xf32, #tpu.memory_space<hbm>>
      %dma_start3A_15 = arith.constant 0 : i32
      %dma_start3A_16 = tpu.memref_slice %arg11[%mul3A_2, %dma_start3A_15] : memref<10240x128xf32, #tpu.memory_space<vmem_shared>> -> memref<640x128xf32, #tpu.memory_space<vmem_shared>>
      tpu.enqueue_dma source(%dma_start3A_16 : memref<640x128xf32, #tpu.memory_space<vmem_shared>>) target(%dma_start3A_14 : memref<640x128xf32, #tpu.memory_space<hbm>>) target_semaphore(%run_scoped3A : memref<!tpu.dma_semaphore, #tpu.memory_space<semaphore_mem>>)
      %dma_wait3A = arith.constant 0 : i32
      %dma_wait3A_17 = tpu.memref_slice %arg6[%add3A_13, %dma_wait3A] : memref<20480x128xf32, #tpu.memory_space<hbm>> -> memref<640x128xf32, #tpu.memory_space<hbm>>
      %dma_wait3A_18 = arith.constant 0 : i32
      %dma_wait3A_19 = tpu.memref_slice %arg11[%mul3A_2, %dma_wait3A_18] : memref<10240x128xf32, #tpu.memory_space<vmem_shared>> -> memref<640x128xf32, #tpu.memory_space<vmem_shared>>
      tpu.wait_dma2 semaphore(%run_scoped3A : memref<!tpu.dma_semaphore, #tpu.memory_space<semaphore_mem>>) src(%dma_wait3A_19 : memref<640x128xf32, #tpu.memory_space<vmem_shared>>) dst(%dma_wait3A_17 : memref<640x128xf32, #tpu.memory_space<hbm>>)
      tpu.yield
    }) : () -> ()
    return
  }
}

#map = affine_map<(d0, d1) -> (0, 0)>
module attributes {stable_mosaic.version = 14 : i64} {
  func.func @_spmm_body(%arg0: i32, %arg1: i32, %arg2: memref<10240x128xf32, #tpu.memory_space<hbm>>, %arg3: memref<2560x128xi32, #tpu.memory_space<hbm>>, %arg4: memref<2560x128xi32, #tpu.memory_space<hbm>>, %arg5: memref<10240x128xf32, #tpu.memory_space<hbm>>, %arg6: memref<20480x128xf32, #tpu.memory_space<hbm>>, %arg7: memref<16x128xi32, #tpu.memory_space<vmem>>, %arg8: memref<80x128xi32, #tpu.memory_space<vmem>>, %arg9: memref<128x128xf32, #tpu.memory_space<vmem>>, %arg10: memref<128x128xf32, #tpu.memory_space<vmem>>, %arg11: memref<10240x128xf32, #tpu.memory_space<vmem_shared>>, %arg12: memref<!tpu.dma_semaphore, #tpu.memory_space<semaphore_mem>>, %arg13: memref<!tpu.dma_semaphore, #tpu.memory_space<semaphore_mem>>) attributes {dimension_semantics = [#tpu.dimension_semantics<core_parallel>, #tpu.dimension_semantics<subcore_parallel>], iteration_bounds = array<i64: 2, 16>, scalar_prefetch = 0 : i64, scratch_operands = 7 : i64, tpu.core_type = #tpu.core_type<sc_vector_subcore>, window_params = [{transform_indices = #map}, {transform_indices = #map}, {transform_indices = #map}, {transform_indices = #map}, {transform_indices = #map}]} {
    %mul3A = arith.constant 2 : i32
    %mul3A_0 = arith.muli %arg1, %mul3A : i32
    %add3A = arith.addi %mul3A_0, %arg0 : i32
    %mul3A_1 = arith.constant 640 : i32
    %mul3A_2 = arith.muli %arg1, %mul3A_1 : i32
    "tpu.region"() ({
      %run_scoped3A = tpu.sem_alloc : memref<!tpu.dma_semaphore, #tpu.memory_space<semaphore_mem>>
      %dma_start3A = arith.constant 0 : i32
      %dma_start3A_14 = tpu.memref_slice %arg11[%mul3A_2, %dma_start3A] : memref<10240x128xf32, #tpu.memory_space<vmem_shared>> -> memref<640x128xf32, #tpu.memory_space<vmem_shared>>
      %dma_start3A_15 = arith.constant 0 : i32
      %dma_start3A_16 = tpu.memref_slice %arg5[%mul3A_2, %dma_start3A_15] : memref<10240x128xf32, #tpu.memory_space<hbm>> -> memref<640x128xf32, #tpu.memory_space<hbm>>
      tpu.enqueue_dma source(%dma_start3A_16 : memref<640x128xf32, #tpu.memory_space<hbm>>) target(%dma_start3A_14 : memref<640x128xf32, #tpu.memory_space<vmem_shared>>) target_semaphore(%run_scoped3A : memref<!tpu.dma_semaphore, #tpu.memory_space<semaphore_mem>>)
      %dma_wait3A = arith.constant 0 : i32
      %dma_wait3A_17 = tpu.memref_slice %arg11[%mul3A_2, %dma_wait3A] : memref<10240x128xf32, #tpu.memory_space<vmem_shared>> -> memref<640x128xf32, #tpu.memory_space<vmem_shared>>
      %dma_wait3A_18 = arith.constant 0 : i32
      %dma_wait3A_19 = tpu.memref_slice %arg5[%mul3A_2, %dma_wait3A_18] : memref<10240x128xf32, #tpu.memory_space<hbm>> -> memref<640x128xf32, #tpu.memory_space<hbm>>
      tpu.wait_dma2 semaphore(%run_scoped3A : memref<!tpu.dma_semaphore, #tpu.memory_space<semaphore_mem>>) src(%dma_wait3A_19 : memref<640x128xf32, #tpu.memory_space<hbm>>) dst(%dma_wait3A_17 : memref<640x128xf32, #tpu.memory_space<vmem_shared>>)
      tpu.yield
    }) : () -> ()
    %mul3A_3 = arith.constant 80 : i32
    %mul3A_4 = arith.muli %add3A, %mul3A_3 : i32
    "tpu.region"() ({
      %run_scoped3A = tpu.sem_alloc : memref<!tpu.dma_semaphore, #tpu.memory_space<semaphore_mem>>
      %dma_start3A = arith.constant 0 : i32
      %dma_start3A_14 = tpu.memref_slice %arg4[%mul3A_4, %dma_start3A] : memref<2560x128xi32, #tpu.memory_space<hbm>> -> memref<80x128xi32, #tpu.memory_space<hbm>>
      %dma_start3A_15 = arith.constant 0 : i32
      %dma_start3A_16 = tpu.memref_slice %arg4[%mul3A_4, %dma_start3A_15] : memref<2560x128xi32, #tpu.memory_space<hbm>> -> memref<80x128xi32, #tpu.memory_space<hbm>>
      tpu.enqueue_dma source(%dma_start3A_16 : memref<80x128xi32, #tpu.memory_space<hbm>>) target(%arg8 : memref<80x128xi32, #tpu.memory_space<vmem>>) target_semaphore(%run_scoped3A : memref<!tpu.dma_semaphore, #tpu.memory_space<semaphore_mem>>)
      %dma_wait3A = arith.constant 0 : i32
      %dma_wait3A_17 = tpu.memref_slice %arg4[%mul3A_4, %dma_wait3A] : memref<2560x128xi32, #tpu.memory_space<hbm>> -> memref<80x128xi32, #tpu.memory_space<hbm>>
      %dma_wait3A_18 = arith.constant 0 : i32
      %dma_wait3A_19 = tpu.memref_slice %arg4[%mul3A_4, %dma_wait3A_18] : memref<2560x128xi32, #tpu.memory_space<hbm>> -> memref<80x128xi32, #tpu.memory_space<hbm>>
      tpu.wait_dma2 semaphore(%run_scoped3A : memref<!tpu.dma_semaphore, #tpu.memory_space<semaphore_mem>>) src(%dma_wait3A_19 : memref<80x128xi32, #tpu.memory_space<hbm>>) dst(%arg8 : memref<80x128xi32, #tpu.memory_space<vmem>>)
      tpu.yield
    }) : () -> ()
    %barrier3A = arith.constant 0 : index
    tpu.barrier barrier_id(%barrier3A)
    %scan3A = arith.constant 0 : i32
    %scan3A_5 = arith.constant 0 : i32
    %scan3A_6 = arith.constant 5 : i32
    %scan3A_7 = arith.addi %scan3A_5, %scan3A_6 : i32
    %scan3A_8 = arith.constant 1 : i32
    scf.for %scan3A_14 = %scan3A_5 to %scan3A_7 step %scan3A_8  : i32 {
      %mul3A_15 = arith.constant 16 : i32
      %mul3A_16 = arith.muli %scan3A_14, %mul3A_15 : i32
      %mul3A_17 = arith.constant 80 : i32
      %mul3A_18 = arith.muli %add3A, %mul3A_17 : i32
      %add3A_19 = arith.addi %mul3A_18, %mul3A_16 : i32
      "tpu.region"() ({
        %run_scoped3A = tpu.sem_alloc : memref<!tpu.dma_semaphore, #tpu.memory_space<semaphore_mem>>
        %dma_start3A_58 = arith.constant 0 : i32
        %dma_start3A_59 = tpu.memref_slice %arg3[%add3A_19, %dma_start3A_58] : memref<2560x128xi32, #tpu.memory_space<hbm>> -> memref<16x128xi32, #tpu.memory_space<hbm>>
        %dma_start3A_60 = arith.constant 0 : i32
        %dma_start3A_61 = tpu.memref_slice %arg3[%add3A_19, %dma_start3A_60] : memref<2560x128xi32, #tpu.memory_space<hbm>> -> memref<16x128xi32, #tpu.memory_space<hbm>>
        tpu.enqueue_dma source(%dma_start3A_61 : memref<16x128xi32, #tpu.memory_space<hbm>>) target(%arg7 : memref<16x128xi32, #tpu.memory_space<vmem>>) target_semaphore(%run_scoped3A : memref<!tpu.dma_semaphore, #tpu.memory_space<semaphore_mem>>)
        %dma_wait3A_62 = arith.constant 0 : i32
        %dma_wait3A_63 = tpu.memref_slice %arg3[%add3A_19, %dma_wait3A_62] : memref<2560x128xi32, #tpu.memory_space<hbm>> -> memref<16x128xi32, #tpu.memory_space<hbm>>
        %dma_wait3A_64 = arith.constant 0 : i32
        %dma_wait3A_65 = tpu.memref_slice %arg3[%add3A_19, %dma_wait3A_64] : memref<2560x128xi32, #tpu.memory_space<hbm>> -> memref<16x128xi32, #tpu.memory_space<hbm>>
        tpu.wait_dma2 semaphore(%run_scoped3A : memref<!tpu.dma_semaphore, #tpu.memory_space<semaphore_mem>>) src(%dma_wait3A_65 : memref<16x128xi32, #tpu.memory_space<hbm>>) dst(%arg7 : memref<16x128xi32, #tpu.memory_space<vmem>>)
        tpu.yield
      }) : () -> ()
      %dma_start3A = arith.constant 0 : i32
      %dma_start3A_20 = arith.constant 0 : i32
      %dma_start3A_21 = tpu.memref_slice %arg7[%dma_start3A, %dma_start3A_20] : memref<16x128xi32, #tpu.memory_space<vmem>> -> memref<1x128xi32, #tpu.memory_space<vmem>>
      %dma_start3A_22 = tpu.memref_squeeze %dma_start3A_21 : memref<1x128xi32, #tpu.memory_space<vmem>> -> memref<128xi32, #tpu.memory_space<vmem>>
      %dma_start3A_23 = arith.constant 0 : i32
      %dma_start3A_24 = arith.constant 0 : i32
      %dma_start3A_25 = tpu.memref_slice %arg2[%dma_start3A_23, %dma_start3A_24] : memref<10240x128xf32, #tpu.memory_space<hbm>> -> memref<10240x128xf32, #tpu.memory_space<hbm>>
      tpu.enqueue_indirect_dma source(%dma_start3A_25 : memref<10240x128xf32, #tpu.memory_space<hbm>>) target(%arg9 : memref<128x128xf32, #tpu.memory_space<vmem>>) offsets(%dma_start3A_22 : memref<128xi32, #tpu.memory_space<vmem>>) semaphore(%arg12 : memref<!tpu.dma_semaphore, #tpu.memory_space<semaphore_mem>>)
      %scan3A_26 = arith.constant 0 : i32
      %scan3A_27 = arith.constant 0 : i32
      %scan3A_28 = arith.constant 7 : i32
      %scan3A_29 = arith.addi %scan3A_27, %scan3A_28 : i32
      %scan3A_30 = arith.constant 1 : i32
      scf.for %scan3A_58 = %scan3A_27 to %scan3A_29 step %scan3A_30  : i32 {
        %mul3A_59 = arith.constant 2 : i32
        %mul3A_60 = arith.muli %mul3A_59, %scan3A_58 : i32
        %add3A_61 = arith.constant 1 : i32
        %add3A_62 = arith.addi %mul3A_60, %add3A_61 : i32
        %dma_start3A_63 = arith.constant 0 : i32
        %dma_start3A_64 = tpu.memref_slice %arg7[%add3A_62, %dma_start3A_63] : memref<16x128xi32, #tpu.memory_space<vmem>> -> memref<1x128xi32, #tpu.memory_space<vmem>>
        %dma_start3A_65 = tpu.memref_squeeze %dma_start3A_64 : memref<1x128xi32, #tpu.memory_space<vmem>> -> memref<128xi32, #tpu.memory_space<vmem>>
        %dma_start3A_66 = arith.constant 0 : i32
        %dma_start3A_67 = arith.constant 0 : i32
        %dma_start3A_68 = tpu.memref_slice %arg2[%dma_start3A_66, %dma_start3A_67] : memref<10240x128xf32, #tpu.memory_space<hbm>> -> memref<10240x128xf32, #tpu.memory_space<hbm>>
        tpu.enqueue_indirect_dma source(%dma_start3A_68 : memref<10240x128xf32, #tpu.memory_space<hbm>>) target(%arg10 : memref<128x128xf32, #tpu.memory_space<vmem>>) offsets(%dma_start3A_65 : memref<128xi32, #tpu.memory_space<vmem>>) semaphore(%arg13 : memref<!tpu.dma_semaphore, #tpu.memory_space<semaphore_mem>>)
        %dma_wait3A_69 = arith.constant 0 : i32
        %dma_wait3A_70 = arith.constant 0 : i32
        %dma_wait3A_71 = tpu.memref_slice %arg7[%dma_wait3A_69, %dma_wait3A_70] : memref<16x128xi32, #tpu.memory_space<vmem>> -> memref<1x128xi32, #tpu.memory_space<vmem>>
        %dma_wait3A_72 = tpu.memref_squeeze %dma_wait3A_71 : memref<1x128xi32, #tpu.memory_space<vmem>> -> memref<128xi32, #tpu.memory_space<vmem>>
        %dma_wait3A_73 = arith.constant 0 : i32
        %dma_wait3A_74 = arith.constant 0 : i32
        %dma_wait3A_75 = tpu.memref_slice %arg2[%dma_wait3A_73, %dma_wait3A_74] : memref<10240x128xf32, #tpu.memory_space<hbm>> -> memref<10240x128xf32, #tpu.memory_space<hbm>>
        tpu.wait_indirect_dma semaphore(%arg12 : memref<!tpu.dma_semaphore, #tpu.memory_space<semaphore_mem>>) src(%dma_wait3A_75 : memref<10240x128xf32, #tpu.memory_space<hbm>>) dst(%arg9 : memref<128x128xf32, #tpu.memory_space<vmem>>)
        %add3A_76 = arith.addi %mul3A_16, %mul3A_60 : i32
        "tpu.region"() ({
          %run_scoped3A = tpu.sem_alloc : memref<!tpu.dma_semaphore, #tpu.memory_space<semaphore_mem>>
          %dma_start3A_95 = arith.constant 0 : i32
          %dma_start3A_96 = tpu.memref_slice %arg8[%add3A_76, %dma_start3A_95] : memref<80x128xi32, #tpu.memory_space<vmem>> -> memref<1x128xi32, #tpu.memory_space<vmem>>
          %dma_start3A_97 = tpu.memref_squeeze %dma_start3A_96 : memref<1x128xi32, #tpu.memory_space<vmem>> -> memref<128xi32, #tpu.memory_space<vmem>>
          %dma_start3A_98 = arith.constant 0 : i32
          %dma_start3A_99 = arith.constant 0 : i32
          %dma_start3A_100 = tpu.memref_slice %arg11[%dma_start3A_98, %dma_start3A_99] : memref<10240x128xf32, #tpu.memory_space<vmem_shared>> -> memref<10240x128xf32, #tpu.memory_space<vmem_shared>>
          tpu.enqueue_indirect_dma source(%arg9 : memref<128x128xf32, #tpu.memory_space<vmem>>) target(%dma_start3A_100 : memref<10240x128xf32, #tpu.memory_space<vmem_shared>>) offsets(%dma_start3A_97 : memref<128xi32, #tpu.memory_space<vmem>>) semaphore(%run_scoped3A : memref<!tpu.dma_semaphore, #tpu.memory_space<semaphore_mem>>) {add = true}
          %dma_wait3A_101 = arith.constant 0 : i32
          %dma_wait3A_102 = tpu.memref_slice %arg8[%add3A_76, %dma_wait3A_101] : memref<80x128xi32, #tpu.memory_space<vmem>> -> memref<1x128xi32, #tpu.memory_space<vmem>>
          %dma_wait3A_103 = tpu.memref_squeeze %dma_wait3A_102 : memref<1x128xi32, #tpu.memory_space<vmem>> -> memref<128xi32, #tpu.memory_space<vmem>>
          %dma_wait3A_104 = arith.constant 0 : i32
          %dma_wait3A_105 = arith.constant 0 : i32
          %dma_wait3A_106 = tpu.memref_slice %arg11[%dma_wait3A_104, %dma_wait3A_105] : memref<10240x128xf32, #tpu.memory_space<vmem_shared>> -> memref<10240x128xf32, #tpu.memory_space<vmem_shared>>
          tpu.wait_indirect_dma semaphore(%run_scoped3A : memref<!tpu.dma_semaphore, #tpu.memory_space<semaphore_mem>>) src(%arg9 : memref<128x128xf32, #tpu.memory_space<vmem>>) dst(%dma_wait3A_106 : memref<10240x128xf32, #tpu.memory_space<vmem_shared>>)
          tpu.yield
        }) : () -> ()
        %add3A_77 = arith.constant 2 : i32
        %add3A_78 = arith.addi %mul3A_60, %add3A_77 : i32
        %dma_start3A_79 = arith.constant 0 : i32
        %dma_start3A_80 = tpu.memref_slice %arg7[%add3A_78, %dma_start3A_79] : memref<16x128xi32, #tpu.memory_space<vmem>> -> memref<1x128xi32, #tpu.memory_space<vmem>>
        %dma_start3A_81 = tpu.memref_squeeze %dma_start3A_80 : memref<1x128xi32, #tpu.memory_space<vmem>> -> memref<128xi32, #tpu.memory_space<vmem>>
        %dma_start3A_82 = arith.constant 0 : i32
        %dma_start3A_83 = arith.constant 0 : i32
        %dma_start3A_84 = tpu.memref_slice %arg2[%dma_start3A_82, %dma_start3A_83] : memref<10240x128xf32, #tpu.memory_space<hbm>> -> memref<10240x128xf32, #tpu.memory_space<hbm>>
        tpu.enqueue_indirect_dma source(%dma_start3A_84 : memref<10240x128xf32, #tpu.memory_space<hbm>>) target(%arg9 : memref<128x128xf32, #tpu.memory_space<vmem>>) offsets(%dma_start3A_81 : memref<128xi32, #tpu.memory_space<vmem>>) semaphore(%arg12 : memref<!tpu.dma_semaphore, #tpu.memory_space<semaphore_mem>>)
        %dma_wait3A_85 = arith.constant 0 : i32
        %dma_wait3A_86 = arith.constant 0 : i32
        %dma_wait3A_87 = tpu.memref_slice %arg7[%dma_wait3A_85, %dma_wait3A_86] : memref<16x128xi32, #tpu.memory_space<vmem>> -> memref<1x128xi32, #tpu.memory_space<vmem>>
        %dma_wait3A_88 = tpu.memref_squeeze %dma_wait3A_87 : memref<1x128xi32, #tpu.memory_space<vmem>> -> memref<128xi32, #tpu.memory_space<vmem>>
        %dma_wait3A_89 = arith.constant 0 : i32
        %dma_wait3A_90 = arith.constant 0 : i32
        %dma_wait3A_91 = tpu.memref_slice %arg2[%dma_wait3A_89, %dma_wait3A_90] : memref<10240x128xf32, #tpu.memory_space<hbm>> -> memref<10240x128xf32, #tpu.memory_space<hbm>>
        tpu.wait_indirect_dma semaphore(%arg13 : memref<!tpu.dma_semaphore, #tpu.memory_space<semaphore_mem>>) src(%dma_wait3A_91 : memref<10240x128xf32, #tpu.memory_space<hbm>>) dst(%arg10 : memref<128x128xf32, #tpu.memory_space<vmem>>)
        %add3A_92 = arith.addi %mul3A_16, %mul3A_60 : i32
        %add3A_93 = arith.constant 1 : i32
        %add3A_94 = arith.addi %add3A_92, %add3A_93 : i32
        "tpu.region"() ({
          %run_scoped3A = tpu.sem_alloc : memref<!tpu.dma_semaphore, #tpu.memory_space<semaphore_mem>>
          %dma_start3A_95 = arith.constant 0 : i32
          %dma_start3A_96 = tpu.memref_slice %arg8[%add3A_94, %dma_start3A_95] : memref<80x128xi32, #tpu.memory_space<vmem>> -> memref<1x128xi32, #tpu.memory_space<vmem>>
          %dma_start3A_97 = tpu.memref_squeeze %dma_start3A_96 : memref<1x128xi32, #tpu.memory_space<vmem>> -> memref<128xi32, #tpu.memory_space<vmem>>
          %dma_start3A_98 = arith.constant 0 : i32
          %dma_start3A_99 = arith.constant 0 : i32
          %dma_start3A_100 = tpu.memref_slice %arg11[%dma_start3A_98, %dma_start3A_99] : memref<10240x128xf32, #tpu.memory_space<vmem_shared>> -> memref<10240x128xf32, #tpu.memory_space<vmem_shared>>
          tpu.enqueue_indirect_dma source(%arg10 : memref<128x128xf32, #tpu.memory_space<vmem>>) target(%dma_start3A_100 : memref<10240x128xf32, #tpu.memory_space<vmem_shared>>) offsets(%dma_start3A_97 : memref<128xi32, #tpu.memory_space<vmem>>) semaphore(%run_scoped3A : memref<!tpu.dma_semaphore, #tpu.memory_space<semaphore_mem>>) {add = true}
          %dma_wait3A_101 = arith.constant 0 : i32
          %dma_wait3A_102 = tpu.memref_slice %arg8[%add3A_94, %dma_wait3A_101] : memref<80x128xi32, #tpu.memory_space<vmem>> -> memref<1x128xi32, #tpu.memory_space<vmem>>
          %dma_wait3A_103 = tpu.memref_squeeze %dma_wait3A_102 : memref<1x128xi32, #tpu.memory_space<vmem>> -> memref<128xi32, #tpu.memory_space<vmem>>
          %dma_wait3A_104 = arith.constant 0 : i32
          %dma_wait3A_105 = arith.constant 0 : i32
          %dma_wait3A_106 = tpu.memref_slice %arg11[%dma_wait3A_104, %dma_wait3A_105] : memref<10240x128xf32, #tpu.memory_space<vmem_shared>> -> memref<10240x128xf32, #tpu.memory_space<vmem_shared>>
          tpu.wait_indirect_dma semaphore(%run_scoped3A : memref<!tpu.dma_semaphore, #tpu.memory_space<semaphore_mem>>) src(%arg10 : memref<128x128xf32, #tpu.memory_space<vmem>>) dst(%dma_wait3A_106 : memref<10240x128xf32, #tpu.memory_space<vmem_shared>>)
          tpu.yield
        }) : () -> ()
      }
      %scan3A_31 = arith.constant 7 : i32
      %dma_start3A_32 = arith.constant 15 : i32
      %dma_start3A_33 = arith.constant 0 : i32
      %dma_start3A_34 = tpu.memref_slice %arg7[%dma_start3A_32, %dma_start3A_33] : memref<16x128xi32, #tpu.memory_space<vmem>> -> memref<1x128xi32, #tpu.memory_space<vmem>>
      %dma_start3A_35 = tpu.memref_squeeze %dma_start3A_34 : memref<1x128xi32, #tpu.memory_space<vmem>> -> memref<128xi32, #tpu.memory_space<vmem>>
      %dma_start3A_36 = arith.constant 0 : i32
      %dma_start3A_37 = arith.constant 0 : i32
      %dma_start3A_38 = tpu.memref_slice %arg2[%dma_start3A_36, %dma_start3A_37] : memref<10240x128xf32, #tpu.memory_space<hbm>> -> memref<10240x128xf32, #tpu.memory_space<hbm>>
      tpu.enqueue_indirect_dma source(%dma_start3A_38 : memref<10240x128xf32, #tpu.memory_space<hbm>>) target(%arg10 : memref<128x128xf32, #tpu.memory_space<vmem>>) offsets(%dma_start3A_35 : memref<128xi32, #tpu.memory_space<vmem>>) semaphore(%arg13 : memref<!tpu.dma_semaphore, #tpu.memory_space<semaphore_mem>>)
      %dma_wait3A = arith.constant 0 : i32
      %dma_wait3A_39 = arith.constant 0 : i32
      %dma_wait3A_40 = tpu.memref_slice %arg7[%dma_wait3A, %dma_wait3A_39] : memref<16x128xi32, #tpu.memory_space<vmem>> -> memref<1x128xi32, #tpu.memory_space<vmem>>
      %dma_wait3A_41 = tpu.memref_squeeze %dma_wait3A_40 : memref<1x128xi32, #tpu.memory_space<vmem>> -> memref<128xi32, #tpu.memory_space<vmem>>
      %dma_wait3A_42 = arith.constant 0 : i32
      %dma_wait3A_43 = arith.constant 0 : i32
      %dma_wait3A_44 = tpu.memref_slice %arg2[%dma_wait3A_42, %dma_wait3A_43] : memref<10240x128xf32, #tpu.memory_space<hbm>> -> memref<10240x128xf32, #tpu.memory_space<hbm>>
      tpu.wait_indirect_dma semaphore(%arg12 : memref<!tpu.dma_semaphore, #tpu.memory_space<semaphore_mem>>) src(%dma_wait3A_44 : memref<10240x128xf32, #tpu.memory_space<hbm>>) dst(%arg9 : memref<128x128xf32, #tpu.memory_space<vmem>>)
      %add3A_45 = arith.constant 14 : i32
      %add3A_46 = arith.addi %mul3A_16, %add3A_45 : i32
      "tpu.region"() ({
        %run_scoped3A = tpu.sem_alloc : memref<!tpu.dma_semaphore, #tpu.memory_space<semaphore_mem>>
        %dma_start3A_58 = arith.constant 0 : i32
        %dma_start3A_59 = tpu.memref_slice %arg8[%add3A_46, %dma_start3A_58] : memref<80x128xi32, #tpu.memory_space<vmem>> -> memref<1x128xi32, #tpu.memory_space<vmem>>
        %dma_start3A_60 = tpu.memref_squeeze %dma_start3A_59 : memref<1x128xi32, #tpu.memory_space<vmem>> -> memref<128xi32, #tpu.memory_space<vmem>>
        %dma_start3A_61 = arith.constant 0 : i32
        %dma_start3A_62 = arith.constant 0 : i32
        %dma_start3A_63 = tpu.memref_slice %arg11[%dma_start3A_61, %dma_start3A_62] : memref<10240x128xf32, #tpu.memory_space<vmem_shared>> -> memref<10240x128xf32, #tpu.memory_space<vmem_shared>>
        tpu.enqueue_indirect_dma source(%arg9 : memref<128x128xf32, #tpu.memory_space<vmem>>) target(%dma_start3A_63 : memref<10240x128xf32, #tpu.memory_space<vmem_shared>>) offsets(%dma_start3A_60 : memref<128xi32, #tpu.memory_space<vmem>>) semaphore(%run_scoped3A : memref<!tpu.dma_semaphore, #tpu.memory_space<semaphore_mem>>) {add = true}
        %dma_wait3A_64 = arith.constant 0 : i32
        %dma_wait3A_65 = tpu.memref_slice %arg8[%add3A_46, %dma_wait3A_64] : memref<80x128xi32, #tpu.memory_space<vmem>> -> memref<1x128xi32, #tpu.memory_space<vmem>>
        %dma_wait3A_66 = tpu.memref_squeeze %dma_wait3A_65 : memref<1x128xi32, #tpu.memory_space<vmem>> -> memref<128xi32, #tpu.memory_space<vmem>>
        %dma_wait3A_67 = arith.constant 0 : i32
        %dma_wait3A_68 = arith.constant 0 : i32
        %dma_wait3A_69 = tpu.memref_slice %arg11[%dma_wait3A_67, %dma_wait3A_68] : memref<10240x128xf32, #tpu.memory_space<vmem_shared>> -> memref<10240x128xf32, #tpu.memory_space<vmem_shared>>
        tpu.wait_indirect_dma semaphore(%run_scoped3A : memref<!tpu.dma_semaphore, #tpu.memory_space<semaphore_mem>>) src(%arg9 : memref<128x128xf32, #tpu.memory_space<vmem>>) dst(%dma_wait3A_69 : memref<10240x128xf32, #tpu.memory_space<vmem_shared>>)
        tpu.yield
      }) : () -> ()
      %dma_wait3A_47 = arith.constant 0 : i32
      %dma_wait3A_48 = arith.constant 0 : i32
      %dma_wait3A_49 = tpu.memref_slice %arg7[%dma_wait3A_47, %dma_wait3A_48] : memref<16x128xi32, #tpu.memory_space<vmem>> -> memref<1x128xi32, #tpu.memory_space<vmem>>
      %dma_wait3A_50 = tpu.memref_squeeze %dma_wait3A_49 : memref<1x128xi32, #tpu.memory_space<vmem>> -> memref<128xi32, #tpu.memory_space<vmem>>
      %dma_wait3A_51 = arith.constant 0 : i32
      %dma_wait3A_52 = arith.constant 0 : i32
      %dma_wait3A_53 = tpu.memref_slice %arg2[%dma_wait3A_51, %dma_wait3A_52] : memref<10240x128xf32, #tpu.memory_space<hbm>> -> memref<10240x128xf32, #tpu.memory_space<hbm>>
      tpu.wait_indirect_dma semaphore(%arg13 : memref<!tpu.dma_semaphore, #tpu.memory_space<semaphore_mem>>) src(%dma_wait3A_53 : memref<10240x128xf32, #tpu.memory_space<hbm>>) dst(%arg10 : memref<128x128xf32, #tpu.memory_space<vmem>>)
      %add3A_54 = arith.constant 14 : i32
      %add3A_55 = arith.addi %mul3A_16, %add3A_54 : i32
      %add3A_56 = arith.constant 1 : i32
      %add3A_57 = arith.addi %add3A_55, %add3A_56 : i32
      "tpu.region"() ({
        %run_scoped3A = tpu.sem_alloc : memref<!tpu.dma_semaphore, #tpu.memory_space<semaphore_mem>>
        %dma_start3A_58 = arith.constant 0 : i32
        %dma_start3A_59 = tpu.memref_slice %arg8[%add3A_57, %dma_start3A_58] : memref<80x128xi32, #tpu.memory_space<vmem>> -> memref<1x128xi32, #tpu.memory_space<vmem>>
        %dma_start3A_60 = tpu.memref_squeeze %dma_start3A_59 : memref<1x128xi32, #tpu.memory_space<vmem>> -> memref<128xi32, #tpu.memory_space<vmem>>
        %dma_start3A_61 = arith.constant 0 : i32
        %dma_start3A_62 = arith.constant 0 : i32
        %dma_start3A_63 = tpu.memref_slice %arg11[%dma_start3A_61, %dma_start3A_62] : memref<10240x128xf32, #tpu.memory_space<vmem_shared>> -> memref<10240x128xf32, #tpu.memory_space<vmem_shared>>
        tpu.enqueue_indirect_dma source(%arg10 : memref<128x128xf32, #tpu.memory_space<vmem>>) target(%dma_start3A_63 : memref<10240x128xf32, #tpu.memory_space<vmem_shared>>) offsets(%dma_start3A_60 : memref<128xi32, #tpu.memory_space<vmem>>) semaphore(%run_scoped3A : memref<!tpu.dma_semaphore, #tpu.memory_space<semaphore_mem>>) {add = true}
        %dma_wait3A_64 = arith.constant 0 : i32
        %dma_wait3A_65 = tpu.memref_slice %arg8[%add3A_57, %dma_wait3A_64] : memref<80x128xi32, #tpu.memory_space<vmem>> -> memref<1x128xi32, #tpu.memory_space<vmem>>
        %dma_wait3A_66 = tpu.memref_squeeze %dma_wait3A_65 : memref<1x128xi32, #tpu.memory_space<vmem>> -> memref<128xi32, #tpu.memory_space<vmem>>
        %dma_wait3A_67 = arith.constant 0 : i32
        %dma_wait3A_68 = arith.constant 0 : i32
        %dma_wait3A_69 = tpu.memref_slice %arg11[%dma_wait3A_67, %dma_wait3A_68] : memref<10240x128xf32, #tpu.memory_space<vmem_shared>> -> memref<10240x128xf32, #tpu.memory_space<vmem_shared>>
        tpu.wait_indirect_dma semaphore(%run_scoped3A : memref<!tpu.dma_semaphore, #tpu.memory_space<semaphore_mem>>) src(%arg10 : memref<128x128xf32, #tpu.memory_space<vmem>>) dst(%dma_wait3A_69 : memref<10240x128xf32, #tpu.memory_space<vmem_shared>>)
        tpu.yield
      }) : () -> ()
    }
    %scan3A_9 = arith.constant 5 : i32
    %barrier3A_10 = arith.constant 0 : index
    tpu.barrier barrier_id(%barrier3A_10)
    %mul3A_11 = arith.constant 10240 : i32
    %mul3A_12 = arith.muli %arg0, %mul3A_11 : i32
    %add3A_13 = arith.addi %mul3A_12, %mul3A_2 : i32
    "tpu.region"() ({
      %run_scoped3A = tpu.sem_alloc : memref<!tpu.dma_semaphore, #tpu.memory_space<semaphore_mem>>
      %dma_start3A = arith.constant 0 : i32
      %dma_start3A_14 = tpu.memref_slice %arg6[%add3A_13, %dma_start3A] : memref<20480x128xf32, #tpu.memory_space<hbm>> -> memref<640x128xf32, #tpu.memory_space<hbm>>
      %dma_start3A_15 = arith.constant 0 : i32
      %dma_start3A_16 = tpu.memref_slice %arg11[%mul3A_2, %dma_start3A_15] : memref<10240x128xf32, #tpu.memory_space<vmem_shared>> -> memref<640x128xf32, #tpu.memory_space<vmem_shared>>
      tpu.enqueue_dma source(%dma_start3A_16 : memref<640x128xf32, #tpu.memory_space<vmem_shared>>) target(%dma_start3A_14 : memref<640x128xf32, #tpu.memory_space<hbm>>) target_semaphore(%run_scoped3A : memref<!tpu.dma_semaphore, #tpu.memory_space<semaphore_mem>>)
      %dma_wait3A = arith.constant 0 : i32
      %dma_wait3A_17 = tpu.memref_slice %arg6[%add3A_13, %dma_wait3A] : memref<20480x128xf32, #tpu.memory_space<hbm>> -> memref<640x128xf32, #tpu.memory_space<hbm>>
      %dma_wait3A_18 = arith.constant 0 : i32
      %dma_wait3A_19 = tpu.memref_slice %arg11[%mul3A_2, %dma_wait3A_18] : memref<10240x128xf32, #tpu.memory_space<vmem_shared>> -> memref<640x128xf32, #tpu.memory_space<vmem_shared>>
      tpu.wait_dma2 semaphore(%run_scoped3A : memref<!tpu.dma_semaphore, #tpu.memory_space<semaphore_mem>>) src(%dma_wait3A_19 : memref<640x128xf32, #tpu.memory_space<vmem_shared>>) dst(%dma_wait3A_17 : memref<640x128xf32, #tpu.memory_space<hbm>>)
      tpu.yield
    }) : () -> ()
    return
  }
}

module attributes {stable_mosaic.version = 14 : i64} {
  func.func @_prep_kernel(%arg0: i32, %arg1: memref<256x128xf32, #tpu.memory_space<vmem>>, %arg2: memref<128x128xf32, #tpu.memory_space<vmem>>, %arg3: memref<256x128xf32, #tpu.memory_space<vmem>>, %arg4: memref<256x128xf32, #tpu.memory_space<vmem>>, %arg5: memref<256x128xf32, #tpu.memory_space<vmem>>, %arg6: memref<256x128xf32, #tpu.memory_space<vmem>>) attributes {dimension_semantics = [#tpu.dimension_semantics<arbitrary>], iteration_bounds = array<i64: 40>, scalar_prefetch = 0 : i64, scratch_operands = 0 : i64, tpu.core_type = #tpu.core_type<tc>, window_params = [{transform_indices = @transform_0, window_bounds = array<i64: 256, 128>}, {pipeline_mode = #tpu.pipeline_mode<synchronous>, transform_indices = @transform_1, window_bounds = array<i64: 128, 128>}, {transform_indices = @transform_2, window_bounds = array<i64: 256, 128>}, {transform_indices = @transform_3, window_bounds = array<i64: 256, 128>}, {transform_indices = @transform_4, window_bounds = array<i64: 256, 128>}, {transform_indices = @transform_5, window_bounds = array<i64: 256, 128>}]} {
    %get3A = arith.constant 0 : index
    %get3A_0 = arith.constant 0 : index
    %get3A_1 = vector.load %arg3[%get3A, %get3A_0] : memref<256x128xf32, #tpu.memory_space<vmem>>, vector<256x1xf32>
    %add3A = arith.constant 1.000000e+00 : f32
    %add3A_2 = vector.broadcast %add3A : f32 to vector<256x1xf32>
    %add3A_3 = arith.addf %add3A_2, %get3A_1 : vector<256x1xf32>
    %get3A_4 = arith.constant 0 : index
    %get3A_5 = arith.constant 0 : index
    %get3A_6 = vector.load %arg4[%get3A_4, %get3A_5] : memref<256x128xf32, #tpu.memory_space<vmem>>, vector<256x1xf32>
    %add3A_7 = arith.addf %add3A_3, %get3A_6 : vector<256x1xf32>
    %rsqrt3A = math.rsqrt %add3A_7 : vector<256x1xf32>
    %broadcast_in_dim3A = vector.shape_cast %rsqrt3A : vector<256x1xf32> to vector<256x1xf32>
    %broadcast_in_dim3A_8 = vector.broadcast %broadcast_in_dim3A : vector<256x1xf32> to vector<256x128xf32>
    %swap3A = arith.constant 0 : index
    %swap3A_9 = arith.constant 0 : index
    %swap3A_10 = vector.load %arg5[%swap3A, %swap3A_9] : memref<256x128xf32, #tpu.memory_space<vmem>>, vector<256x128xf32>
    tpu.vector_store %arg5[%swap3A, %swap3A_9], %broadcast_in_dim3A_8 {strides = array<i32>} : memref<256x128xf32, #tpu.memory_space<vmem>>, vector<256x128xf32>,
    %get3A_11 = arith.constant 0 : index
    %get3A_12 = arith.constant 0 : index
    %get3A_13 = vector.load %arg1[%get3A_11, %get3A_12] : memref<256x128xf32, #tpu.memory_space<vmem>>, vector<256x128xf32>
    %get3A_14 = arith.constant 0 : index
    %get3A_15 = arith.constant 0 : index
    %get3A_16 = vector.load %arg2[%get3A_14, %get3A_15] : memref<128x128xf32, #tpu.memory_space<vmem>>, vector<128x128xf32>
    %dot_general3A = arith.constant dense<0.000000e+00> : vector<256x128xf32>
    %dot_general3A_17 = tpu.matmul %get3A_13, %get3A_16, %dot_general3A {dimension_numbers = #tpu.dot_dimension_numbers<[1], [0], [0], [1], [0, 0, 1, 1], [], []>, transpose_lhs_hint = false} : vector<256x128xf32>, vector<128x128xf32>, vector<256x128xf32> -> vector<256x128xf32>
    %mul3A = arith.mulf %dot_general3A_17, %broadcast_in_dim3A_8 : vector<256x128xf32>
    %swap3A_18 = arith.constant 0 : index
    %swap3A_19 = arith.constant 0 : index
    %swap3A_20 = vector.load %arg6[%swap3A_18, %swap3A_19] : memref<256x128xf32, #tpu.memory_space<vmem>>, vector<256x128xf32>
    tpu.vector_store %arg6[%swap3A_18, %swap3A_19], %mul3A {strides = array<i32>} : memref<256x128xf32, #tpu.memory_space<vmem>>, vector<256x128xf32>,
    return
  }
  func.func @transform_0(%arg0: i32) -> (i32, i32) {
    %c0_i32 = arith.constant 0 : i32
    %c0_i32_0 = arith.constant 0 : i32
    return %arg0, %c0_i32 : i32, i32
  }
  func.func @transform_1(%arg0: i32) -> (i32, i32) {
    %c0_i32 = arith.constant 0 : i32
    %c0_i32_0 = arith.constant 0 : i32
    %c0_i32_1 = arith.constant 0 : i32
    return %c0_i32, %c0_i32_0 : i32, i32
  }
  func.func @transform_2(%arg0: i32) -> (i32, i32) {
    %c0_i32 = arith.constant 0 : i32
    %c0_i32_0 = arith.constant 0 : i32
    return %arg0, %c0_i32 : i32, i32
  }
  func.func @transform_3(%arg0: i32) -> (i32, i32) {
    %c0_i32 = arith.constant 0 : i32
    %c0_i32_0 = arith.constant 0 : i32
    return %arg0, %c0_i32 : i32, i32
  }
  func.func @transform_4(%arg0: i32) -> (i32, i32) {
    %c0_i32 = arith.constant 0 : i32
    %c0_i32_0 = arith.constant 0 : i32
    return %arg0, %c0_i32 : i32, i32
  }
  func.func @transform_5(%arg0: i32) -> (i32, i32) {
    %c0_i32 = arith.constant 0 : i32
    %c0_i32_0 = arith.constant 0 : i32
    return %arg0, %c0_i32 : i32, i32
  }
}

module attributes {stable_mosaic.version = 14 : i64} {
  func.func @_mid_kernel(%arg0: i32, %arg1: memref<256x128xf32, #tpu.memory_space<vmem>>, %arg2: memref<256x128xf32, #tpu.memory_space<vmem>>, %arg3: memref<256x128xf32, #tpu.memory_space<vmem>>, %arg4: memref<256x128xf32, #tpu.memory_space<vmem>>, %arg5: memref<1x128xf32, #tpu.memory_space<vmem>>, %arg6: memref<128x128xf32, #tpu.memory_space<vmem>>, %arg7: memref<256x128xf32, #tpu.memory_space<vmem>>) attributes {dimension_semantics = [#tpu.dimension_semantics<arbitrary>], iteration_bounds = array<i64: 40>, scalar_prefetch = 0 : i64, scratch_operands = 0 : i64, tpu.core_type = #tpu.core_type<tc>, window_params = [{transform_indices = @transform_0, window_bounds = array<i64: 256, 128>}, {transform_indices = @transform_1, window_bounds = array<i64: 256, 128>}, {transform_indices = @transform_2, window_bounds = array<i64: 256, 128>}, {transform_indices = @transform_3, window_bounds = array<i64: 256, 128>}, {pipeline_mode = #tpu.pipeline_mode<synchronous>, transform_indices = @transform_4, window_bounds = array<i64: 1, 128>}, {pipeline_mode = #tpu.pipeline_mode<synchronous>, transform_indices = @transform_5, window_bounds = array<i64: 128, 128>}, {transform_indices = @transform_6, window_bounds = array<i64: 256, 128>}]} {
    %get3A = arith.constant 0 : index
    %get3A_0 = arith.constant 0 : index
    %get3A_1 = vector.load %arg4[%get3A, %get3A_0] : memref<256x128xf32, #tpu.memory_space<vmem>>, vector<256x128xf32>
    %get3A_2 = arith.constant 0 : index
    %get3A_3 = arith.constant 0 : index
    %get3A_4 = vector.load %arg1[%get3A_2, %get3A_3] : memref<256x128xf32, #tpu.memory_space<vmem>>, vector<256x128xf32>
    %get3A_5 = arith.constant 0 : index
    %get3A_6 = arith.constant 0 : index
    %get3A_7 = vector.load %arg2[%get3A_5, %get3A_6] : memref<256x128xf32, #tpu.memory_space<vmem>>, vector<256x128xf32>
    %add3A = arith.addf %get3A_4, %get3A_7 : vector<256x128xf32>
    %get3A_8 = arith.constant 0 : index
    %get3A_9 = arith.constant 0 : index
    %get3A_10 = vector.load %arg3[%get3A_8, %get3A_9] : memref<256x128xf32, #tpu.memory_space<vmem>>, vector<256x128xf32>
    %add3A_11 = arith.addf %add3A, %get3A_10 : vector<256x128xf32>
    %mul3A = arith.mulf %add3A_11, %get3A_1 : vector<256x128xf32>
    %get3A_12 = arith.constant 0 : index
    %get3A_13 = arith.constant 0 : index
    %get3A_14 = vector.load %arg5[%get3A_12, %get3A_13] : memref<1x128xf32, #tpu.memory_space<vmem>>, vector<1x128xf32>
    %add3A_15 = vector.broadcast %get3A_14 : vector<1x128xf32> to vector<256x128xf32>
    %add3A_16 = arith.addf %mul3A, %add3A_15 : vector<256x128xf32>
    %max3A = arith.constant 0.000000e+00 : f32
    %max3A_17 = vector.broadcast %max3A : f32 to vector<256x128xf32>
    %max3A_18 = arith.maximumf %add3A_16, %max3A_17 : vector<256x128xf32>
    %get3A_19 = arith.constant 0 : index
    %get3A_20 = arith.constant 0 : index
    %get3A_21 = vector.load %arg6[%get3A_19, %get3A_20] : memref<128x128xf32, #tpu.memory_space<vmem>>, vector<128x128xf32>
    %dot_general3A = arith.constant dense<0.000000e+00> : vector<256x128xf32>
    %dot_general3A_22 = tpu.matmul %max3A_18, %get3A_21, %dot_general3A {dimension_numbers = #tpu.dot_dimension_numbers<[1], [0], [0], [1], [0, 0, 1, 1], [], []>, transpose_lhs_hint = false} : vector<256x128xf32>, vector<128x128xf32>, vector<256x128xf32> -> vector<256x128xf32>
    %mul3A_23 = arith.mulf %dot_general3A_22, %get3A_1 : vector<256x128xf32>
    %swap3A = arith.constant 0 : index
    %swap3A_24 = arith.constant 0 : index
    %swap3A_25 = vector.load %arg7[%swap3A, %swap3A_24] : memref<256x128xf32, #tpu.memory_space<vmem>>, vector<256x128xf32>
    tpu.vector_store %arg7[%swap3A, %swap3A_24], %mul3A_23 {strides = array<i32>} : memref<256x128xf32, #tpu.memory_space<vmem>>, vector<256x128xf32>,
    return
  }
  func.func @transform_0(%arg0: i32) -> (i32, i32) {
    %c0_i32 = arith.constant 0 : i32
    %c0_i32_0 = arith.constant 0 : i32
    return %arg0, %c0_i32 : i32, i32
  }
  func.func @transform_1(%arg0: i32) -> (i32, i32) {
    %c0_i32 = arith.constant 0 : i32
    %c0_i32_0 = arith.constant 0 : i32
    return %arg0, %c0_i32 : i32, i32
  }
  func.func @transform_2(%arg0: i32) -> (i32, i32) {
    %c0_i32 = arith.constant 0 : i32
    %c0_i32_0 = arith.constant 0 : i32
    return %arg0, %c0_i32 : i32, i32
  }
  func.func @transform_3(%arg0: i32) -> (i32, i32) {
    %c0_i32 = arith.constant 0 : i32
    %c0_i32_0 = arith.constant 0 : i32
    return %arg0, %c0_i32 : i32, i32
  }
  func.func @transform_4(%arg0: i32) -> (i32, i32) {
    %c0_i32 = arith.constant 0 : i32
    %c0_i32_0 = arith.constant 0 : i32
    %c0_i32_1 = arith.constant 0 : i32
    return %c0_i32, %c0_i32_0 : i32, i32
  }
  func.func @transform_5(%arg0: i32) -> (i32, i32) {
    %c0_i32 = arith.constant 0 : i32
    %c0_i32_0 = arith.constant 0 : i32
    %c0_i32_1 = arith.constant 0 : i32
    return %c0_i32, %c0_i32_0 : i32, i32
  }
  func.func @transform_6(%arg0: i32) -> (i32, i32) {
    %c0_i32 = arith.constant 0 : i32
    %c0_i32_0 = arith.constant 0 : i32
    return %arg0, %c0_i32 : i32, i32
  }
}

module attributes {stable_mosaic.version = 14 : i64} {
  func.func @_final_kernel(%arg0: i32, %arg1: memref<256x128xf32, #tpu.memory_space<vmem>>, %arg2: memref<256x128xf32, #tpu.memory_space<vmem>>, %arg3: memref<256x128xf32, #tpu.memory_space<vmem>>, %arg4: memref<256x128xf32, #tpu.memory_space<vmem>>, %arg5: memref<1x128xf32, #tpu.memory_space<vmem>>, %arg6: memref<256x1xi32, #tpu.memory_space<vmem>>, %arg7: memref<128x128xf32, #tpu.memory_space<vmem>>, %arg8: memref<1x128xf32, #tpu.memory_space<vmem>>, %arg9: memref<64x128xf32, #tpu.memory_space<vmem>>, %arg10: memref<64x128xf32, #tpu.memory_space<vmem>>, %arg11: memref<64x128xf32, #tpu.memory_space<vmem>>) attributes {dimension_semantics = [#tpu.dimension_semantics<arbitrary>], iteration_bounds = array<i64: 40>, scalar_prefetch = 0 : i64, scratch_operands = 2 : i64, tpu.core_type = #tpu.core_type<tc>, window_params = [{transform_indices = @transform_0, window_bounds = array<i64: 256, 128>}, {transform_indices = @transform_1, window_bounds = array<i64: 256, 128>}, {transform_indices = @transform_2, window_bounds = array<i64: 256, 128>}, {transform_indices = @transform_3, window_bounds = array<i64: 256, 128>}, {pipeline_mode = #tpu.pipeline_mode<synchronous>, transform_indices = @transform_4, window_bounds = array<i64: 1, 128>}, {transform_indices = @transform_5, window_bounds = array<i64: 256, 1>}, {pipeline_mode = #tpu.pipeline_mode<synchronous>, transform_indices = @transform_6, window_bounds = array<i64: 128, 128>}, {pipeline_mode = #tpu.pipeline_mode<synchronous>, transform_indices = @transform_7, window_bounds = array<i64: 1, 128>}, {pipeline_mode = #tpu.pipeline_mode<synchronous>, transform_indices = @transform_8, window_bounds = array<i64: 64, 128>}]} {
    %eq3A = arith.constant 0 : i32
    %eq3A_0 = arith.cmpi eq, %arg0, %eq3A : i32
    %convert_element_type3A = arith.extui %eq3A_0 : i1 to i32
    %cond3A = arith.constant 0 : i32
    %cond3A_1 = arith.cmpi ne, %convert_element_type3A, %cond3A : i32
    scf.if %cond3A_1 {
      %broadcast_in_dim3A_49 = arith.constant 0.000000e+00 : f32
      %broadcast_in_dim3A_50 = vector.broadcast %broadcast_in_dim3A_49 : f32 to vector<64x128xf32>
      %swap3A_51 = arith.constant 0 : index
      %swap3A_52 = arith.constant 0 : index
      %swap3A_53 = vector.load %arg10[%swap3A_51, %swap3A_52] : memref<64x128xf32, #tpu.memory_space<vmem>>, vector<64x128xf32>
      tpu.vector_store %arg10[%swap3A_51, %swap3A_52], %broadcast_in_dim3A_50 {strides = array<i32>} : memref<64x128xf32, #tpu.memory_space<vmem>>, vector<64x128xf32>,
      %broadcast_in_dim3A_54 = arith.constant 0.000000e+00 : f32
      %broadcast_in_dim3A_55 = vector.broadcast %broadcast_in_dim3A_54 : f32 to vector<64x128xf32>
      %swap3A_56 = arith.constant 0 : index
      %swap3A_57 = arith.constant 0 : index
      %swap3A_58 = vector.load %arg11[%swap3A_56, %swap3A_57] : memref<64x128xf32, #tpu.memory_space<vmem>>, vector<64x128xf32>
      tpu.vector_store %arg11[%swap3A_56, %swap3A_57], %broadcast_in_dim3A_55 {strides = array<i32>} : memref<64x128xf32, #tpu.memory_space<vmem>>, vector<64x128xf32>,
    } else {
    }
    %get3A = arith.constant 0 : index
    %get3A_2 = arith.constant 0 : index
    %get3A_3 = vector.load %arg1[%get3A, %get3A_2] : memref<256x128xf32, #tpu.memory_space<vmem>>, vector<256x128xf32>
    %get3A_4 = arith.constant 0 : index
    %get3A_5 = arith.constant 0 : index
    %get3A_6 = vector.load %arg2[%get3A_4, %get3A_5] : memref<256x128xf32, #tpu.memory_space<vmem>>, vector<256x128xf32>
    %add3A = arith.addf %get3A_3, %get3A_6 : vector<256x128xf32>
    %get3A_7 = arith.constant 0 : index
    %get3A_8 = arith.constant 0 : index
    %get3A_9 = vector.load %arg3[%get3A_7, %get3A_8] : memref<256x128xf32, #tpu.memory_space<vmem>>, vector<256x128xf32>
    %add3A_10 = arith.addf %add3A, %get3A_9 : vector<256x128xf32>
    %get3A_11 = arith.constant 0 : index
    %get3A_12 = arith.constant 0 : index
    %get3A_13 = vector.load %arg4[%get3A_11, %get3A_12] : memref<256x128xf32, #tpu.memory_space<vmem>>, vector<256x128xf32>
    %mul3A = arith.mulf %add3A_10, %get3A_13 : vector<256x128xf32>
    %get3A_14 = arith.constant 0 : index
    %get3A_15 = arith.constant 0 : index
    %get3A_16 = vector.load %arg5[%get3A_14, %get3A_15] : memref<1x128xf32, #tpu.memory_space<vmem>>, vector<1x128xf32>
    %add3A_17 = vector.broadcast %get3A_16 : vector<1x128xf32> to vector<256x128xf32>
    %add3A_18 = arith.addf %mul3A, %add3A_17 : vector<256x128xf32>
    %get3A_19 = arith.constant 0 : index
    %get3A_20 = arith.constant 0 : index
    %get3A_21 = vector.load %arg6[%get3A_19, %get3A_20] : memref<256x1xi32, #tpu.memory_space<vmem>>, vector<256x1xi32>
    %iota3A = tpu.iota {dimensions = array<i32: 1>} : vector<1x64xi32>
    %eq3A_22 = vector.broadcast %get3A_21 : vector<256x1xi32> to vector<256x64xi32>
    %eq3A_23 = vector.broadcast %iota3A : vector<1x64xi32> to vector<256x64xi32>
    %eq3A_24 = arith.cmpi eq, %eq3A_22, %eq3A_23 : vector<256x64xi32>
    %convert_element_type3A_25 = arith.extui %eq3A_24 : vector<256x64xi1> to vector<256x64xi32>
    %convert_element_type3A_26 = arith.sitofp %convert_element_type3A_25 : vector<256x64xi32> to vector<256x64xf32>
    %get3A_27 = arith.constant 0 : index
    %get3A_28 = arith.constant 0 : index
    %get3A_29 = vector.load %arg10[%get3A_27, %get3A_28] : memref<64x128xf32, #tpu.memory_space<vmem>>, vector<64x128xf32>
    %dot_general3A = arith.constant dense<0.000000e+00> : vector<64x128xf32>
    %dot_general3A_30 = tpu.matmul %convert_element_type3A_26, %add3A_18, %dot_general3A {dimension_numbers = #tpu.dot_dimension_numbers<[0], [0], [1], [1], [0, 1, 1, 1], [], []>, transpose_lhs_hint = false} : vector<256x64xf32>, vector<256x128xf32>, vector<64x128xf32> -> vector<64x128xf32>
    %add3A_31 = arith.addf %get3A_29, %dot_general3A_30 : vector<64x128xf32>
    %swap3A = arith.constant 0 : index
    %swap3A_32 = arith.constant 0 : index
    %swap3A_33 = vector.load %arg10[%swap3A, %swap3A_32] : memref<64x128xf32, #tpu.memory_space<vmem>>, vector<64x128xf32>
    tpu.vector_store %arg10[%swap3A, %swap3A_32], %add3A_31 {strides = array<i32>} : memref<64x128xf32, #tpu.memory_space<vmem>>, vector<64x128xf32>,
    %get3A_34 = arith.constant 0 : index
    %get3A_35 = arith.constant 0 : index
    %get3A_36 = vector.load %arg11[%get3A_34, %get3A_35] : memref<64x128xf32, #tpu.memory_space<vmem>>, vector<64x128xf32>
    %broadcast_in_dim3A = arith.constant 1.000000e+00 : f32
    %broadcast_in_dim3A_37 = vector.broadcast %broadcast_in_dim3A : f32 to vector<256x128xf32>
    %dot_general3A_38 = arith.constant dense<0.000000e+00> : vector<64x128xf32>
    %dot_general3A_39 = tpu.matmul %convert_element_type3A_26, %broadcast_in_dim3A_37, %dot_general3A_38 {dimension_numbers = #tpu.dot_dimension_numbers<[0], [0], [1], [1], [0, 1, 1, 1], [], []>, transpose_lhs_hint = false} : vector<256x64xf32>, vector<256x128xf32>, vector<64x128xf32> -> vector<64x128xf32>
    %add3A_40 = arith.addf %get3A_36, %dot_general3A_39 : vector<64x128xf32>
    %swap3A_41 = arith.constant 0 : index
    %swap3A_42 = arith.constant 0 : index
    %swap3A_43 = vector.load %arg11[%swap3A_41, %swap3A_42] : memref<64x128xf32, #tpu.memory_space<vmem>>, vector<64x128xf32>
    tpu.vector_store %arg11[%swap3A_41, %swap3A_42], %add3A_40 {strides = array<i32>} : memref<64x128xf32, #tpu.memory_space<vmem>>, vector<64x128xf32>,
    %eq3A_44 = arith.constant 39 : i32
    %eq3A_45 = arith.cmpi eq, %arg0, %eq3A_44 : i32
    %convert_element_type3A_46 = arith.extui %eq3A_45 : i1 to i32
    %cond3A_47 = arith.constant 0 : i32
    %cond3A_48 = arith.cmpi ne, %convert_element_type3A_46, %cond3A_47 : i32
    scf.if %cond3A_48 {
      %get3A_49 = arith.constant 0 : index
      %get3A_50 = arith.constant 0 : index
      %get3A_51 = vector.load %arg10[%get3A_49, %get3A_50] : memref<64x128xf32, #tpu.memory_space<vmem>>, vector<64x128xf32>
      %get3A_52 = arith.constant 0 : index
      %get3A_53 = arith.constant 0 : index
      %get3A_54 = vector.load %arg11[%get3A_52, %get3A_53] : memref<64x128xf32, #tpu.memory_space<vmem>>, vector<64x128xf32>
      %max3A = arith.constant 1.000000e+00 : f32
      %max3A_55 = vector.broadcast %max3A : f32 to vector<64x128xf32>
      %max3A_56 = arith.maximumf %get3A_54, %max3A_55 : vector<64x128xf32>
      %div3A = arith.divf %get3A_51, %max3A_56 : vector<64x128xf32>
      %get3A_57 = arith.constant 0 : index
      %get3A_58 = arith.constant 0 : index
      %get3A_59 = vector.load %arg7[%get3A_57, %get3A_58] : memref<128x128xf32, #tpu.memory_space<vmem>>, vector<128x128xf32>
      %dot_general3A_60 = arith.constant dense<0.000000e+00> : vector<64x128xf32>
      %dot_general3A_61 = tpu.matmul %div3A, %get3A_59, %dot_general3A_60 {dimension_numbers = #tpu.dot_dimension_numbers<[1], [0], [0], [1], [0, 0, 1, 1], [], []>, transpose_lhs_hint = false} : vector<64x128xf32>, vector<128x128xf32>, vector<64x128xf32> -> vector<64x128xf32>
      %get3A_62 = arith.constant 0 : index
      %get3A_63 = arith.constant 0 : index
      %get3A_64 = vector.load %arg8[%get3A_62, %get3A_63] : memref<1x128xf32, #tpu.memory_space<vmem>>, vector<1x128xf32>
      %add3A_65 = vector.broadcast %get3A_64 : vector<1x128xf32> to vector<64x128xf32>
      %add3A_66 = arith.addf %dot_general3A_61, %add3A_65 : vector<64x128xf32>
      %reduce_max3A = arith.constant dense<0xFF800000> : vector<64xf32>
      %reduce_max3A_67 = vector.multi_reduction <maximumf>, %add3A_66, %reduce_max3A [1] : vector<64x128xf32> to vector<64xf32>
      %broadcast_in_dim3A_68 = vector.shape_cast %reduce_max3A_67 : vector<64xf32> to vector<64x1xf32>
      %sub3A = vector.broadcast %broadcast_in_dim3A_68 : vector<64x1xf32> to vector<64x128xf32>
      %sub3A_69 = arith.subf %add3A_66, %sub3A : vector<64x128xf32>
      %exp3A = math.exp %sub3A_69 : vector<64x128xf32>
      %reduce_sum3A = arith.constant dense<0.000000e+00> : vector<64xf32>
      %reduce_sum3A_70 = vector.multi_reduction <add>, %exp3A, %reduce_sum3A [1] : vector<64x128xf32> to vector<64xf32>
      %broadcast_in_dim3A_71 = vector.shape_cast %reduce_sum3A_70 : vector<64xf32> to vector<64x1xf32>
      %div3A_72 = vector.broadcast %broadcast_in_dim3A_71 : vector<64x1xf32> to vector<64x128xf32>
      %div3A_73 = arith.divf %exp3A, %div3A_72 : vector<64x128xf32>
      %swap3A_74 = arith.constant 0 : index
      %swap3A_75 = arith.constant 0 : index
      %swap3A_76 = vector.load %arg9[%swap3A_74, %swap3A_75] : memref<64x128xf32, #tpu.memory_space<vmem>>, vector<64x128xf32>
      tpu.vector_store %arg9[%swap3A_74, %swap3A_75], %div3A_73 {strides = array<i32>} : memref<64x128xf32, #tpu.memory_space<vmem>>, vector<64x128xf32>,
    } else {
    }
    return
  }
  func.func @transform_0(%arg0: i32) -> (i32, i32) {
    %c0_i32 = arith.constant 0 : i32
    %c0_i32_0 = arith.constant 0 : i32
    return %arg0, %c0_i32 : i32, i32
  }
  func.func @transform_1(%arg0: i32) -> (i32, i32) {
    %c0_i32 = arith.constant 0 : i32
    %c0_i32_0 = arith.constant 0 : i32
    return %arg0, %c0_i32 : i32, i32
  }
  func.func @transform_2(%arg0: i32) -> (i32, i32) {
    %c0_i32 = arith.constant 0 : i32
    %c0_i32_0 = arith.constant 0 : i32
    return %arg0, %c0_i32 : i32, i32
  }
  func.func @transform_3(%arg0: i32) -> (i32, i32) {
    %c0_i32 = arith.constant 0 : i32
    %c0_i32_0 = arith.constant 0 : i32
    return %arg0, %c0_i32 : i32, i32
  }
  func.func @transform_4(%arg0: i32) -> (i32, i32) {
    %c0_i32 = arith.constant 0 : i32
    %c0_i32_0 = arith.constant 0 : i32
    %c0_i32_1 = arith.constant 0 : i32
    return %c0_i32, %c0_i32_0 : i32, i32
  }
  func.func @transform_5(%arg0: i32) -> (i32, i32) {
    %c0_i32 = arith.constant 0 : i32
    %c0_i32_0 = arith.constant 0 : i32
    return %arg0, %c0_i32 : i32, i32
  }
  func.func @transform_6(%arg0: i32) -> (i32, i32) {
    %c0_i32 = arith.constant 0 : i32
    %c0_i32_0 = arith.constant 0 : i32
    %c0_i32_1 = arith.constant 0 : i32
    return %c0_i32, %c0_i32_0 : i32, i32
  }
  func.func @transform_7(%arg0: i32) -> (i32, i32) {
    %c0_i32 = arith.constant 0 : i32
    %c0_i32_0 = arith.constant 0 : i32
    %c0_i32_1 = arith.constant 0 : i32
    return %c0_i32, %c0_i32_0 : i32, i32
  }
  func.func @transform_8(%arg0: i32) -> (i32, i32) {
    %c0_i32 = arith.constant 0 : i32
    %c0_i32_0 = arith.constant 0 : i32
    %c0_i32_1 = arith.constant 0 : i32
    return %c0_i32, %c0_i32_0 : i32, i32
  }
}

</mosaic_0001>

<sc_bundles>
// kernel: kernel.10.cloned.1.call-start
scs
__scs_entry_jumppad:
0x0: {  	(pc) =	sbr.rel $0x88, $3  }
0x1: {  	(tag) =	ssettag $0x0;
	lr =	simm.s32 $0x1  }
0x2: {  	[smem:$0x3F96] =	sst lr;
	_ =	strace $0xD0000000  }
0x3: {  	_ = 	snop  }
0x4: {  	_ = 	snop  }
0x5: {  	_ = 	snop  }
0x6: {  	_ = 	snop  }
0x7: {  	_ = 	snop  }
__scs_overlays_trampoline_lowered:
0x8: {  	[smem:$0x3FA5] =	sst s0  }
0x9: {  	[smem:$0x3FA6] =	sst s1  }
0xa: {  	[smem:$0x3FA7] =	sst s2  }
0xb: {  	[smem:$0x3FA8] =	sst s3  }
0xc: {  	[smem:$0x3FA9] =	sst s4  }
0xd: {  	[smem:$0x3FAA] =	sst s5  }
0xe: {  	[smem:$0x3FAB] =	sst s6  }
0xf: {  	[smem:$0x3FAC] =	sst s7  }
0x10: {  	[smem:$0x3FAD] =	sst s8  }
0x11: {  	[smem:$0x3FAE] =	sst s9;
	s0 =	simm.s32 @!p0 $0x0  }
0x12: {  	s1 =	sld [smem:$0x3F94];
	s0 =	simm.s32 @p0 $0x1  }
0x13: {  	[smem:$0x3FAF] =	sst s0;
	s0 =	simm.s32 @!p1 $0x0  }
0x14: {  	s2 =	sld [smem:$0x3F93];
	s0 =	simm.s32 @p1 $0x1  }
0x15: {  	[smem:$0x3FB0] =	sst s0;
	s0 =	simm.s32 @!p2 $0x0  }
0x16: {  	s3 =	sld [smem:$0x3FDB];
	s0 =	simm.s32 @p2 $0x1  }
0x17: {  	s4 =	simm.s32 $0x1BF5;
	[smem:$0x3FB2] =	sst s0  }
0x18: {  	s0 =	sld [smem:$0x3F95];
	_ =	swait.ge [sflag:s4], $0x0  }
0x19: {  	s7 =	sld [smem:$0x3F96]  }
0x1a: {  	s8 =	sadd.s32 $0xFFFFE003, lr  }
0x1b: {  	s9 =	sadd.s32 $0xFFFFFEF7, lr;
	s5 =	simm.s32 $0xFFFFFFFF;
	p2 =	slt.u32 s8, $0xFFFFF086  }
0x1c: {  	p1 =	slt.u32 s9, $0xF7A;
	s5 =	simm.s32 @!p2 $0x0  }
0x1d: {  	s5 =	simm.s32 @p1 $0x1;
	p0 =	seq.s32 s7, s2  }
0x1e: {  	s7 =	smul.u32 @!p0 $0xF7A, s2;
	p2 =	seq.s32 @!p0 s5, $0x0  }
0x1f: {  	s9 =	smul.u32 $0xF7A, s1;
	s8 =	simm.s32 @!p0 $0x1BF5;
	p2 =	por !p2, p0  }
0x20: {  	[sflag:s8] =	ssyncset.s32 @!p0 $0xFFFFF086;
	s6 =	sadd.s32 @!p0 s3, s7;
	s7 =	simm.s32 @!p0 $0x108  }
0x21: {  	s3 =	sadd.s32 s3, s9;
	s6 =	sadd.s32 @!p0 $0x88, s6;
	s7 =	simm.s32 @p2 $0x1082  }
0x22: {  	[simem:s7], [sflag:s8] =	dma.local @!p0 [hbm:s6], $0xF7A  }
0x23: {  	s9 =	sor.u32 $0xD0000000, s2;
	s6 =	simm.s32 $0x108;
	_ =	swait.ge @!p0 [sflag:s8], $0x0  }
0x24: {  	s3 =	sadd.s32 $0x88, s3;
	s6 =	simm.s32 @!p1 $0x1082;
	[sflag:s4] =	ssyncset.s32 $0xFFFFF086  }
0x25: {  	[simem:s6], [sflag:s4] =	dma.local [hbm:s3], $0xF7A  }
0x26: {  	[smem:$0x3F96] =	sst s1;
	(tag) =	ssettag s2;
	_ =	strace s9  }
0x27: {  	s1 =	sld [smem:$0x3FA6]  }
0x28: {  	s2 =	sld [smem:$0x3FA7]  }
0x29: {  	s4 =	sld [smem:$0x3FA9]  }
0x2a: {  	p0 =	seq.s32 s5, $0x0;
	s5 =	sld [smem:$0x3FAA]  }
0x2b: {  	s6 =	sld [smem:$0x3FAB]  }
0x2c: {  	s7 =	sld [smem:$0x3FAC]  }
0x2d: {  	s3 =	simm.s32 $0x108;
	s8 =	sld [smem:$0x3FAD]  }
0x2e: {  	s3 =	simm.s32 @!p0 $0x1082;
	s9 =	sld [smem:$0x3FAE]  }
0x2f: {  	lr =	sadd.s32 s0, s3;
	s0 =	sld [smem:$0x3FA5]  }
0x30: {  	s3 =	sld [smem:$0x3FA8]  }
0x31: {  	[smem:$0x3FB1] =	sst s10  }
0x32: {  	s10 =	sld [smem:$0x3FAF];
	_ =	sdelay $0x3  }
0x33: {  	p0 =	seq.s32 s10, $0x1;
	s10 =	sld [smem:$0x3FB1];
	_ =	sdelay $0x3  }
0x34: {  	[smem:$0x3FB1] =	sst s10  }
0x35: {  	s10 =	sld [smem:$0x3FB0];
	_ =	sdelay $0x3  }
0x36: {  	p1 =	seq.s32 s10, $0x1;
	s10 =	sld [smem:$0x3FB1];
	_ =	sdelay $0x3  }
0x37: {  	[smem:$0x3FB1] =	sst s10  }
0x38: {  	s10 =	sld [smem:$0x3FB2]  }
0x39: {  	_ = 	snop;
	(pc) =	sbr.ind lr, $3  }
0x3a: {  	_ = 	snop  }
0x3b: {  	_ = 	snop  }
0x3c: {  	p2 =	seq.s32 s10, $0x1;
	s10 =	sld [smem:$0x3FB1]  }
0x3d: {  	_ =	shalt  }
0x3e: {  	_ =	shalt  }
0x3f: {  	_ =	shalt  }
0x40: {  	_ =	shalt  }
0x41: {  	_ =	shalt  }
0x42: {  	_ =	shalt  }
0x43: {  	_ =	shalt  }
0x44: {  	_ =	shalt  }
0x45: {  	_ =	shalt  }
0x46: {  	_ =	shalt  }
0x47: {  	_ =	shalt  }
0x48: {  	_ =	shalt  }
0x49: {  	_ =	shalt  }
0x4a: {  	_ =	shalt  }
0x4b: {  	_ =	shalt  }
0x4c: {  	_ =	shalt  }
0x4d: {  	_ =	shalt  }
0x4e: {  	_ =	shalt  }
0x4f: {  	_ =	shalt  }
0x50: {  	_ =	shalt  }
0x51: {  	_ =	shalt  }
0x52: {  	_ =	shalt  }
0x53: {  	_ =	shalt  }
0x54: {  	_ =	shalt  }
0x55: {  	_ =	shalt  }
0x56: {  	_ =	shalt  }
0x57: {  	_ =	shalt  }
0x58: {  	_ =	shalt  }
0x59: {  	_ =	shalt  }
0x5a: {  	_ =	shalt  }
0x5b: {  	_ =	shalt  }
0x5c: {  	_ =	shalt  }
0x5d: {  	_ =	shalt  }
0x5e: {  	_ =	shalt  }
0x5f: {  	_ =	shalt  }
0x60: {  	_ =	shalt  }
0x61: {  	_ =	shalt  }
0x62: {  	_ =	shalt  }
0x63: {  	_ =	shalt  }
0x64: {  	_ =	shalt  }
0x65: {  	_ =	shalt  }
0x66: {  	_ =	shalt  }
0x67: {  	_ =	shalt  }
0x68: {  	_ =	shalt  }
0x69: {  	_ =	shalt  }
0x6a: {  	_ =	shalt  }
0x6b: {  	_ =	shalt  }
0x6c: {  	_ =	shalt  }
0x6d: {  	_ =	shalt  }
0x6e: {  	_ =	shalt  }
0x6f: {  	_ =	shalt  }
0x70: {  	_ =	shalt  }
0x71: {  	_ =	shalt  }
0x72: {  	_ =	shalt  }
0x73: {  	_ =	shalt  }
0x74: {  	_ =	shalt  }
0x75: {  	_ =	shalt  }
0x76: {  	_ =	shalt  }
0x77: {  	_ =	shalt  }
0x78: {  	_ =	shalt  }
0x79: {  	_ =	shalt  }
0x7a: {  	_ =	shalt  }
0x7b: {  	_ =	shalt  }
0x7c: {  	_ =	shalt  }
0x7d: {  	_ =	shalt  }
0x7e: {  	_ =	shalt  }
0x7f: {  	_ =	shalt  }
0x80: {  	_ =	shalt  }
0x81: {  	_ =	shalt  }
0x82: {  	_ =	shalt  }
0x83: {  	_ =	shalt  }
0x84: {  	_ =	shalt  }
0x85: {  	_ =	shalt  }
0x86: {  	_ =	shalt  }
0x87: {  	_ =	shalt  }
.Lfunc_end0:
.L_simem_size_0:
called_computation_lowered:
.L_overlay_start_0:
0x88: {  	s2 =	sld [smem:$0x3FD9]  }
0x89: {  	s3 =	sld [smem:$0x3FFE];
	_ =	sdelay $0x1  }
0x8a: {  	s1 =	srdreg.scid  }
0x8b: {  	s0 =	sand.u32 $0x1, s1  }
0x8c: {  	s16 =	sshll.u32 s0, $0xA;
	s2 =	sadd.s32 s3, s2  }
0x8d: {  	s2 =	sadd.s32 s2, s16  }
0x8e: {  	[smem:$0x3FBD] =	sst s2  }
0x8f: {  	_ = 	snop  }
0x90: {  	(tm) =	ssettm $0x1  }
0x91: {  	s17 =	sld [smem:$0x3FFB];
	_ =	sdelay $0x3  }
0x92: {  	_ =	strace s17  }
0x93: {  	s2 =	sld [smem:$0x3FFC];
	_ =	sdelay $0x3  }
0x94: {  	_ =	strace s2  }
0x95: {  	s2 =	sld [smem:$0x3FFD];
	_ =	sdelay $0x3  }
0x96: {  	_ =	strace s2  }
0x97: {  	_ =	strace $0x8FFFFFFF  }
0x98: {  	s18 =	sld [smem:$0x3FDB];
	_ =	sdelay $0x1  }
0x99: {  	s19 =	simm.s32 $_scs_section_size  }
0x9a: {  	s4 =	simm.s32 $_size__tile_overlayer_lowered;
	s5 =	simm.s32 $_tile_overlayer_lowered  }
0x9b: {  	s22 =	simm.s32 $0x1BFF;
	s21 =	sshll.u32 s5, $0x1;
	s2 =	sadd.s32 s19, s18  }
0x9c: {  	s6 =	simm.s32 $0x0;
	s20 =	sshll.u32 s4, $0x1;
	s4 =	sadd.s32 s21, s2  }
0x9d: {  	[timem:s6], [sflag:s22] =	dma.local [hbm:s4], s20  }
0x9e: {  	_ =	swait.ge [sflag:s22], s20  }
0x9f: {  	s3 =	ssub.s32 $0x0, s20;
	[sflag:s22] =	ssyncset.done $0x0  }
0xa0: {  	[sflag:s22] =	ssyncadd.s32 s3;
	_ =	sdelay $0x1  }
0xa1: {  	s23 =	simm.s32 $0x1B8B  }
0xa2: {  	_ =	swait.ge [sflag:s23], $0x1  }
0xa3: {  	[sflag:s23] =	ssyncset.done $0x0  }
0xa4: {  	s25 =	simm.s32 $0x1B8E;
	s24 =	sld [smem:$0x3FFE];
	[sflag:s23] =	ssyncadd.s32 $0xFFFFFFFF  }
0xa5: {  	s26 =	simm.s32 $execute0_lowered;
	[smem:$0x3FD2] =	sst s25  }
0xa6: {  	s4 =	sshll.u32 s26, $0x1;
	_ =	strace $0x80000046;
	[dreg:$0x1] =	wrdreg $0xFFFFFFFF  }
0xa7: {  	s28 =	simm.s32 $_size_execute0_lowered;
	s2 =	sadd.s32 s2, s4;
	[dreg:$0x0] =	wrdreg $0x0  }
0xa8: {  	s4 =	sshll.u32 s28, $0x1;
	[dreg:$0x2] =	wrdreg s2  }
0xa9: {  	[dreg:$0x3] =	wrdreg s4  }
0xaa: {  	[dreg:$0x4] =	wrdreg $0xC0  }
0xab: {  	_ =	task [dreg:s6], $0x5FFFF  }
0xac: {  	[dreg:$0x1] =	wrdreg $0xFFFFFFFF  }
0xad: {  	[dreg:$0x0] =	wrdreg $0x60  }
0xae: {  	[dreg:$0x2] =	wrdreg s24  }
0xaf: {  	[dreg:$0x3] =	wrdreg $0x68000  }
0xb0: {  	[dreg:$0x4] =	wrdreg $0x9  }
0xb1: {  	_ =	task.clear_ibuf [dreg:s6], $0x5FFFF;
	_ =	strace $0x90000046  }
0xb2: {  	s29 =	simm.s32 $0x9;
	_ =	strace $0x80000048  }
0xb3: {  	_ =	swait.ge [sflag:s29], $0x1  }
0xb4: {  	[sflag:s29] =	ssyncadd.s32 $0xFFFFFFFF  }
0xb5: {  	_ =	strace $0x90000048  }
0xb6: {  	_ =	sfence  }
0xb7: {  	s30 =	sld [smem:$0x0];
	_ =	sdelay $0x2  }
0xb8: {  	s31 =	sshll.u32 s1, $0xD;
	s1 =	sshrl.u32 s1, $0x2  }
0xb9: {  	s3 =	sand.u32 $0x4000, s31;
	s1 =	sadd.s32 s1, s30  }
0xba: {  	s0 =	sor.u32 s3, s0;
	s1 =	sshll.u32 s1, $0x11  }
0xbb: {  	s0 =	sor.u32 s1, s0  }
0xbc: {  	s0 =	sadd.s32 $0x8F2B, s0  }
0xbd: {  	[sflag:s0] =	ssyncadd.remote.s32 $0x1  }
0xbe: {  	_ =	sfence.sel $0xFFFF  }
0xbf: {  	[dreg:$0x0] =	wrdreg $0xFFFFFFFF;
	(pc) =	sbr.abs _section_cstart, $3  }
0xc0: {  	[dreg:$0x1] =	wrdreg $0xFFFFFFFF  }
0xc1: {  	_ =	task.clear_ibuf [dreg:s6], $0x2FFFF;
	_ =	strace $0x9FFFFFFF  }
0xc2: {  	(tm) =	ssettm $0x7FFFFFFF  }
0xc3: {  	_ =	shalt  }
tec
execute0_lowered:
.L_overlay_start_1:
0x0: {  	(tag) =	ssettag $0x1  }
0x1: {  	s1 =	srdreg.scid  }
0x2: {  	s0 =	stileid.u32;
	s5 =	rddreg [dreg:$0x0]  }
0x3: {  	s2 =	rddreg [dreg:$0x1];
	s3 =	simm.s32 $0x0;
	s13 =	simm.s32 $0x80  }
0x4: {  	s14 =	simm.s32 $0x0;
	s4 =	sand.u32 $0x1, s1;
	s1 =	rddreg [dreg:$0x2]  }
0x5: {  	s26 =	sshll.u32 s0, $0x1;
	[smem:$0x7FF] =	sst s3;
	s7 =	smul.u32 $0x2800, s0  }
0x6: {  	s11 =	smul.u32 $0x50000, s0;
	s31 =	sshll.u32 s0, $0x6;
	s6 =	sor.u32 s4, s26  }
0x7: {  	_ =	strace $0x80000047;
	s28 =	smul.u32 $0x28000, s4;
	s10 =	ssub.s32 $0x2, s4  }
0x8: {  	s4 =	sadd.s32 $0x41600, s5;
	s6 =	smul.u32 $0x500, s6;
	s29 =	sshrl.u32 s10, $0x1  }
0x9: {  	s9 =	sadd.s32 s7, s5;
	s30 =	sshrl.u32 s11, $0x2;
	s10 =	ssub.s32 s10, s29  }
0xa: {  	s11 =	sadd.s32 s30, s2;
	s8 =	sadd.s32 s6, s5;
	s6 =	sadd.s32 s7, s28  }
0xb: {  	s12 =	sadd.s32 s6, s5;
	s5 =	sadd.s32 $0x19600, s9;
	s6 =	sor.u32 $0x1C01, s31  }
0xc: {  	s7 =	sadd.s32 $0x5600, s8;
	s9 =	smax.u32 s10, $0x1;
	s10 =	sshrl.u32 s11, $0x3  }
0xd: {  	s11 =	simm.s32 $0x1;
	s8 =	sadd.s32 $0x41E00, s12;
	s12 =	simm.s32 $0x2800  }
.LBB2_1:
0xe: {  	[spmem:s10], [sflag:s6] =	dma.local [hbm:s5], $0x2800  }
0xf: {  	_ =	swait.ge [sflag:s11], $0x2800  }
0x10: {  	[sflag:s11] =	ssyncset.done $0x0  }
0x11: {  	[sflag:s11] =	ssyncadd.s32 $0xFFFFD800  }
0x12: {  	[tilespmem:s12], [sflag:$0x1] =	stream.linear.gather [hbm4b:s4+s3], $0x4000, $0x38;
	[tilespmem:$0x1A800] =	vst v63  }
0x13: {  	_ =	swait.ge [sflag:s11], $0x4000  }
0x14: {  	[sflag:s11] =	ssyncset.done $0x0  }
0x15: {  	[sflag:s11] =	ssyncadd.s32 $0xFFFFC000  }
0x16: {  	[tilespmem:s3], [sflag:$0x1] =	stream.linear.gather [hbm4b:s7+s3], $0x2800, $0x38;
	[tilespmem:$0x1A800] =	vst v63  }
0x17: {  	_ =	swait.ge [sflag:s11], $0x2800  }
0x18: {  	[sflag:s11] =	ssyncset.done $0x0  }
0x19: {  	[sflag:s11] =	ssyncadd.s32 $0xFFFFD800  }
0x1a: {  	s15 =	simm.s32 $0x0;
	[bflag:$0x0] =	sbarrier.arrive $0xFFFF  }
0x1b: {  	[spmem:s2] =	stream.indirect.scatter.add.f32 [tilespmem:s12], [sflag:$0x1], $0x80, s15, s13, $0xb8;
	[tilespmem:$0x1A800] =	vst v63  }
0x1c: {  	_ =	swait.ge [sflag:s11], $0x4000  }
0x1d: {  	s15 =	simm.s32 $0x200;
	[sflag:s11] =	ssyncset.done $0x0  }
.LBB2_2:
0x1e: {  	s16 =	sshra.s32 s15, $0x2;
	[sflag:s11] =	ssyncadd.s32 $0xFFFFC000;
	p0 =	sne.s32 s15, $0x9E00  }
0x1f: {  	[spmem:s2] =	stream.indirect.scatter.add.f32 [tilespmem:s12], [sflag:$0x1], $0x80, s16, s13, $0xb8;
	[tilespmem:$0x1A800] =	vst v63  }
.Ltmp0:
0x20: {  	_ = 	snop;
	(pc) =	sbr.rel @p0 .LBB2_2-.Ltmp0, $4  }
0x21: {  	_ = 	snop  }
0x22: {  	s15 =	sadd.s32 $0x200, s15  }
0x23: {  	_ =	swait.ge [sflag:s11], $0x4000  }
0x24: {  	[sflag:s11] =	ssyncset.done $0x0  }
0x25: {  	s14 =	sadd.s32 $0x1, s14  }
0x26: {  	[sflag:s11] =	ssyncadd.s32 $0xFFFFC000;
	p0 =	sne.s32 s14, s9  }
.Ltmp1:
0x27: {  	[bflag:$0x0] =	sbarrier.arrive $0xFFFF;
	(pc) =	sbr.rel @p0 .LBB2_1-.Ltmp1, $4  }
0x28: {  	[hbm:s8], [sflag:s6] =	dma.local [spmem:s10], $0x2800  }
0x29: {  	_ =	swait.ge [sflag:s11], $0x2800  }
0x2a: {  	[sflag:s11] =	ssyncset.done $0x0  }
0x2b: {  	[sflag:s11] =	ssyncadd.s32 $0xFFFFD800  }
0x2c: {  	_ =	sfence.sel $0x180000  }
0x2d: {  	[bflag:$0x0] =	sbarrier.arrive $0xFFFF  }
0x2e: {  	p0 =	sne.s32 s0, $0x0;
	_ =	strace $0x90000047  }
0x2f: {  	s0 =	sadd.s32 @!p0 $0x100000, s1;
	[bflag:$0x2] =	sbarrier.arrive $0xFFFF  }
0x30: {  	[sflag:s0] =	ssyncadd.tile.s32 @!p0 $0x1;
	_ =	shalt  }
.Lfunc_end2:
_tile_overlayer_lowered:
.L_overlay_start_2:
0x31: {  	(tag) =	ssettag $0x2  }
0x32: {  	s0 =	rddreg [dreg:$0x0];
	s2 =	stileid.u32  }
0x33: {  	s1 =	rddreg [dreg:$0x1];
	p0 =	sne.s32 s2, $0x0  }
0x34: {  	s3 =	rddreg [dreg:$0x2];
	[bflag:$0x3] =	sbarrier.arrive $0xFFFF;
	s2 =	simm.s32 @!p0 $0x1C01  }
0x35: {  	[timem:s3], [sflag:s2] =	dma.local @!p0 [hbm:s0], s1  }
0x36: {  	s0 =	simm.s32 @!p0 $0x1  }
0x37: {  	_ =	swait.ge @!p0 [sflag:s0], s1  }
0x38: {  	s1 =	ssub.s32 @!p0 $0x0, s1;
	[sflag:s0] =	ssyncset.done @!p0 $0x0  }
0x39: {  	[sflag:s0] =	ssyncadd.s32 @!p0 s1  }
0x3a: {  	[bflag:$0x3] =	sbarrier.arrive $0xFFFF  }
0x3b: {  	_ =	shalt  }

// kernel: kernel.13.cloned.1.call-start
scs
__scs_entry_jumppad:
0x0: {  	(pc) =	sbr.rel $0x88, $3  }
0x1: {  	(tag) =	ssettag $0x0;
	lr =	simm.s32 $0x1  }
0x2: {  	[smem:$0x3F96] =	sst lr;
	_ =	strace $0xD0000000  }
0x3: {  	_ = 	snop  }
0x4: {  	_ = 	snop  }
0x5: {  	_ = 	snop  }
0x6: {  	_ = 	snop  }
0x7: {  	_ = 	snop  }
__scs_overlays_trampoline_lowered:
0x8: {  	[smem:$0x3FA5] =	sst s0  }
0x9: {  	[smem:$0x3FA6] =	sst s1  }
0xa: {  	[smem:$0x3FA7] =	sst s2  }
0xb: {  	[smem:$0x3FA8] =	sst s3  }
0xc: {  	[smem:$0x3FA9] =	sst s4  }
0xd: {  	[smem:$0x3FAA] =	sst s5  }
0xe: {  	[smem:$0x3FAB] =	sst s6  }
0xf: {  	[smem:$0x3FAC] =	sst s7  }
0x10: {  	[smem:$0x3FAD] =	sst s8  }
0x11: {  	[smem:$0x3FAE] =	sst s9;
	s0 =	simm.s32 @!p0 $0x0  }
0x12: {  	s1 =	sld [smem:$0x3F94];
	s0 =	simm.s32 @p0 $0x1  }
0x13: {  	[smem:$0x3FAF] =	sst s0;
	s0 =	simm.s32 @!p1 $0x0  }
0x14: {  	s2 =	sld [smem:$0x3F93];
	s0 =	simm.s32 @p1 $0x1  }
0x15: {  	[smem:$0x3FB0] =	sst s0;
	s0 =	simm.s32 @!p2 $0x0  }
0x16: {  	s3 =	sld [smem:$0x3FDB];
	s0 =	simm.s32 @p2 $0x1  }
0x17: {  	s4 =	simm.s32 $0x1BF5;
	[smem:$0x3FB2] =	sst s0  }
0x18: {  	s0 =	sld [smem:$0x3F95];
	_ =	swait.ge [sflag:s4], $0x0  }
0x19: {  	s7 =	sld [smem:$0x3F96]  }
0x1a: {  	s8 =	sadd.s32 $0xFFFFE003, lr  }
0x1b: {  	s9 =	sadd.s32 $0xFFFFFEF7, lr;
	s5 =	simm.s32 $0xFFFFFFFF;
	p2 =	slt.u32 s8, $0xFFFFF086  }
0x1c: {  	p1 =	slt.u32 s9, $0xF7A;
	s5 =	simm.s32 @!p2 $0x0  }
0x1d: {  	s5 =	simm.s32 @p1 $0x1;
	p0 =	seq.s32 s7, s2  }
0x1e: {  	s7 =	smul.u32 @!p0 $0xF7A, s2;
	p2 =	seq.s32 @!p0 s5, $0x0  }
0x1f: {  	s9 =	smul.u32 $0xF7A, s1;
	s8 =	simm.s32 @!p0 $0x1BF5;
	p2 =	por !p2, p0  }
0x20: {  	[sflag:s8] =	ssyncset.s32 @!p0 $0xFFFFF086;
	s6 =	sadd.s32 @!p0 s3, s7;
	s7 =	simm.s32 @!p0 $0x108  }
0x21: {  	s3 =	sadd.s32 s3, s9;
	s6 =	sadd.s32 @!p0 $0x88, s6;
	s7 =	simm.s32 @p2 $0x1082  }
0x22: {  	[simem:s7], [sflag:s8] =	dma.local @!p0 [hbm:s6], $0xF7A  }
0x23: {  	s9 =	sor.u32 $0xD0000000, s2;
	s6 =	simm.s32 $0x108;
	_ =	swait.ge @!p0 [sflag:s8], $0x0  }
0x24: {  	s3 =	sadd.s32 $0x88, s3;
	s6 =	simm.s32 @!p1 $0x1082;
	[sflag:s4] =	ssyncset.s32 $0xFFFFF086  }
0x25: {  	[simem:s6], [sflag:s4] =	dma.local [hbm:s3], $0xF7A  }
0x26: {  	[smem:$0x3F96] =	sst s1;
	(tag) =	ssettag s2;
	_ =	strace s9  }
0x27: {  	s1 =	sld [smem:$0x3FA6]  }
0x28: {  	s2 =	sld [smem:$0x3FA7]  }
0x29: {  	s4 =	sld [smem:$0x3FA9]  }
0x2a: {  	p0 =	seq.s32 s5, $0x0;
	s5 =	sld [smem:$0x3FAA]  }
0x2b: {  	s6 =	sld [smem:$0x3FAB]  }
0x2c: {  	s7 =	sld [smem:$0x3FAC]  }
0x2d: {  	s3 =	simm.s32 $0x108;
	s8 =	sld [smem:$0x3FAD]  }
0x2e: {  	s3 =	simm.s32 @!p0 $0x1082;
	s9 =	sld [smem:$0x3FAE]  }
0x2f: {  	lr =	sadd.s32 s0, s3;
	s0 =	sld [smem:$0x3FA5]  }
0x30: {  	s3 =	sld [smem:$0x3FA8]  }
0x31: {  	[smem:$0x3FB1] =	sst s10  }
0x32: {  	s10 =	sld [smem:$0x3FAF];
	_ =	sdelay $0x3  }
0x33: {  	p0 =	seq.s32 s10, $0x1;
	s10 =	sld [smem:$0x3FB1];
	_ =	sdelay $0x3  }
0x34: {  	[smem:$0x3FB1] =	sst s10  }
0x35: {  	s10 =	sld [smem:$0x3FB0];
	_ =	sdelay $0x3  }
0x36: {  	p1 =	seq.s32 s10, $0x1;
	s10 =	sld [smem:$0x3FB1];
	_ =	sdelay $0x3  }
0x37: {  	[smem:$0x3FB1] =	sst s10  }
0x38: {  	s10 =	sld [smem:$0x3FB2]  }
0x39: {  	_ = 	snop;
	(pc) =	sbr.ind lr, $3  }
0x3a: {  	_ = 	snop  }
0x3b: {  	_ = 	snop  }
0x3c: {  	p2 =	seq.s32 s10, $0x1;
	s10 =	sld [smem:$0x3FB1]  }
0x3d: {  	_ =	shalt  }
0x3e: {  	_ =	shalt  }
0x3f: {  	_ =	shalt  }
0x40: {  	_ =	shalt  }
0x41: {  	_ =	shalt  }
0x42: {  	_ =	shalt  }
0x43: {  	_ =	shalt  }
0x44: {  	_ =	shalt  }
0x45: {  	_ =	shalt  }
0x46: {  	_ =	shalt  }
0x47: {  	_ =	shalt  }
0x48: {  	_ =	shalt  }
0x49: {  	_ =	shalt  }
0x4a: {  	_ =	shalt  }
0x4b: {  	_ =	shalt  }
0x4c: {  	_ =	shalt  }
0x4d: {  	_ =	shalt  }
0x4e: {  	_ =	shalt  }
0x4f: {  	_ =	shalt  }
0x50: {  	_ =	shalt  }
0x51: {  	_ =	shalt  }
0x52: {  	_ =	shalt  }
0x53: {  	_ =	shalt  }
0x54: {  	_ =	shalt  }
0x55: {  	_ =	shalt  }
0x56: {  	_ =	shalt  }
0x57: {  	_ =	shalt  }
0x58: {  	_ =	shalt  }
0x59: {  	_ =	shalt  }
0x5a: {  	_ =	shalt  }
0x5b: {  	_ =	shalt  }
0x5c: {  	_ =	shalt  }
0x5d: {  	_ =	shalt  }
0x5e: {  	_ =	shalt  }
0x5f: {  	_ =	shalt  }
0x60: {  	_ =	shalt  }
0x61: {  	_ =	shalt  }
0x62: {  	_ =	shalt  }
0x63: {  	_ =	shalt  }
0x64: {  	_ =	shalt  }
0x65: {  	_ =	shalt  }
0x66: {  	_ =	shalt  }
0x67: {  	_ =	shalt  }
0x68: {  	_ =	shalt  }
0x69: {  	_ =	shalt  }
0x6a: {  	_ =	shalt  }
0x6b: {  	_ =	shalt  }
0x6c: {  	_ =	shalt  }
0x6d: {  	_ =	shalt  }
0x6e: {  	_ =	shalt  }
0x6f: {  	_ =	shalt  }
0x70: {  	_ =	shalt  }
0x71: {  	_ =	shalt  }
0x72: {  	_ =	shalt  }
0x73: {  	_ =	shalt  }
0x74: {  	_ =	shalt  }
0x75: {  	_ =	shalt  }
0x76: {  	_ =	shalt  }
0x77: {  	_ =	shalt  }
0x78: {  	_ =	shalt  }
0x79: {  	_ =	shalt  }
0x7a: {  	_ =	shalt  }
0x7b: {  	_ =	shalt  }
0x7c: {  	_ =	shalt  }
0x7d: {  	_ =	shalt  }
0x7e: {  	_ =	shalt  }
0x7f: {  	_ =	shalt  }
0x80: {  	_ =	shalt  }
0x81: {  	_ =	shalt  }
0x82: {  	_ =	shalt  }
0x83: {  	_ =	shalt  }
0x84: {  	_ =	shalt  }
0x85: {  	_ =	shalt  }
0x86: {  	_ =	shalt  }
0x87: {  	_ =	shalt  }
.Lfunc_end0:
.L_simem_size_0:
called_computation.1_lowered:
.L_overlay_start_0:
0x88: {  	s2 =	sld [smem:$0x3FD9]  }
0x89: {  	s3 =	sld [smem:$0x3FFE];
	_ =	sdelay $0x1  }
0x8a: {  	s1 =	srdreg.scid  }
0x8b: {  	s0 =	sand.u32 $0x1, s1  }
0x8c: {  	s16 =	sshll.u32 s0, $0xA;
	s2 =	sadd.s32 s3, s2  }
0x8d: {  	s2 =	sadd.s32 s2, s16  }
0x8e: {  	[smem:$0x3FBD] =	sst s2  }
0x8f: {  	_ = 	snop  }
0x90: {  	(tm) =	ssettm $0x1  }
0x91: {  	s17 =	sld [smem:$0x3FFB];
	_ =	sdelay $0x3  }
0x92: {  	_ =	strace s17  }
0x93: {  	s2 =	sld [smem:$0x3FFC];
	_ =	sdelay $0x3  }
0x94: {  	_ =	strace s2  }
0x95: {  	s2 =	sld [smem:$0x3FFD];
	_ =	sdelay $0x3  }
0x96: {  	_ =	strace s2  }
0x97: {  	_ =	strace $0x8FFFFFFF  }
0x98: {  	s18 =	sld [smem:$0x3FDB];
	_ =	sdelay $0x1  }
0x99: {  	s19 =	simm.s32 $_scs_section_size  }
0x9a: {  	s4 =	simm.s32 $_size__tile_overlayer_lowered;
	s5 =	simm.s32 $_tile_overlayer_lowered  }
0x9b: {  	s22 =	simm.s32 $0x1BFF;
	s21 =	sshll.u32 s5, $0x1;
	s2 =	sadd.s32 s19, s18  }
0x9c: {  	s6 =	simm.s32 $0x0;
	s20 =	sshll.u32 s4, $0x1;
	s4 =	sadd.s32 s21, s2  }
0x9d: {  	[timem:s6], [sflag:s22] =	dma.local [hbm:s4], s20  }
0x9e: {  	_ =	swait.ge [sflag:s22], s20  }
0x9f: {  	s3 =	ssub.s32 $0x0, s20;
	[sflag:s22] =	ssyncset.done $0x0  }
0xa0: {  	[sflag:s22] =	ssyncadd.s32 s3;
	_ =	sdelay $0x1  }
0xa1: {  	s23 =	simm.s32 $0x1B8B  }
0xa2: {  	_ =	swait.ge [sflag:s23], $0x1  }
0xa3: {  	[sflag:s23] =	ssyncset.done $0x0  }
0xa4: {  	s25 =	simm.s32 $0x1B8E;
	s24 =	sld [smem:$0x3FFE];
	[sflag:s23] =	ssyncadd.s32 $0xFFFFFFFF  }
0xa5: {  	s26 =	simm.s32 $execute0_lowered;
	[smem:$0x3FD2] =	sst s25  }
0xa6: {  	s4 =	sshll.u32 s26, $0x1;
	_ =	strace $0x80000049;
	[dreg:$0x1] =	wrdreg $0xFFFFFFFF  }
0xa7: {  	s28 =	simm.s32 $_size_execute0_lowered;
	s2 =	sadd.s32 s2, s4;
	[dreg:$0x0] =	wrdreg $0x0  }
0xa8: {  	s4 =	sshll.u32 s28, $0x1;
	[dreg:$0x2] =	wrdreg s2  }
0xa9: {  	[dreg:$0x3] =	wrdreg s4  }
0xaa: {  	[dreg:$0x4] =	wrdreg $0xC0  }
0xab: {  	_ =	task [dreg:s6], $0x5FFFF  }
0xac: {  	[dreg:$0x1] =	wrdreg $0xFFFFFFFF  }
0xad: {  	[dreg:$0x0] =	wrdreg $0x60  }
0xae: {  	[dreg:$0x2] =	wrdreg s24  }
0xaf: {  	[dreg:$0x3] =	wrdreg $0xB0000  }
0xb0: {  	[dreg:$0x4] =	wrdreg $0x9  }
0xb1: {  	_ =	task.clear_ibuf [dreg:s6], $0x5FFFF;
	_ =	strace $0x90000049  }
0xb2: {  	s29 =	simm.s32 $0x9;
	_ =	strace $0x8000004B  }
0xb3: {  	_ =	swait.ge [sflag:s29], $0x1  }
0xb4: {  	[sflag:s29] =	ssyncadd.s32 $0xFFFFFFFF  }
0xb5: {  	_ =	strace $0x9000004B  }
0xb6: {  	_ =	sfence  }
0xb7: {  	s30 =	sld [smem:$0x0];
	_ =	sdelay $0x2  }
0xb8: {  	s31 =	sshll.u32 s1, $0xD;
	s1 =	sshrl.u32 s1, $0x2  }
0xb9: {  	s3 =	sand.u32 $0x4000, s31;
	s1 =	sadd.s32 s1, s30  }
0xba: {  	s0 =	sor.u32 s3, s0;
	s1 =	sshll.u32 s1, $0x11  }
0xbb: {  	s0 =	sor.u32 s1, s0  }
0xbc: {  	s0 =	sadd.s32 $0x8F2B, s0  }
0xbd: {  	[sflag:s0] =	ssyncadd.remote.s32 $0x1  }
0xbe: {  	_ =	sfence.sel $0xFFFF  }
0xbf: {  	[dreg:$0x0] =	wrdreg $0xFFFFFFFF;
	(pc) =	sbr.abs _section_cstart, $3  }
0xc0: {  	[dreg:$0x1] =	wrdreg $0xFFFFFFFF  }
0xc1: {  	_ =	task.clear_ibuf [dreg:s6], $0x2FFFF;
	_ =	strace $0x9FFFFFFF  }
0xc2: {  	(tm) =	ssettm $0x7FFFFFFF  }
0xc3: {  	_ =	shalt  }
tec
execute0_lowered:
.L_overlay_start_1:
0x0: {  	(tag) =	ssettag $0x1  }
0x1: {  	s0 =	stileid.u32  }
0x2: {  	s1 =	srdreg.scid;
	s5 =	rddreg [dreg:$0x0]  }
0x3: {  	s2 =	rddreg [dreg:$0x1];
	s3 =	simm.s32 $0x0;
	s28 =	simm.s32 $0x100  }
0x4: {  	s29 =	simm.s32 $0x180;
	s30 =	simm.s32 $0x200;
	s14 =	simm.s32 $0x280  }
0x5: {  	s15 =	simm.s32 $0x300;
	s6 =	sand.u32 $0x1, s1;
	s1 =	rddreg [dreg:$0x2]  }
0x6: {  	s16 =	simm.s32 $0x380;
	s17 =	simm.s32 $0x400;
	[smem:$0x7FF] =	sst s3  }
0x7: {  	s18 =	simm.s32 $0x480;
	_ =	strace $0x8000004A;
	[dreg:$0x3] =	wrdreg s28  }
0x8: {  	s19 =	simm.s32 $0x500;
	s7 =	smul.u32 $0xA00, s0;
	[dreg:$0x4] =	wrdreg s29  }
0x9: {  	s31 =	simm.s32 $0x580;
	s9 =	smul.u32 $0x2800, s0;
	[dreg:$0x5] =	wrdreg s30  }
0xa: {  	s20 =	sshll.u32 s0, $0x1;
	s21 =	smul.u32 $0x50000, s0;
	[dreg:$0x6] =	wrdreg s14  }
0xb: {  	s24 =	sshll.u32 s0, $0x6;
	s4 =	sor.u32 s6, s20;
	[dreg:$0x7] =	wrdreg s15  }
0xc: {  	s10 =	smul.u32 $0x28000, s6;
	s13 =	ssub.s32 $0x2, s6;
	[dreg:$0x8] =	wrdreg s16  }
0xd: {  	s25 =	smul.u32 $0x500, s6;
	s6 =	sor.u32 $0x1C03, s24;
	[dreg:$0x9] =	wrdreg s17  }
0xe: {  	s14 =	simm.s32 $0x80;
	s15 =	simm.s32 $0x3000;
	[dreg:$0xa] =	wrdreg s18  }
0xf: {  	s16 =	simm.s32 $0x7000;
	s17 =	simm.s32 $0x1;
	[dreg:$0xb] =	wrdreg s19  }
0x10: {  	s18 =	simm.s32 $0x2;
	[dreg:$0xc] =	wrdreg s31;
	s19 =	simm.s32 $0x600  }
0x11: {  	s20 =	simm.s32 $0x680;
	s8 =	smul.u32 $0x500, s4;
	s4 =	sadd.s32 $0x41600, s5  }
0x12: {  	s11 =	sadd.s32 s7, s5;
	s12 =	sadd.s32 s9, s5;
	s22 =	sshrl.u32 s13, $0x1  }
0x13: {  	s7 =	sshrl.u32 s21, $0x2;
	s21 =	simm.s32 $0x700;
	s9 =	sadd.s32 s9, s10  }
0x14: {  	s10 =	ssub.s32 s13, s22;
	s23 =	sadd.s32 s7, s2;
	s26 =	sadd.s32 s25, s11  }
0x15: {  	s13 =	simm.s32 $0x800;
	s22 =	simm.s32 $0x780;
	s8 =	sadd.s32 s8, s5  }
0x16: {  	s9 =	sadd.s32 s9, s5;
	s5 =	sadd.s32 $0x19600, s12;
	s11 =	sshrl.u32 s23, $0x3  }
0x17: {  	s12 =	simm.s32 $0x3;
	s23 =	simm.s32 $0x0;
	s7 =	sadd.s32 $0x5600, s8  }
0x18: {  	s8 =	sadd.s32 $0x91600, s9;
	s9 =	smax.u32 s10, $0x1;
	s10 =	sadd.s32 $0xF600, s26  }
.LBB2_1:
0x19: {  	[spmem:s11], [sflag:s6] =	dma.local [hbm:s5], $0x2800  }
0x1a: {  	_ =	swait.ge [sflag:s12], $0x2800  }
0x1b: {  	[sflag:s12] =	ssyncset.done $0x0  }
0x1c: {  	[sflag:s12] =	ssyncadd.s32 $0xFFFFD800  }
0x1d: {  	[tilespmem:s13], [sflag:$0x3] =	stream.linear.gather [hbm4b:s7+s3], $0x2800, $0x38;
	[tilespmem:$0x1F000] =	vst v63  }
0x1e: {  	_ =	swait.ge [sflag:s12], $0x2800  }
0x1f: {  	[sflag:s12] =	ssyncset.done $0x0  }
0x20: {  	[sflag:s12] =	ssyncadd.s32 $0xFFFFD800  }
0x21: {  	[bflag:$0x0] =	sbarrier.arrive $0xFFFF  }
0x22: {  	[tilespmem:s3], [sflag:$0x3] =	stream.linear.gather [hbm4b:s10+s3], $0x800, $0x38;
	[tilespmem:$0x1F000] =	vst v63  }
0x23: {  	_ =	swait.ge [sflag:s12], $0x800  }
0x24: {  	[sflag:s12] =	ssyncset.done $0x0  }
0x25: {  	[sflag:s12] =	ssyncadd.s32 $0xFFFFF800  }
0x26: {  	[tilespmem:s15], [sflag:$0x1] =	stream.indirect.gather [hbm4b:s4+s14], $0x80, s3, s14, $0xb8;
	[tilespmem:$0x1F000] =	vst v63  }
0x27: {  	_ = 	snop  }
0x28: {  	[tilespmem:s16], [sflag:$0x2] =	stream.indirect.gather [hbm4b:s4+s14], $0x80, s14, s14, $0xb8;
	[tilespmem:$0x1F000] =	vst v63  }
0x29: {  	_ =	swait.ge [sflag:s17], $0x4000  }
0x2a: {  	[sflag:s17] =	ssyncset.done $0x0  }
0x2b: {  	s24 =	simm.s32 $0x800;
	[sflag:s17] =	ssyncadd.s32 $0xFFFFC000  }
0x2c: {  	[spmem:s2] =	stream.indirect.scatter.add.f32 [tilespmem:s15], [sflag:$0x3], $0x80, s24, s14, $0xb8;
	[tilespmem:$0x1F000] =	vst v63  }
0x2d: {  	_ =	swait.ge [sflag:s12], $0x4000  }
0x2e: {  	[sflag:s12] =	ssyncset.done $0x0  }
0x2f: {  	s31 =	rddreg [dreg:$0x3];
	[sflag:s12] =	ssyncadd.s32 $0xFFFFC000  }
0x30: {  	[tilespmem:s15], [sflag:$0x1] =	stream.indirect.gather [hbm4b:s4+s14], $0x80, s31, s14, $0xb8;
	[tilespmem:$0x1F000] =	vst v63  }
0x31: {  	_ =	swait.ge [sflag:s18], $0x4000  }
0x32: {  	[sflag:s18] =	ssyncset.done $0x0  }
0x33: {  	s25 =	simm.s32 $0x880;
	[sflag:s18] =	ssyncadd.s32 $0xFFFFC000  }
0x34: {  	[spmem:s2] =	stream.indirect.scatter.add.f32 [tilespmem:s16], [sflag:$0x3], $0x80, s25, s14, $0xb8;
	[tilespmem:$0x1F000] =	vst v63  }
0x35: {  	_ =	swait.ge [sflag:s12], $0x4000  }
0x36: {  	[sflag:s12] =	ssyncset.done $0x0  }
0x37: {  	s26 =	rddreg [dreg:$0x4];
	[sflag:s12] =	ssyncadd.s32 $0xFFFFC000  }
0x38: {  	[tilespmem:s16], [sflag:$0x2] =	stream.indirect.gather [hbm4b:s4+s14], $0x80, s26, s14, $0xb8;
	[tilespmem:$0x1F000] =	vst v63  }
0x39: {  	_ =	swait.ge [sflag:s17], $0x4000  }
0x3a: {  	[sflag:s17] =	ssyncset.done $0x0  }
0x3b: {  	s28 =	simm.s32 $0x900;
	[sflag:s17] =	ssyncadd.s32 $0xFFFFC000  }
0x3c: {  	[spmem:s2] =	stream.indirect.scatter.add.f32 [tilespmem:s15], [sflag:$0x3], $0x80, s28, s14, $0xb8;
	[tilespmem:$0x1F000] =	vst v63  }
0x3d: {  	_ =	swait.ge [sflag:s12], $0x4000  }
0x3e: {  	[sflag:s12] =	ssyncset.done $0x0  }
0x3f: {  	s29 =	rddreg [dreg:$0x5];
	[sflag:s12] =	ssyncadd.s32 $0xFFFFC000  }
0x40: {  	[tilespmem:s15], [sflag:$0x1] =	stream.indirect.gather [hbm4b:s4+s14], $0x80, s29, s14, $0xb8;
	[tilespmem:$0x1F000] =	vst v63  }
0x41: {  	_ =	swait.ge [sflag:s18], $0x4000  }
0x42: {  	[sflag:s18] =	ssyncset.done $0x0  }
0x43: {  	s30 =	simm.s32 $0x980;
	[sflag:s18] =	ssyncadd.s32 $0xFFFFC000  }
0x44: {  	[spmem:s2] =	stream.indirect.scatter.add.f32 [tilespmem:s16], [sflag:$0x3], $0x80, s30, s14, $0xb8;
	[tilespmem:$0x1F000] =	vst v63  }
0x45: {  	_ =	swait.ge [sflag:s12], $0x4000  }
0x46: {  	[sflag:s12] =	ssyncset.done $0x0  }
0x47: {  	s31 =	rddreg [dreg:$0x6];
	[sflag:s12] =	ssyncadd.s32 $0xFFFFC000  }
0x48: {  	[tilespmem:s16], [sflag:$0x2] =	stream.indirect.gather [hbm4b:s4+s14], $0x80, s31, s14, $0xb8;
	[tilespmem:$0x1F000] =	vst v63  }
0x49: {  	_ =	swait.ge [sflag:s17], $0x4000  }
0x4a: {  	[sflag:s17] =	ssyncset.done $0x0  }
0x4b: {  	s25 =	simm.s32 $0xA00;
	[sflag:s17] =	ssyncadd.s32 $0xFFFFC000  }
0x4c: {  	[spmem:s2] =	stream.indirect.scatter.add.f32 [tilespmem:s15], [sflag:$0x3], $0x80, s25, s14, $0xb8;
	[tilespmem:$0x1F000] =	vst v63  }
0x4d: {  	_ =	swait.ge [sflag:s12], $0x4000  }
0x4e: {  	[sflag:s12] =	ssyncset.done $0x0  }
0x4f: {  	s26 =	rddreg [dreg:$0x7];
	[sflag:s12] =	ssyncadd.s32 $0xFFFFC000  }
0x50: {  	[tilespmem:s15], [sflag:$0x1] =	stream.indirect.gather [hbm4b:s4+s14], $0x80, s26, s14, $0xb8;
	[tilespmem:$0x1F000] =	vst v63  }
0x51: {  	_ =	swait.ge [sflag:s18], $0x4000  }
0x52: {  	[sflag:s18] =	ssyncset.done $0x0  }
0x53: {  	s28 =	simm.s32 $0xA80;
	[sflag:s18] =	ssyncadd.s32 $0xFFFFC000  }
0x54: {  	[spmem:s2] =	stream.indirect.scatter.add.f32 [tilespmem:s16], [sflag:$0x3], $0x80, s28, s14, $0xb8;
	[tilespmem:$0x1F000] =	vst v63  }
0x55: {  	_ =	swait.ge [sflag:s12], $0x4000  }
0x56: {  	[sflag:s12] =	ssyncset.done $0x0  }
0x57: {  	s29 =	rddreg [dreg:$0x8];
	[sflag:s12] =	ssyncadd.s32 $0xFFFFC000  }
0x58: {  	[tilespmem:s16], [sflag:$0x2] =	stream.indirect.gather [hbm4b:s4+s14], $0x80, s29, s14, $0xb8;
	[tilespmem:$0x1F000] =	vst v63  }
0x59: {  	_ =	swait.ge [sflag:s17], $0x4000  }
0x5a: {  	[sflag:s17] =	ssyncset.done $0x0  }
0x5b: {  	s30 =	simm.s32 $0xB00;
	[sflag:s17] =	ssyncadd.s32 $0xFFFFC000  }
0x5c: {  	[spmem:s2] =	stream.indirect.scatter.add.f32 [tilespmem:s15], [sflag:$0x3], $0x80, s30, s14, $0xb8;
	[tilespmem:$0x1F000] =	vst v63  }
0x5d: {  	_ =	swait.ge [sflag:s12], $0x4000  }
0x5e: {  	[sflag:s12] =	ssyncset.done $0x0  }
0x5f: {  	s31 =	rddreg [dreg:$0x9];
	[sflag:s12] =	ssyncadd.s32 $0xFFFFC000  }
0x60: {  	[tilespmem:s15], [sflag:$0x1] =	stream.indirect.gather [hbm4b:s4+s14], $0x80, s31, s14, $0xb8;
	[tilespmem:$0x1F000] =	vst v63  }
0x61: {  	_ =	swait.ge [sflag:s18], $0x4000  }
0x62: {  	[sflag:s18] =	ssyncset.done $0x0  }
0x63: {  	s25 =	simm.s32 $0xB80;
	[sflag:s18] =	ssyncadd.s32 $0xFFFFC000  }
0x64: {  	[spmem:s2] =	stream.indirect.scatter.add.f32 [tilespmem:s16], [sflag:$0x3], $0x80, s25, s14, $0xb8;
	[tilespmem:$0x1F000] =	vst v63  }
0x65: {  	_ =	swait.ge [sflag:s12], $0x4000  }
0x66: {  	[sflag:s12] =	ssyncset.done $0x0  }
0x67: {  	s26 =	rddreg [dreg:$0xa];
	[sflag:s12] =	ssyncadd.s32 $0xFFFFC000  }
0x68: {  	[tilespmem:s16], [sflag:$0x2] =	stream.indirect.gather [hbm4b:s4+s14], $0x80, s26, s14, $0xb8;
	[tilespmem:$0x1F000] =	vst v63  }
0x69: {  	_ =	swait.ge [sflag:s17], $0x4000  }
0x6a: {  	[sflag:s17] =	ssyncset.done $0x0  }
0x6b: {  	s28 =	simm.s32 $0xC00;
	[sflag:s17] =	ssyncadd.s32 $0xFFFFC000  }
0x6c: {  	[spmem:s2] =	stream.indirect.scatter.add.f32 [tilespmem:s15], [sflag:$0x3], $0x80, s28, s14, $0xb8;
	[tilespmem:$0x1F000] =	vst v63  }
0x6d: {  	_ =	swait.ge [sflag:s12], $0x4000  }
0x6e: {  	[sflag:s12] =	ssyncset.done $0x0  }
0x6f: {  	s29 =	rddreg [dreg:$0xb];
	[sflag:s12] =	ssyncadd.s32 $0xFFFFC000  }
0x70: {  	[tilespmem:s15], [sflag:$0x1] =	stream.indirect.gather [hbm4b:s4+s14], $0x80, s29, s14, $0xb8;
	[tilespmem:$0x1F000] =	vst v63  }
0x71: {  	_ =	swait.ge [sflag:s18], $0x4000  }
0x72: {  	[sflag:s18] =	ssyncset.done $0x0  }
0x73: {  	s30 =	simm.s32 $0xC80;
	[sflag:s18] =	ssyncadd.s32 $0xFFFFC000  }
0x74: {  	[spmem:s2] =	stream.indirect.scatter.add.f32 [tilespmem:s16], [sflag:$0x3], $0x80, s30, s14, $0xb8;
	[tilespmem:$0x1F000] =	vst v63  }
0x75: {  	_ =	swait.ge [sflag:s12], $0x4000  }
0x76: {  	[sflag:s12] =	ssyncset.done $0x0  }
0x77: {  	s31 =	rddreg [dreg:$0xc];
	[sflag:s12] =	ssyncadd.s32 $0xFFFFC000  }
0x78: {  	[tilespmem:s16], [sflag:$0x2] =	stream.indirect.gather [hbm4b:s4+s14], $0x80, s31, s14, $0xb8;
	[tilespmem:$0x1F000] =	vst v63  }
0x79: {  	_ =	swait.ge [sflag:s17], $0x4000  }
0x7a: {  	[sflag:s17] =	ssyncset.done $0x0  }
0x7b: {  	s25 =	simm.s32 $0xD00;
	[sflag:s17] =	ssyncadd.s32 $0xFFFFC000  }
0x7c: {  	[spmem:s2] =	stream.indirect.scatter.add.f32 [tilespmem:s15], [sflag:$0x3], $0x80, s25, s14, $0xb8;
	[tilespmem:$0x1F000] =	vst v63  }
0x7d: {  	_ =	swait.ge [sflag:s12], $0x4000  }
0x7e: {  	[sflag:s12] =	ssyncset.done $0x0  }
0x7f: {  	[sflag:s12] =	ssyncadd.s32 $0xFFFFC000  }
0x80: {  	[tilespmem:s15], [sflag:$0x1] =	stream.indirect.gather [hbm4b:s4+s14], $0x80, s19, s14, $0xb8;
	[tilespmem:$0x1F000] =	vst v63  }
0x81: {  	_ =	swait.ge [sflag:s18], $0x4000  }
0x82: {  	[sflag:s18] =	ssyncset.done $0x0  }
0x83: {  	s26 =	simm.s32 $0xD80;
	[sflag:s18] =	ssyncadd.s32 $0xFFFFC000  }
0x84: {  	[spmem:s2] =	stream.indirect.scatter.add.f32 [tilespmem:s16], [sflag:$0x3], $0x80, s26, s14, $0xb8;
	[tilespmem:$0x1F000] =	vst v63  }
0x85: {  	_ =	swait.ge [sflag:s12], $0x4000  }
0x86: {  	[sflag:s12] =	ssyncset.done $0x0  }
0x87: {  	[sflag:s12] =	ssyncadd.s32 $0xFFFFC000  }
0x88: {  	[tilespmem:s16], [sflag:$0x2] =	stream.indirect.gather [hbm4b:s4+s14], $0x80, s20, s14, $0xb8;
	[tilespmem:$0x1F000] =	vst v63  }
0x89: {  	_ =	swait.ge [sflag:s17], $0x4000  }
0x8a: {  	[sflag:s17] =	ssyncset.done $0x0  }
0x8b: {  	s28 =	simm.s32 $0xE00;
	[sflag:s17] =	ssyncadd.s32 $0xFFFFC000  }
0x8c: {  	[spmem:s2] =	stream.indirect.scatter.add.f32 [tilespmem:s15], [sflag:$0x3], $0x80, s28, s14, $0xb8;
	[tilespmem:$0x1F000] =	vst v63  }
0x8d: {  	_ =	swait.ge [sflag:s12], $0x4000  }
0x8e: {  	[sflag:s12] =	ssyncset.done $0x0  }
0x8f: {  	[sflag:s12] =	ssyncadd.s32 $0xFFFFC000  }
0x90: {  	[tilespmem:s15], [sflag:$0x1] =	stream.indirect.gather [hbm4b:s4+s14], $0x80, s21, s14, $0xb8;
	[tilespmem:$0x1F000] =	vst v63  }
0x91: {  	_ =	swait.ge [sflag:s18], $0x4000  }
0x92: {  	[sflag:s18] =	ssyncset.done $0x0  }
0x93: {  	s29 =	simm.s32 $0xE80;
	[sflag:s18] =	ssyncadd.s32 $0xFFFFC000  }
0x94: {  	[spmem:s2] =	stream.indirect.scatter.add.f32 [tilespmem:s16], [sflag:$0x3], $0x80, s29, s14, $0xb8;
	[tilespmem:$0x1F000] =	vst v63  }
0x95: {  	_ =	swait.ge [sflag:s12], $0x4000  }
0x96: {  	[sflag:s12] =	ssyncset.done $0x0  }
0x97: {  	[sflag:s12] =	ssyncadd.s32 $0xFFFFC000  }
0x98: {  	[tilespmem:s16], [sflag:$0x2] =	stream.indirect.gather [hbm4b:s4+s14], $0x80, s22, s14, $0xb8;
	[tilespmem:$0x1F000] =	vst v63  }
0x99: {  	_ =	swait.ge [sflag:s17], $0x4000  }
0x9a: {  	[sflag:s17] =	ssyncset.done $0x0  }
0x9b: {  	s30 =	simm.s32 $0xF00;
	[sflag:s17] =	ssyncadd.s32 $0xFFFFC000  }
0x9c: {  	[spmem:s2] =	stream.indirect.scatter.add.f32 [tilespmem:s15], [sflag:$0x3], $0x80, s30, s14, $0xb8;
	[tilespmem:$0x1F000] =	vst v63  }
0x9d: {  	_ =	swait.ge [sflag:s12], $0x4000  }
0x9e: {  	[sflag:s12] =	ssyncset.done $0x0  }
0x9f: {  	[sflag:s12] =	ssyncadd.s32 $0xFFFFC000  }
0xa0: {  	_ =	swait.ge [sflag:s18], $0x4000  }
0xa1: {  	[sflag:s18] =	ssyncset.done $0x0  }
0xa2: {  	s31 =	simm.s32 $0xF80;
	[sflag:s18] =	ssyncadd.s32 $0xFFFFC000  }
0xa3: {  	[spmem:s2] =	stream.indirect.scatter.add.f32 [tilespmem:s16], [sflag:$0x3], $0x80, s31, s14, $0xb8;
	[tilespmem:$0x1F000] =	vst v63  }
0xa4: {  	_ =	swait.ge [sflag:s12], $0x4000  }
0xa5: {  	s24 =	simm.s32 $0x2000;
	s25 =	smov.u32 s10;
	[sflag:s12] =	ssyncset.done $0x0  }
.LBB2_2:
0xa6: {  	[sflag:s12] =	ssyncadd.s32 $0xFFFFC000;
	s25 =	sadd.s32 $0x100, s25  }
0xa7: {  	[tilespmem:s3], [sflag:$0x3] =	stream.linear.gather [hbm4b:s25+s3], $0x800, $0x38;
	[tilespmem:$0x1F000] =	vst v63  }
0xa8: {  	_ =	swait.ge [sflag:s12], $0x800  }
0xa9: {  	[sflag:s12] =	ssyncset.done $0x0  }
0xaa: {  	[sflag:s12] =	ssyncadd.s32 $0xFFFFF800  }
0xab: {  	[tilespmem:s15], [sflag:$0x1] =	stream.indirect.gather [hbm4b:s4+s14], $0x80, s3, s14, $0xb8;
	[tilespmem:$0x1F000] =	vst v63  }
0xac: {  	_ = 	snop  }
0xad: {  	[tilespmem:s16], [sflag:$0x2] =	stream.indirect.gather [hbm4b:s4+s14], $0x80, s14, s14, $0xb8;
	[tilespmem:$0x1F000] =	vst v63  }
0xae: {  	s26 =	smov.u32 s24;
	_ =	swait.ge [sflag:s17], $0x4000  }
0xaf: {  	s26 =	sshra.s32 s26, $0x2;
	[sflag:s17] =	ssyncset.done $0x0  }
0xb0: {  	s28 =	sadd.s32 $0x800, s26;
	[sflag:s17] =	ssyncadd.s32 $0xFFFFC000  }
0xb1: {  	[spmem:s2] =	stream.indirect.scatter.add.f32 [tilespmem:s15], [sflag:$0x3], $0x80, s28, s14, $0xb8;
	[tilespmem:$0x1F000] =	vst v63  }
0xb2: {  	_ =	swait.ge [sflag:s12], $0x4000  }
0xb3: {  	[sflag:s12] =	ssyncset.done $0x0  }
0xb4: {  	s29 =	rddreg [dreg:$0x3];
	[sflag:s12] =	ssyncadd.s32 $0xFFFFC000  }
0xb5: {  	[tilespmem:s15], [sflag:$0x1] =	stream.indirect.gather [hbm4b:s4+s14], $0x80, s29, s14, $0xb8;
	[tilespmem:$0x1F000] =	vst v63  }
0xb6: {  	_ =	swait.ge [sflag:s18], $0x4000  }
0xb7: {  	[sflag:s18] =	ssyncset.done $0x0  }
0xb8: {  	s30 =	sadd.s32 $0x880, s26;
	[sflag:s18] =	ssyncadd.s32 $0xFFFFC000  }
0xb9: {  	[spmem:s2] =	stream.indirect.scatter.add.f32 [tilespmem:s16], [sflag:$0x3], $0x80, s30, s14, $0xb8;
	[tilespmem:$0x1F000] =	vst v63  }
0xba: {  	_ =	swait.ge [sflag:s12], $0x4000  }
0xbb: {  	[sflag:s12] =	ssyncset.done $0x0  }
0xbc: {  	s31 =	rddreg [dreg:$0x4];
	[sflag:s12] =	ssyncadd.s32 $0xFFFFC000  }
0xbd: {  	[tilespmem:s16], [sflag:$0x2] =	stream.indirect.gather [hbm4b:s4+s14], $0x80, s31, s14, $0xb8;
	[tilespmem:$0x1F000] =	vst v63  }
0xbe: {  	_ =	swait.ge [sflag:s17], $0x4000  }
0xbf: {  	[sflag:s17] =	ssyncset.done $0x0  }
0xc0: {  	s29 =	sadd.s32 $0x900, s26;
	[sflag:s17] =	ssyncadd.s32 $0xFFFFC000  }
0xc1: {  	[spmem:s2] =	stream.indirect.scatter.add.f32 [tilespmem:s15], [sflag:$0x3], $0x80, s29, s14, $0xb8;
	[tilespmem:$0x1F000] =	vst v63  }
0xc2: {  	_ =	swait.ge [sflag:s12], $0x4000  }
0xc3: {  	[sflag:s12] =	ssyncset.done $0x0  }
0xc4: {  	s30 =	rddreg [dreg:$0x5];
	[sflag:s12] =	ssyncadd.s32 $0xFFFFC000  }
0xc5: {  	[tilespmem:s15], [sflag:$0x1] =	stream.indirect.gather [hbm4b:s4+s14], $0x80, s30, s14, $0xb8;
	[tilespmem:$0x1F000] =	vst v63  }
0xc6: {  	_ =	swait.ge [sflag:s18], $0x4000  }
0xc7: {  	[sflag:s18] =	ssyncset.done $0x0  }
0xc8: {  	s31 =	sadd.s32 $0x980, s26;
	[sflag:s18] =	ssyncadd.s32 $0xFFFFC000  }
0xc9: {  	[spmem:s2] =	stream.indirect.scatter.add.f32 [tilespmem:s16], [sflag:$0x3], $0x80, s31, s14, $0xb8;
	[tilespmem:$0x1F000] =	vst v63  }
0xca: {  	_ =	swait.ge [sflag:s12], $0x4000  }
0xcb: {  	[sflag:s12] =	ssyncset.done $0x0  }
0xcc: {  	s29 =	rddreg [dreg:$0x6];
	[sflag:s12] =	ssyncadd.s32 $0xFFFFC000  }
0xcd: {  	[tilespmem:s16], [sflag:$0x2] =	stream.indirect.gather [hbm4b:s4+s14], $0x80, s29, s14, $0xb8;
	[tilespmem:$0x1F000] =	vst v63  }
0xce: {  	_ =	swait.ge [sflag:s17], $0x4000  }
0xcf: {  	[sflag:s17] =	ssyncset.done $0x0  }
0xd0: {  	s30 =	sadd.s32 $0xA00, s26;
	[sflag:s17] =	ssyncadd.s32 $0xFFFFC000  }
0xd1: {  	[spmem:s2] =	stream.indirect.scatter.add.f32 [tilespmem:s15], [sflag:$0x3], $0x80, s30, s14, $0xb8;
	[tilespmem:$0x1F000] =	vst v63  }
0xd2: {  	_ =	swait.ge [sflag:s12], $0x4000  }
0xd3: {  	[sflag:s12] =	ssyncset.done $0x0  }
0xd4: {  	s31 =	rddreg [dreg:$0x7];
	[sflag:s12] =	ssyncadd.s32 $0xFFFFC000  }
0xd5: {  	[tilespmem:s15], [sflag:$0x1] =	stream.indirect.gather [hbm4b:s4+s14], $0x80, s31, s14, $0xb8;
	[tilespmem:$0x1F000] =	vst v63  }
0xd6: {  	_ =	swait.ge [sflag:s18], $0x4000  }
0xd7: {  	[sflag:s18] =	ssyncset.done $0x0  }
0xd8: {  	s29 =	sadd.s32 $0xA80, s26;
	[sflag:s18] =	ssyncadd.s32 $0xFFFFC000  }
0xd9: {  	[spmem:s2] =	stream.indirect.scatter.add.f32 [tilespmem:s16], [sflag:$0x3], $0x80, s29, s14, $0xb8;
	[tilespmem:$0x1F000] =	vst v63  }
0xda: {  	_ =	swait.ge [sflag:s12], $0x4000  }
0xdb: {  	[sflag:s12] =	ssyncset.done $0x0  }
0xdc: {  	s30 =	rddreg [dreg:$0x8];
	[sflag:s12] =	ssyncadd.s32 $0xFFFFC000  }
0xdd: {  	[tilespmem:s16], [sflag:$0x2] =	stream.indirect.gather [hbm4b:s4+s14], $0x80, s30, s14, $0xb8;
	[tilespmem:$0x1F000] =	vst v63  }
0xde: {  	_ =	swait.ge [sflag:s17], $0x4000  }
0xdf: {  	[sflag:s17] =	ssyncset.done $0x0  }
0xe0: {  	s31 =	sadd.s32 $0xB00, s26;
	[sflag:s17] =	ssyncadd.s32 $0xFFFFC000  }
0xe1: {  	[spmem:s2] =	stream.indirect.scatter.add.f32 [tilespmem:s15], [sflag:$0x3], $0x80, s31, s14, $0xb8;
	[tilespmem:$0x1F000] =	vst v63  }
0xe2: {  	_ =	swait.ge [sflag:s12], $0x4000  }
0xe3: {  	[sflag:s12] =	ssyncset.done $0x0  }
0xe4: {  	s29 =	rddreg [dreg:$0x9];
	[sflag:s12] =	ssyncadd.s32 $0xFFFFC000  }
0xe5: {  	[tilespmem:s15], [sflag:$0x1] =	stream.indirect.gather [hbm4b:s4+s14], $0x80, s29, s14, $0xb8;
	[tilespmem:$0x1F000] =	vst v63  }
0xe6: {  	_ =	swait.ge [sflag:s18], $0x4000  }
0xe7: {  	[sflag:s18] =	ssyncset.done $0x0  }
0xe8: {  	s30 =	sadd.s32 $0xB80, s26;
	[sflag:s18] =	ssyncadd.s32 $0xFFFFC000  }
0xe9: {  	[spmem:s2] =	stream.indirect.scatter.add.f32 [tilespmem:s16], [sflag:$0x3], $0x80, s30, s14, $0xb8;
	[tilespmem:$0x1F000] =	vst v63  }
0xea: {  	_ =	swait.ge [sflag:s12], $0x4000  }
0xeb: {  	[sflag:s12] =	ssyncset.done $0x0  }
0xec: {  	s31 =	rddreg [dreg:$0xa];
	[sflag:s12] =	ssyncadd.s32 $0xFFFFC000  }
0xed: {  	[tilespmem:s16], [sflag:$0x2] =	stream.indirect.gather [hbm4b:s4+s14], $0x80, s31, s14, $0xb8;
	[tilespmem:$0x1F000] =	vst v63  }
0xee: {  	_ =	swait.ge [sflag:s17], $0x4000  }
0xef: {  	[sflag:s17] =	ssyncset.done $0x0  }
0xf0: {  	s29 =	sadd.s32 $0xC00, s26;
	[sflag:s17] =	ssyncadd.s32 $0xFFFFC000  }
0xf1: {  	[spmem:s2] =	stream.indirect.scatter.add.f32 [tilespmem:s15], [sflag:$0x3], $0x80, s29, s14, $0xb8;
	[tilespmem:$0x1F000] =	vst v63  }
0xf2: {  	_ =	swait.ge [sflag:s12], $0x4000  }
0xf3: {  	[sflag:s12] =	ssyncset.done $0x0  }
0xf4: {  	s30 =	rddreg [dreg:$0xb];
	[sflag:s12] =	ssyncadd.s32 $0xFFFFC000  }
0xf5: {  	[tilespmem:s15], [sflag:$0x1] =	stream.indirect.gather [hbm4b:s4+s14], $0x80, s30, s14, $0xb8;
	[tilespmem:$0x1F000] =	vst v63  }
0xf6: {  	_ =	swait.ge [sflag:s18], $0x4000  }
0xf7: {  	[sflag:s18] =	ssyncset.done $0x0  }
0xf8: {  	s31 =	sadd.s32 $0xC80, s26;
	[sflag:s18] =	ssyncadd.s32 $0xFFFFC000  }
0xf9: {  	[spmem:s2] =	stream.indirect.scatter.add.f32 [tilespmem:s16], [sflag:$0x3], $0x80, s31, s14, $0xb8;
	[tilespmem:$0x1F000] =	vst v63  }
0xfa: {  	_ =	swait.ge [sflag:s12], $0x4000  }
0xfb: {  	[sflag:s12] =	ssyncset.done $0x0  }
0xfc: {  	s29 =	rddreg [dreg:$0xc];
	[sflag:s12] =	ssyncadd.s32 $0xFFFFC000  }
0xfd: {  	[tilespmem:s16], [sflag:$0x2] =	stream.indirect.gather [hbm4b:s4+s14], $0x80, s29, s14, $0xb8;
	[tilespmem:$0x1F000] =	vst v63  }
0xfe: {  	_ =	swait.ge [sflag:s17], $0x4000  }
0xff: {  	[sflag:s17] =	ssyncset.done $0x0  }
0x100: {  	s30 =	sadd.s32 $0xD00, s26;
	[sflag:s17] =	ssyncadd.s32 $0xFFFFC000  }
0x101: {  	[spmem:s2] =	stream.indirect.scatter.add.f32 [tilespmem:s15], [sflag:$0x3], $0x80, s30, s14, $0xb8;
	[tilespmem:$0x1F000] =	vst v63  }
0x102: {  	_ =	swait.ge [sflag:s12], $0x4000  }
0x103: {  	[sflag:s12] =	ssyncset.done $0x0  }
0x104: {  	[sflag:s12] =	ssyncadd.s32 $0xFFFFC000  }
0x105: {  	[tilespmem:s15], [sflag:$0x1] =	stream.indirect.gather [hbm4b:s4+s14], $0x80, s19, s14, $0xb8;
	[tilespmem:$0x1F000] =	vst v63  }
0x106: {  	_ =	swait.ge [sflag:s18], $0x4000  }
0x107: {  	[sflag:s18] =	ssyncset.done $0x0  }
0x108: {  	s31 =	sadd.s32 $0xD80, s26;
	[sflag:s18] =	ssyncadd.s32 $0xFFFFC000  }
0x109: {  	[spmem:s2] =	stream.indirect.scatter.add.f32 [tilespmem:s16], [sflag:$0x3], $0x80, s31, s14, $0xb8;
	[tilespmem:$0x1F000] =	vst v63  }
0x10a: {  	_ =	swait.ge [sflag:s12], $0x4000  }
0x10b: {  	[sflag:s12] =	ssyncset.done $0x0  }
0x10c: {  	[sflag:s12] =	ssyncadd.s32 $0xFFFFC000  }
0x10d: {  	[tilespmem:s16], [sflag:$0x2] =	stream.indirect.gather [hbm4b:s4+s14], $0x80, s20, s14, $0xb8;
	[tilespmem:$0x1F000] =	vst v63  }
0x10e: {  	_ =	swait.ge [sflag:s17], $0x4000  }
0x10f: {  	[sflag:s17] =	ssyncset.done $0x0  }
0x110: {  	s29 =	sadd.s32 $0xE00, s26;
	[sflag:s17] =	ssyncadd.s32 $0xFFFFC000  }
0x111: {  	[spmem:s2] =	stream.indirect.scatter.add.f32 [tilespmem:s15], [sflag:$0x3], $0x80, s29, s14, $0xb8;
	[tilespmem:$0x1F000] =	vst v63  }
0x112: {  	_ =	swait.ge [sflag:s12], $0x4000  }
0x113: {  	[sflag:s12] =	ssyncset.done $0x0  }
0x114: {  	[sflag:s12] =	ssyncadd.s32 $0xFFFFC000  }
0x115: {  	[tilespmem:s15], [sflag:$0x1] =	stream.indirect.gather [hbm4b:s4+s14], $0x80, s21, s14, $0xb8;
	[tilespmem:$0x1F000] =	vst v63  }
0x116: {  	_ =	swait.ge [sflag:s18], $0x4000  }
0x117: {  	[sflag:s18] =	ssyncset.done $0x0  }
0x118: {  	s30 =	sadd.s32 $0xE80, s26;
	[sflag:s18] =	ssyncadd.s32 $0xFFFFC000  }
0x119: {  	[spmem:s2] =	stream.indirect.scatter.add.f32 [tilespmem:s16], [sflag:$0x3], $0x80, s30, s14, $0xb8;
	[tilespmem:$0x1F000] =	vst v63  }
0x11a: {  	_ =	swait.ge [sflag:s12], $0x4000  }
0x11b: {  	[sflag:s12] =	ssyncset.done $0x0  }
0x11c: {  	[sflag:s12] =	ssyncadd.s32 $0xFFFFC000  }
0x11d: {  	[tilespmem:s16], [sflag:$0x2] =	stream.indirect.gather [hbm4b:s4+s14], $0x80, s22, s14, $0xb8;
	[tilespmem:$0x1F000] =	vst v63  }
0x11e: {  	_ =	swait.ge [sflag:s17], $0x4000  }
0x11f: {  	[sflag:s17] =	ssyncset.done $0x0  }
0x120: {  	s31 =	sadd.s32 $0xF00, s26;
	[sflag:s17] =	ssyncadd.s32 $0xFFFFC000  }
0x121: {  	[spmem:s2] =	stream.indirect.scatter.add.f32 [tilespmem:s15], [sflag:$0x3], $0x80, s31, s14, $0xb8;
	[tilespmem:$0x1F000] =	vst v63  }
0x122: {  	_ =	swait.ge [sflag:s12], $0x4000  }
0x123: {  	[sflag:s12] =	ssyncset.done $0x0  }
0x124: {  	[sflag:s12] =	ssyncadd.s32 $0xFFFFC000  }
0x125: {  	p0 =	sne.s32 s24, $0x8000;
	_ =	swait.ge [sflag:s18], $0x4000  }
.Ltmp0:
0x126: {  	[sflag:s18] =	ssyncset.done $0x0;
	(pc) =	sbr.rel @p0 .LBB2_2-.Ltmp0, $4  }
0x127: {  	s26 =	sadd.s32 $0xF80, s26;
	[sflag:s18] =	ssyncadd.s32 $0xFFFFC000  }
0x128: {  	[spmem:s2] =	stream.indirect.scatter.add.f32 [tilespmem:s16], [sflag:$0x3], $0x80, s26, s14, $0xb8;
	[tilespmem:$0x1F000] =	vst v63  }
0x129: {  	_ =	swait.ge [sflag:s12], $0x4000  }
0x12a: {  	s24 =	sadd.s32 $0x2000, s24;
	[sflag:s12] =	ssyncset.done $0x0  }
0x12b: {  	s23 =	sadd.s32 $0x1, s23  }
0x12c: {  	[sflag:s12] =	ssyncadd.s32 $0xFFFFC000;
	p0 =	sne.s32 s23, s9  }
.Ltmp1:
0x12d: {  	[bflag:$0x0] =	sbarrier.arrive $0xFFFF;
	(pc) =	sbr.rel @p0 .LBB2_1-.Ltmp1, $4  }
0x12e: {  	[hbm:s8], [sflag:s6] =	dma.local [spmem:s11], $0x2800  }
0x12f: {  	_ =	swait.ge [sflag:s12], $0x2800  }
0x130: {  	[sflag:s12] =	ssyncset.done $0x0  }
0x131: {  	[sflag:s12] =	ssyncadd.s32 $0xFFFFD800  }
0x132: {  	_ =	sfence.sel $0x180000  }
0x133: {  	[bflag:$0x0] =	sbarrier.arrive $0xFFFF  }
0x134: {  	p0 =	sne.s32 s0, $0x0;
	_ =	strace $0x9000004A  }
0x135: {  	s0 =	sadd.s32 @!p0 $0x100000, s1;
	[bflag:$0x2] =	sbarrier.arrive $0xFFFF  }
0x136: {  	[sflag:s0] =	ssyncadd.tile.s32 @!p0 $0x1;
	_ =	shalt  }
.Lfunc_end2:
_tile_overlayer_lowered:
.L_overlay_start_2:
0x137: {  	(tag) =	ssettag $0x2  }
0x138: {  	s0 =	rddreg [dreg:$0x0];
	s2 =	stileid.u32  }
0x139: {  	s1 =	rddreg [dreg:$0x1];
	p0 =	sne.s32 s2, $0x0  }
0x13a: {  	s3 =	rddreg [dreg:$0x2];
	[bflag:$0x3] =	sbarrier.arrive $0xFFFF;
	s2 =	simm.s32 @!p0 $0x1C03  }
0x13b: {  	[timem:s3], [sflag:s2] =	dma.local @!p0 [hbm:s0], s1  }
0x13c: {  	s0 =	simm.s32 @!p0 $0x3  }
0x13d: {  	_ =	swait.ge @!p0 [sflag:s0], s1  }
0x13e: {  	s1 =	ssub.s32 @!p0 $0x0, s1;
	[sflag:s0] =	ssyncset.done @!p0 $0x0  }
0x13f: {  	[sflag:s0] =	ssyncadd.s32 @!p0 s1  }
0x140: {  	[bflag:$0x3] =	sbarrier.arrive $0xFFFF  }
0x141: {  	_ =	shalt  }

// kernel: kernel.16.cloned.1.call-start
scs
__scs_entry_jumppad:
0x0: {  	(pc) =	sbr.rel $0x88, $3  }
0x1: {  	(tag) =	ssettag $0x0;
	lr =	simm.s32 $0x1  }
0x2: {  	[smem:$0x3F96] =	sst lr;
	_ =	strace $0xD0000000  }
0x3: {  	_ = 	snop  }
0x4: {  	_ = 	snop  }
0x5: {  	_ = 	snop  }
0x6: {  	_ = 	snop  }
0x7: {  	_ = 	snop  }
__scs_overlays_trampoline_lowered:
0x8: {  	[smem:$0x3FA5] =	sst s0  }
0x9: {  	[smem:$0x3FA6] =	sst s1  }
0xa: {  	[smem:$0x3FA7] =	sst s2  }
0xb: {  	[smem:$0x3FA8] =	sst s3  }
0xc: {  	[smem:$0x3FA9] =	sst s4  }
0xd: {  	[smem:$0x3FAA] =	sst s5  }
0xe: {  	[smem:$0x3FAB] =	sst s6  }
0xf: {  	[smem:$0x3FAC] =	sst s7  }
0x10: {  	[smem:$0x3FAD] =	sst s8  }
0x11: {  	[smem:$0x3FAE] =	sst s9;
	s0 =	simm.s32 @!p0 $0x0  }
0x12: {  	s1 =	sld [smem:$0x3F94];
	s0 =	simm.s32 @p0 $0x1  }
0x13: {  	[smem:$0x3FAF] =	sst s0;
	s0 =	simm.s32 @!p1 $0x0  }
0x14: {  	s2 =	sld [smem:$0x3F93];
	s0 =	simm.s32 @p1 $0x1  }
0x15: {  	[smem:$0x3FB0] =	sst s0;
	s0 =	simm.s32 @!p2 $0x0  }
0x16: {  	s3 =	sld [smem:$0x3FDB];
	s0 =	simm.s32 @p2 $0x1  }
0x17: {  	s4 =	simm.s32 $0x1BF5;
	[smem:$0x3FB2] =	sst s0  }
0x18: {  	s0 =	sld [smem:$0x3F95];
	_ =	swait.ge [sflag:s4], $0x0  }
0x19: {  	s7 =	sld [smem:$0x3F96]  }
0x1a: {  	s8 =	sadd.s32 $0xFFFFE003, lr  }
0x1b: {  	s9 =	sadd.s32 $0xFFFFFEF7, lr;
	s5 =	simm.s32 $0xFFFFFFFF;
	p2 =	slt.u32 s8, $0xFFFFF086  }
0x1c: {  	p1 =	slt.u32 s9, $0xF7A;
	s5 =	simm.s32 @!p2 $0x0  }
0x1d: {  	s5 =	simm.s32 @p1 $0x1;
	p0 =	seq.s32 s7, s2  }
0x1e: {  	s7 =	smul.u32 @!p0 $0xF7A, s2;
	p2 =	seq.s32 @!p0 s5, $0x0  }
0x1f: {  	s9 =	smul.u32 $0xF7A, s1;
	s8 =	simm.s32 @!p0 $0x1BF5;
	p2 =	por !p2, p0  }
0x20: {  	[sflag:s8] =	ssyncset.s32 @!p0 $0xFFFFF086;
	s6 =	sadd.s32 @!p0 s3, s7;
	s7 =	simm.s32 @!p0 $0x108  }
0x21: {  	s3 =	sadd.s32 s3, s9;
	s6 =	sadd.s32 @!p0 $0x88, s6;
	s7 =	simm.s32 @p2 $0x1082  }
0x22: {  	[simem:s7], [sflag:s8] =	dma.local @!p0 [hbm:s6], $0xF7A  }
0x23: {  	s9 =	sor.u32 $0xD0000000, s2;
	s6 =	simm.s32 $0x108;
	_ =	swait.ge @!p0 [sflag:s8], $0x0  }
0x24: {  	s3 =	sadd.s32 $0x88, s3;
	s6 =	simm.s32 @!p1 $0x1082;
	[sflag:s4] =	ssyncset.s32 $0xFFFFF086  }
0x25: {  	[simem:s6], [sflag:s4] =	dma.local [hbm:s3], $0xF7A  }
0x26: {  	[smem:$0x3F96] =	sst s1;
	(tag) =	ssettag s2;
	_ =	strace s9  }
0x27: {  	s1 =	sld [smem:$0x3FA6]  }
0x28: {  	s2 =	sld [smem:$0x3FA7]  }
0x29: {  	s4 =	sld [smem:$0x3FA9]  }
0x2a: {  	p0 =	seq.s32 s5, $0x0;
	s5 =	sld [smem:$0x3FAA]  }
0x2b: {  	s6 =	sld [smem:$0x3FAB]  }
0x2c: {  	s7 =	sld [smem:$0x3FAC]  }
0x2d: {  	s3 =	simm.s32 $0x108;
	s8 =	sld [smem:$0x3FAD]  }
0x2e: {  	s3 =	simm.s32 @!p0 $0x1082;
	s9 =	sld [smem:$0x3FAE]  }
0x2f: {  	lr =	sadd.s32 s0, s3;
	s0 =	sld [smem:$0x3FA5]  }
0x30: {  	s3 =	sld [smem:$0x3FA8]  }
0x31: {  	[smem:$0x3FB1] =	sst s10  }
0x32: {  	s10 =	sld [smem:$0x3FAF];
	_ =	sdelay $0x3  }
0x33: {  	p0 =	seq.s32 s10, $0x1;
	s10 =	sld [smem:$0x3FB1];
	_ =	sdelay $0x3  }
0x34: {  	[smem:$0x3FB1] =	sst s10  }
0x35: {  	s10 =	sld [smem:$0x3FB0];
	_ =	sdelay $0x3  }
0x36: {  	p1 =	seq.s32 s10, $0x1;
	s10 =	sld [smem:$0x3FB1];
	_ =	sdelay $0x3  }
0x37: {  	[smem:$0x3FB1] =	sst s10  }
0x38: {  	s10 =	sld [smem:$0x3FB2]  }
0x39: {  	_ = 	snop;
	(pc) =	sbr.ind lr, $3  }
0x3a: {  	_ = 	snop  }
0x3b: {  	_ = 	snop  }
0x3c: {  	p2 =	seq.s32 s10, $0x1;
	s10 =	sld [smem:$0x3FB1]  }
0x3d: {  	_ =	shalt  }
0x3e: {  	_ =	shalt  }
0x3f: {  	_ =	shalt  }
0x40: {  	_ =	shalt  }
0x41: {  	_ =	shalt  }
0x42: {  	_ =	shalt  }
0x43: {  	_ =	shalt  }
0x44: {  	_ =	shalt  }
0x45: {  	_ =	shalt  }
0x46: {  	_ =	shalt  }
0x47: {  	_ =	shalt  }
0x48: {  	_ =	shalt  }
0x49: {  	_ =	shalt  }
0x4a: {  	_ =	shalt  }
0x4b: {  	_ =	shalt  }
0x4c: {  	_ =	shalt  }
0x4d: {  	_ =	shalt  }
0x4e: {  	_ =	shalt  }
0x4f: {  	_ =	shalt  }
0x50: {  	_ =	shalt  }
0x51: {  	_ =	shalt  }
0x52: {  	_ =	shalt  }
0x53: {  	_ =	shalt  }
0x54: {  	_ =	shalt  }
0x55: {  	_ =	shalt  }
0x56: {  	_ =	shalt  }
0x57: {  	_ =	shalt  }
0x58: {  	_ =	shalt  }
0x59: {  	_ =	shalt  }
0x5a: {  	_ =	shalt  }
0x5b: {  	_ =	shalt  }
0x5c: {  	_ =	shalt  }
0x5d: {  	_ =	shalt  }
0x5e: {  	_ =	shalt  }
0x5f: {  	_ =	shalt  }
0x60: {  	_ =	shalt  }
0x61: {  	_ =	shalt  }
0x62: {  	_ =	shalt  }
0x63: {  	_ =	shalt  }
0x64: {  	_ =	shalt  }
0x65: {  	_ =	shalt  }
0x66: {  	_ =	shalt  }
0x67: {  	_ =	shalt  }
0x68: {  	_ =	shalt  }
0x69: {  	_ =	shalt  }
0x6a: {  	_ =	shalt  }
0x6b: {  	_ =	shalt  }
0x6c: {  	_ =	shalt  }
0x6d: {  	_ =	shalt  }
0x6e: {  	_ =	shalt  }
0x6f: {  	_ =	shalt  }
0x70: {  	_ =	shalt  }
0x71: {  	_ =	shalt  }
0x72: {  	_ =	shalt  }
0x73: {  	_ =	shalt  }
0x74: {  	_ =	shalt  }
0x75: {  	_ =	shalt  }
0x76: {  	_ =	shalt  }
0x77: {  	_ =	shalt  }
0x78: {  	_ =	shalt  }
0x79: {  	_ =	shalt  }
0x7a: {  	_ =	shalt  }
0x7b: {  	_ =	shalt  }
0x7c: {  	_ =	shalt  }
0x7d: {  	_ =	shalt  }
0x7e: {  	_ =	shalt  }
0x7f: {  	_ =	shalt  }
0x80: {  	_ =	shalt  }
0x81: {  	_ =	shalt  }
0x82: {  	_ =	shalt  }
0x83: {  	_ =	shalt  }
0x84: {  	_ =	shalt  }
0x85: {  	_ =	shalt  }
0x86: {  	_ =	shalt  }
0x87: {  	_ =	shalt  }
.Lfunc_end0:
.L_simem_size_0:
called_computation.2_lowered:
.L_overlay_start_0:
0x88: {  	s2 =	sld [smem:$0x3FD9]  }
0x89: {  	s3 =	sld [smem:$0x3FFE];
	_ =	sdelay $0x1  }
0x8a: {  	s1 =	srdreg.scid  }
0x8b: {  	s0 =	sand.u32 $0x1, s1  }
0x8c: {  	s16 =	sshll.u32 s0, $0xA;
	s2 =	sadd.s32 s3, s2  }
0x8d: {  	s2 =	sadd.s32 s2, s16  }
0x8e: {  	[smem:$0x3FBD] =	sst s2  }
0x8f: {  	_ = 	snop  }
0x90: {  	(tm) =	ssettm $0x1  }
0x91: {  	s17 =	sld [smem:$0x3FFB];
	_ =	sdelay $0x3  }
0x92: {  	_ =	strace s17  }
0x93: {  	s2 =	sld [smem:$0x3FFC];
	_ =	sdelay $0x3  }
0x94: {  	_ =	strace s2  }
0x95: {  	s2 =	sld [smem:$0x3FFD];
	_ =	sdelay $0x3  }
0x96: {  	_ =	strace s2  }
0x97: {  	_ =	strace $0x8FFFFFFF  }
0x98: {  	s18 =	sld [smem:$0x3FDB];
	_ =	sdelay $0x1  }
0x99: {  	s19 =	simm.s32 $_scs_section_size  }
0x9a: {  	s4 =	simm.s32 $_size__tile_overlayer_lowered;
	s5 =	simm.s32 $_tile_overlayer_lowered  }
0x9b: {  	s22 =	simm.s32 $0x1BFF;
	s21 =	sshll.u32 s5, $0x1;
	s2 =	sadd.s32 s19, s18  }
0x9c: {  	s6 =	simm.s32 $0x0;
	s20 =	sshll.u32 s4, $0x1;
	s4 =	sadd.s32 s21, s2  }
0x9d: {  	[timem:s6], [sflag:s22] =	dma.local [hbm:s4], s20  }
0x9e: {  	_ =	swait.ge [sflag:s22], s20  }
0x9f: {  	s3 =	ssub.s32 $0x0, s20;
	[sflag:s22] =	ssyncset.done $0x0  }
0xa0: {  	[sflag:s22] =	ssyncadd.s32 s3;
	_ =	sdelay $0x1  }
0xa1: {  	s23 =	simm.s32 $0x1B8B  }
0xa2: {  	_ =	swait.ge [sflag:s23], $0x1  }
0xa3: {  	[sflag:s23] =	ssyncset.done $0x0  }
0xa4: {  	s25 =	simm.s32 $0x1B8E;
	s24 =	sld [smem:$0x3FFE];
	[sflag:s23] =	ssyncadd.s32 $0xFFFFFFFF  }
0xa5: {  	s26 =	simm.s32 $execute0_lowered;
	[smem:$0x3FD2] =	sst s25  }
0xa6: {  	s4 =	sshll.u32 s26, $0x1;
	_ =	strace $0x8000004C;
	[dreg:$0x1] =	wrdreg $0xFFFFFFFF  }
0xa7: {  	s28 =	simm.s32 $_size_execute0_lowered;
	s2 =	sadd.s32 s2, s4;
	[dreg:$0x0] =	wrdreg $0x0  }
0xa8: {  	s4 =	sshll.u32 s28, $0x1;
	[dreg:$0x2] =	wrdreg s2  }
0xa9: {  	[dreg:$0x3] =	wrdreg s4  }
0xaa: {  	[dreg:$0x4] =	wrdreg $0xC0  }
0xab: {  	_ =	task [dreg:s6], $0x5FFFF  }
0xac: {  	[dreg:$0x1] =	wrdreg $0xFFFFFFFF  }
0xad: {  	[dreg:$0x0] =	wrdreg $0x60  }
0xae: {  	[dreg:$0x2] =	wrdreg s24  }
0xaf: {  	[dreg:$0x3] =	wrdreg $0xB0000  }
0xb0: {  	[dreg:$0x4] =	wrdreg $0x9  }
0xb1: {  	_ =	task.clear_ibuf [dreg:s6], $0x5FFFF;
	_ =	strace $0x9000004C  }
0xb2: {  	s29 =	simm.s32 $0x9;
	_ =	strace $0x8000004E  }
0xb3: {  	_ =	swait.ge [sflag:s29], $0x1  }
0xb4: {  	[sflag:s29] =	ssyncadd.s32 $0xFFFFFFFF  }
0xb5: {  	_ =	strace $0x9000004E  }
0xb6: {  	_ =	sfence  }
0xb7: {  	s30 =	sld [smem:$0x0];
	_ =	sdelay $0x2  }
0xb8: {  	s31 =	sshll.u32 s1, $0xD;
	s1 =	sshrl.u32 s1, $0x2  }
0xb9: {  	s3 =	sand.u32 $0x4000, s31;
	s1 =	sadd.s32 s1, s30  }
0xba: {  	s0 =	sor.u32 s3, s0;
	s1 =	sshll.u32 s1, $0x11  }
0xbb: {  	s0 =	sor.u32 s1, s0  }
0xbc: {  	s0 =	sadd.s32 $0x8F2B, s0  }
0xbd: {  	[sflag:s0] =	ssyncadd.remote.s32 $0x1  }
0xbe: {  	_ =	sfence.sel $0xFFFF  }
0xbf: {  	[dreg:$0x0] =	wrdreg $0xFFFFFFFF;
	(pc) =	sbr.abs _section_cstart, $3  }
0xc0: {  	[dreg:$0x1] =	wrdreg $0xFFFFFFFF  }
0xc1: {  	_ =	task.clear_ibuf [dreg:s6], $0x2FFFF;
	_ =	strace $0x9FFFFFFF  }
0xc2: {  	(tm) =	ssettm $0x7FFFFFFF  }
0xc3: {  	_ =	shalt  }
tec
execute0_lowered:
.L_overlay_start_1:
0x0: {  	(tag) =	ssettag $0x1  }
0x1: {  	s0 =	stileid.u32  }
0x2: {  	s1 =	srdreg.scid;
	s5 =	rddreg [dreg:$0x0]  }
0x3: {  	s2 =	rddreg [dreg:$0x1];
	s3 =	simm.s32 $0x0;
	s28 =	simm.s32 $0x100  }
0x4: {  	s29 =	simm.s32 $0x180;
	s30 =	simm.s32 $0x200;
	s14 =	simm.s32 $0x280  }
0x5: {  	s15 =	simm.s32 $0x300;
	s6 =	sand.u32 $0x1, s1;
	s1 =	rddreg [dreg:$0x2]  }
0x6: {  	s16 =	simm.s32 $0x380;
	s17 =	simm.s32 $0x400;
	[smem:$0x7FF] =	sst s3  }
0x7: {  	s18 =	simm.s32 $0x480;
	_ =	strace $0x8000004D;
	[dreg:$0x3] =	wrdreg s28  }
0x8: {  	s19 =	simm.s32 $0x500;
	s7 =	smul.u32 $0xA00, s0;
	[dreg:$0x4] =	wrdreg s29  }
0x9: {  	s31 =	simm.s32 $0x580;
	s9 =	smul.u32 $0x2800, s0;
	[dreg:$0x5] =	wrdreg s30  }
0xa: {  	s20 =	sshll.u32 s0, $0x1;
	s21 =	smul.u32 $0x50000, s0;
	[dreg:$0x6] =	wrdreg s14  }
0xb: {  	s24 =	sshll.u32 s0, $0x6;
	s4 =	sor.u32 s6, s20;
	[dreg:$0x7] =	wrdreg s15  }
0xc: {  	s10 =	smul.u32 $0x28000, s6;
	s13 =	ssub.s32 $0x2, s6;
	[dreg:$0x8] =	wrdreg s16  }
0xd: {  	s25 =	smul.u32 $0x500, s6;
	s6 =	sor.u32 $0x1C03, s24;
	[dreg:$0x9] =	wrdreg s17  }
0xe: {  	s14 =	simm.s32 $0x80;
	s15 =	simm.s32 $0x3000;
	[dreg:$0xa] =	wrdreg s18  }
0xf: {  	s16 =	simm.s32 $0x7000;
	s17 =	simm.s32 $0x1;
	[dreg:$0xb] =	wrdreg s19  }
0x10: {  	s18 =	simm.s32 $0x2;
	[dreg:$0xc] =	wrdreg s31;
	s19 =	simm.s32 $0x600  }
0x11: {  	s20 =	simm.s32 $0x680;
	s8 =	smul.u32 $0x500, s4;
	s4 =	sadd.s32 $0x41600, s5  }
0x12: {  	s11 =	sadd.s32 s7, s5;
	s12 =	sadd.s32 s9, s5;
	s22 =	sshrl.u32 s13, $0x1  }
0x13: {  	s7 =	sshrl.u32 s21, $0x2;
	s21 =	simm.s32 $0x700;
	s9 =	sadd.s32 s9, s10  }
0x14: {  	s10 =	ssub.s32 s13, s22;
	s23 =	sadd.s32 s7, s2;
	s26 =	sadd.s32 s25, s11  }
0x15: {  	s13 =	simm.s32 $0x800;
	s22 =	simm.s32 $0x780;
	s8 =	sadd.s32 s8, s5  }
0x16: {  	s9 =	sadd.s32 s9, s5;
	s5 =	sadd.s32 $0x19600, s12;
	s11 =	sshrl.u32 s23, $0x3  }
0x17: {  	s12 =	simm.s32 $0x3;
	s23 =	simm.s32 $0x0;
	s7 =	sadd.s32 $0x5600, s8  }
0x18: {  	s8 =	sadd.s32 $0x91600, s9;
	s9 =	smax.u32 s10, $0x1;
	s10 =	sadd.s32 $0xF600, s26  }
.LBB2_1:
0x19: {  	[spmem:s11], [sflag:s6] =	dma.local [hbm:s5], $0x2800  }
0x1a: {  	_ =	swait.ge [sflag:s12], $0x2800  }
0x1b: {  	[sflag:s12] =	ssyncset.done $0x0  }
0x1c: {  	[sflag:s12] =	ssyncadd.s32 $0xFFFFD800  }
0x1d: {  	[tilespmem:s13], [sflag:$0x3] =	stream.linear.gather [hbm4b:s7+s3], $0x2800, $0x38;
	[tilespmem:$0x1F000] =	vst v63  }
0x1e: {  	_ =	swait.ge [sflag:s12], $0x2800  }
0x1f: {  	[sflag:s12] =	ssyncset.done $0x0  }
0x20: {  	[sflag:s12] =	ssyncadd.s32 $0xFFFFD800  }
0x21: {  	[bflag:$0x0] =	sbarrier.arrive $0xFFFF  }
0x22: {  	[tilespmem:s3], [sflag:$0x3] =	stream.linear.gather [hbm4b:s10+s3], $0x800, $0x38;
	[tilespmem:$0x1F000] =	vst v63  }
0x23: {  	_ =	swait.ge [sflag:s12], $0x800  }
0x24: {  	[sflag:s12] =	ssyncset.done $0x0  }
0x25: {  	[sflag:s12] =	ssyncadd.s32 $0xFFFFF800  }
0x26: {  	[tilespmem:s15], [sflag:$0x1] =	stream.indirect.gather [hbm4b:s4+s14], $0x80, s3, s14, $0xb8;
	[tilespmem:$0x1F000] =	vst v63  }
0x27: {  	_ = 	snop  }
0x28: {  	[tilespmem:s16], [sflag:$0x2] =	stream.indirect.gather [hbm4b:s4+s14], $0x80, s14, s14, $0xb8;
	[tilespmem:$0x1F000] =	vst v63  }
0x29: {  	_ =	swait.ge [sflag:s17], $0x4000  }
0x2a: {  	[sflag:s17] =	ssyncset.done $0x0  }
0x2b: {  	s24 =	simm.s32 $0x800;
	[sflag:s17] =	ssyncadd.s32 $0xFFFFC000  }
0x2c: {  	[spmem:s2] =	stream.indirect.scatter.add.f32 [tilespmem:s15], [sflag:$0x3], $0x80, s24, s14, $0xb8;
	[tilespmem:$0x1F000] =	vst v63  }
0x2d: {  	_ =	swait.ge [sflag:s12], $0x4000  }
0x2e: {  	[sflag:s12] =	ssyncset.done $0x0  }
0x2f: {  	s31 =	rddreg [dreg:$0x3];
	[sflag:s12] =	ssyncadd.s32 $0xFFFFC000  }
0x30: {  	[tilespmem:s15], [sflag:$0x1] =	stream.indirect.gather [hbm4b:s4+s14], $0x80, s31, s14, $0xb8;
	[tilespmem:$0x1F000] =	vst v63  }
0x31: {  	_ =	swait.ge [sflag:s18], $0x4000  }
0x32: {  	[sflag:s18] =	ssyncset.done $0x0  }
0x33: {  	s25 =	simm.s32 $0x880;
	[sflag:s18] =	ssyncadd.s32 $0xFFFFC000  }
0x34: {  	[spmem:s2] =	stream.indirect.scatter.add.f32 [tilespmem:s16], [sflag:$0x3], $0x80, s25, s14, $0xb8;
	[tilespmem:$0x1F000] =	vst v63  }
0x35: {  	_ =	swait.ge [sflag:s12], $0x4000  }
0x36: {  	[sflag:s12] =	ssyncset.done $0x0  }
0x37: {  	s26 =	rddreg [dreg:$0x4];
	[sflag:s12] =	ssyncadd.s32 $0xFFFFC000  }
0x38: {  	[tilespmem:s16], [sflag:$0x2] =	stream.indirect.gather [hbm4b:s4+s14], $0x80, s26, s14, $0xb8;
	[tilespmem:$0x1F000] =	vst v63  }
0x39: {  	_ =	swait.ge [sflag:s17], $0x4000  }
0x3a: {  	[sflag:s17] =	ssyncset.done $0x0  }
0x3b: {  	s28 =	simm.s32 $0x900;
	[sflag:s17] =	ssyncadd.s32 $0xFFFFC000  }
0x3c: {  	[spmem:s2] =	stream.indirect.scatter.add.f32 [tilespmem:s15], [sflag:$0x3], $0x80, s28, s14, $0xb8;
	[tilespmem:$0x1F000] =	vst v63  }
0x3d: {  	_ =	swait.ge [sflag:s12], $0x4000  }
0x3e: {  	[sflag:s12] =	ssyncset.done $0x0  }
0x3f: {  	s29 =	rddreg [dreg:$0x5];
	[sflag:s12] =	ssyncadd.s32 $0xFFFFC000  }
0x40: {  	[tilespmem:s15], [sflag:$0x1] =	stream.indirect.gather [hbm4b:s4+s14], $0x80, s29, s14, $0xb8;
	[tilespmem:$0x1F000] =	vst v63  }
0x41: {  	_ =	swait.ge [sflag:s18], $0x4000  }
0x42: {  	[sflag:s18] =	ssyncset.done $0x0  }
0x43: {  	s30 =	simm.s32 $0x980;
	[sflag:s18] =	ssyncadd.s32 $0xFFFFC000  }
0x44: {  	[spmem:s2] =	stream.indirect.scatter.add.f32 [tilespmem:s16], [sflag:$0x3], $0x80, s30, s14, $0xb8;
	[tilespmem:$0x1F000] =	vst v63  }
0x45: {  	_ =	swait.ge [sflag:s12], $0x4000  }
0x46: {  	[sflag:s12] =	ssyncset.done $0x0  }
0x47: {  	s31 =	rddreg [dreg:$0x6];
	[sflag:s12] =	ssyncadd.s32 $0xFFFFC000  }
0x48: {  	[tilespmem:s16], [sflag:$0x2] =	stream.indirect.gather [hbm4b:s4+s14], $0x80, s31, s14, $0xb8;
	[tilespmem:$0x1F000] =	vst v63  }
0x49: {  	_ =	swait.ge [sflag:s17], $0x4000  }
0x4a: {  	[sflag:s17] =	ssyncset.done $0x0  }
0x4b: {  	s25 =	simm.s32 $0xA00;
	[sflag:s17] =	ssyncadd.s32 $0xFFFFC000  }
0x4c: {  	[spmem:s2] =	stream.indirect.scatter.add.f32 [tilespmem:s15], [sflag:$0x3], $0x80, s25, s14, $0xb8;
	[tilespmem:$0x1F000] =	vst v63  }
0x4d: {  	_ =	swait.ge [sflag:s12], $0x4000  }
0x4e: {  	[sflag:s12] =	ssyncset.done $0x0  }
0x4f: {  	s26 =	rddreg [dreg:$0x7];
	[sflag:s12] =	ssyncadd.s32 $0xFFFFC000  }
0x50: {  	[tilespmem:s15], [sflag:$0x1] =	stream.indirect.gather [hbm4b:s4+s14], $0x80, s26, s14, $0xb8;
	[tilespmem:$0x1F000] =	vst v63  }
0x51: {  	_ =	swait.ge [sflag:s18], $0x4000  }
0x52: {  	[sflag:s18] =	ssyncset.done $0x0  }
0x53: {  	s28 =	simm.s32 $0xA80;
	[sflag:s18] =	ssyncadd.s32 $0xFFFFC000  }
0x54: {  	[spmem:s2] =	stream.indirect.scatter.add.f32 [tilespmem:s16], [sflag:$0x3], $0x80, s28, s14, $0xb8;
	[tilespmem:$0x1F000] =	vst v63  }
0x55: {  	_ =	swait.ge [sflag:s12], $0x4000  }
0x56: {  	[sflag:s12] =	ssyncset.done $0x0  }
0x57: {  	s29 =	rddreg [dreg:$0x8];
	[sflag:s12] =	ssyncadd.s32 $0xFFFFC000  }
0x58: {  	[tilespmem:s16], [sflag:$0x2] =	stream.indirect.gather [hbm4b:s4+s14], $0x80, s29, s14, $0xb8;
	[tilespmem:$0x1F000] =	vst v63  }
0x59: {  	_ =	swait.ge [sflag:s17], $0x4000  }
0x5a: {  	[sflag:s17] =	ssyncset.done $0x0  }
0x5b: {  	s30 =	simm.s32 $0xB00;
	[sflag:s17] =	ssyncadd.s32 $0xFFFFC000  }
0x5c: {  	[spmem:s2] =	stream.indirect.scatter.add.f32 [tilespmem:s15], [sflag:$0x3], $0x80, s30, s14, $0xb8;
	[tilespmem:$0x1F000] =	vst v63  }
0x5d: {  	_ =	swait.ge [sflag:s12], $0x4000  }
0x5e: {  	[sflag:s12] =	ssyncset.done $0x0  }
0x5f: {  	s31 =	rddreg [dreg:$0x9];
	[sflag:s12] =	ssyncadd.s32 $0xFFFFC000  }
0x60: {  	[tilespmem:s15], [sflag:$0x1] =	stream.indirect.gather [hbm4b:s4+s14], $0x80, s31, s14, $0xb8;
	[tilespmem:$0x1F000] =	vst v63  }
0x61: {  	_ =	swait.ge [sflag:s18], $0x4000  }
0x62: {  	[sflag:s18] =	ssyncset.done $0x0  }
0x63: {  	s25 =	simm.s32 $0xB80;
	[sflag:s18] =	ssyncadd.s32 $0xFFFFC000  }
0x64: {  	[spmem:s2] =	stream.indirect.scatter.add.f32 [tilespmem:s16], [sflag:$0x3], $0x80, s25, s14, $0xb8;
	[tilespmem:$0x1F000] =	vst v63  }
0x65: {  	_ =	swait.ge [sflag:s12], $0x4000  }
0x66: {  	[sflag:s12] =	ssyncset.done $0x0  }
0x67: {  	s26 =	rddreg [dreg:$0xa];
	[sflag:s12] =	ssyncadd.s32 $0xFFFFC000  }
0x68: {  	[tilespmem:s16], [sflag:$0x2] =	stream.indirect.gather [hbm4b:s4+s14], $0x80, s26, s14, $0xb8;
	[tilespmem:$0x1F000] =	vst v63  }
0x69: {  	_ =	swait.ge [sflag:s17], $0x4000  }
0x6a: {  	[sflag:s17] =	ssyncset.done $0x0  }
0x6b: {  	s28 =	simm.s32 $0xC00;
	[sflag:s17] =	ssyncadd.s32 $0xFFFFC000  }
0x6c: {  	[spmem:s2] =	stream.indirect.scatter.add.f32 [tilespmem:s15], [sflag:$0x3], $0x80, s28, s14, $0xb8;
	[tilespmem:$0x1F000] =	vst v63  }
0x6d: {  	_ =	swait.ge [sflag:s12], $0x4000  }
0x6e: {  	[sflag:s12] =	ssyncset.done $0x0  }
0x6f: {  	s29 =	rddreg [dreg:$0xb];
	[sflag:s12] =	ssyncadd.s32 $0xFFFFC000  }
0x70: {  	[tilespmem:s15], [sflag:$0x1] =	stream.indirect.gather [hbm4b:s4+s14], $0x80, s29, s14, $0xb8;
	[tilespmem:$0x1F000] =	vst v63  }
0x71: {  	_ =	swait.ge [sflag:s18], $0x4000  }
0x72: {  	[sflag:s18] =	ssyncset.done $0x0  }
0x73: {  	s30 =	simm.s32 $0xC80;
	[sflag:s18] =	ssyncadd.s32 $0xFFFFC000  }
0x74: {  	[spmem:s2] =	stream.indirect.scatter.add.f32 [tilespmem:s16], [sflag:$0x3], $0x80, s30, s14, $0xb8;
	[tilespmem:$0x1F000] =	vst v63  }
0x75: {  	_ =	swait.ge [sflag:s12], $0x4000  }
0x76: {  	[sflag:s12] =	ssyncset.done $0x0  }
0x77: {  	s31 =	rddreg [dreg:$0xc];
	[sflag:s12] =	ssyncadd.s32 $0xFFFFC000  }
0x78: {  	[tilespmem:s16], [sflag:$0x2] =	stream.indirect.gather [hbm4b:s4+s14], $0x80, s31, s14, $0xb8;
	[tilespmem:$0x1F000] =	vst v63  }
0x79: {  	_ =	swait.ge [sflag:s17], $0x4000  }
0x7a: {  	[sflag:s17] =	ssyncset.done $0x0  }
0x7b: {  	s25 =	simm.s32 $0xD00;
	[sflag:s17] =	ssyncadd.s32 $0xFFFFC000  }
0x7c: {  	[spmem:s2] =	stream.indirect.scatter.add.f32 [tilespmem:s15], [sflag:$0x3], $0x80, s25, s14, $0xb8;
	[tilespmem:$0x1F000] =	vst v63  }
0x7d: {  	_ =	swait.ge [sflag:s12], $0x4000  }
0x7e: {  	[sflag:s12] =	ssyncset.done $0x0  }
0x7f: {  	[sflag:s12] =	ssyncadd.s32 $0xFFFFC000  }
0x80: {  	[tilespmem:s15], [sflag:$0x1] =	stream.indirect.gather [hbm4b:s4+s14], $0x80, s19, s14, $0xb8;
	[tilespmem:$0x1F000] =	vst v63  }
0x81: {  	_ =	swait.ge [sflag:s18], $0x4000  }
0x82: {  	[sflag:s18] =	ssyncset.done $0x0  }
0x83: {  	s26 =	simm.s32 $0xD80;
	[sflag:s18] =	ssyncadd.s32 $0xFFFFC000  }
0x84: {  	[spmem:s2] =	stream.indirect.scatter.add.f32 [tilespmem:s16], [sflag:$0x3], $0x80, s26, s14, $0xb8;
	[tilespmem:$0x1F000] =	vst v63  }
0x85: {  	_ =	swait.ge [sflag:s12], $0x4000  }
0x86: {  	[sflag:s12] =	ssyncset.done $0x0  }
0x87: {  	[sflag:s12] =	ssyncadd.s32 $0xFFFFC000  }
0x88: {  	[tilespmem:s16], [sflag:$0x2] =	stream.indirect.gather [hbm4b:s4+s14], $0x80, s20, s14, $0xb8;
	[tilespmem:$0x1F000] =	vst v63  }
0x89: {  	_ =	swait.ge [sflag:s17], $0x4000  }
0x8a: {  	[sflag:s17] =	ssyncset.done $0x0  }
0x8b: {  	s28 =	simm.s32 $0xE00;
	[sflag:s17] =	ssyncadd.s32 $0xFFFFC000  }
0x8c: {  	[spmem:s2] =	stream.indirect.scatter.add.f32 [tilespmem:s15], [sflag:$0x3], $0x80, s28, s14, $0xb8;
	[tilespmem:$0x1F000] =	vst v63  }
0x8d: {  	_ =	swait.ge [sflag:s12], $0x4000  }
0x8e: {  	[sflag:s12] =	ssyncset.done $0x0  }
0x8f: {  	[sflag:s12] =	ssyncadd.s32 $0xFFFFC000  }
0x90: {  	[tilespmem:s15], [sflag:$0x1] =	stream.indirect.gather [hbm4b:s4+s14], $0x80, s21, s14, $0xb8;
	[tilespmem:$0x1F000] =	vst v63  }
0x91: {  	_ =	swait.ge [sflag:s18], $0x4000  }
0x92: {  	[sflag:s18] =	ssyncset.done $0x0  }
0x93: {  	s29 =	simm.s32 $0xE80;
	[sflag:s18] =	ssyncadd.s32 $0xFFFFC000  }
0x94: {  	[spmem:s2] =	stream.indirect.scatter.add.f32 [tilespmem:s16], [sflag:$0x3], $0x80, s29, s14, $0xb8;
	[tilespmem:$0x1F000] =	vst v63  }
0x95: {  	_ =	swait.ge [sflag:s12], $0x4000  }
0x96: {  	[sflag:s12] =	ssyncset.done $0x0  }
0x97: {  	[sflag:s12] =	ssyncadd.s32 $0xFFFFC000  }
0x98: {  	[tilespmem:s16], [sflag:$0x2] =	stream.indirect.gather [hbm4b:s4+s14], $0x80, s22, s14, $0xb8;
	[tilespmem:$0x1F000] =	vst v63  }
0x99: {  	_ =	swait.ge [sflag:s17], $0x4000  }
0x9a: {  	[sflag:s17] =	ssyncset.done $0x0  }
0x9b: {  	s30 =	simm.s32 $0xF00;
	[sflag:s17] =	ssyncadd.s32 $0xFFFFC000  }
0x9c: {  	[spmem:s2] =	stream.indirect.scatter.add.f32 [tilespmem:s15], [sflag:$0x3], $0x80, s30, s14, $0xb8;
	[tilespmem:$0x1F000] =	vst v63  }
0x9d: {  	_ =	swait.ge [sflag:s12], $0x4000  }
0x9e: {  	[sflag:s12] =	ssyncset.done $0x0  }
0x9f: {  	[sflag:s12] =	ssyncadd.s32 $0xFFFFC000  }
0xa0: {  	_ =	swait.ge [sflag:s18], $0x4000  }
0xa1: {  	[sflag:s18] =	ssyncset.done $0x0  }
0xa2: {  	s31 =	simm.s32 $0xF80;
	[sflag:s18] =	ssyncadd.s32 $0xFFFFC000  }
0xa3: {  	[spmem:s2] =	stream.indirect.scatter.add.f32 [tilespmem:s16], [sflag:$0x3], $0x80, s31, s14, $0xb8;
	[tilespmem:$0x1F000] =	vst v63  }
0xa4: {  	_ =	swait.ge [sflag:s12], $0x4000  }
0xa5: {  	s24 =	simm.s32 $0x2000;
	s25 =	smov.u32 s10;
	[sflag:s12] =	ssyncset.done $0x0  }
.LBB2_2:
0xa6: {  	[sflag:s12] =	ssyncadd.s32 $0xFFFFC000;
	s25 =	sadd.s32 $0x100, s25  }
0xa7: {  	[tilespmem:s3], [sflag:$0x3] =	stream.linear.gather [hbm4b:s25+s3], $0x800, $0x38;
	[tilespmem:$0x1F000] =	vst v63  }
0xa8: {  	_ =	swait.ge [sflag:s12], $0x800  }
0xa9: {  	[sflag:s12] =	ssyncset.done $0x0  }
0xaa: {  	[sflag:s12] =	ssyncadd.s32 $0xFFFFF800  }
0xab: {  	[tilespmem:s15], [sflag:$0x1] =	stream.indirect.gather [hbm4b:s4+s14], $0x80, s3, s14, $0xb8;
	[tilespmem:$0x1F000] =	vst v63  }
0xac: {  	_ = 	snop  }
0xad: {  	[tilespmem:s16], [sflag:$0x2] =	stream.indirect.gather [hbm4b:s4+s14], $0x80, s14, s14, $0xb8;
	[tilespmem:$0x1F000] =	vst v63  }
0xae: {  	s26 =	smov.u32 s24;
	_ =	swait.ge [sflag:s17], $0x4000  }
0xaf: {  	s26 =	sshra.s32 s26, $0x2;
	[sflag:s17] =	ssyncset.done $0x0  }
0xb0: {  	s28 =	sadd.s32 $0x800, s26;
	[sflag:s17] =	ssyncadd.s32 $0xFFFFC000  }
0xb1: {  	[spmem:s2] =	stream.indirect.scatter.add.f32 [tilespmem:s15], [sflag:$0x3], $0x80, s28, s14, $0xb8;
	[tilespmem:$0x1F000] =	vst v63  }
0xb2: {  	_ =	swait.ge [sflag:s12], $0x4000  }
0xb3: {  	[sflag:s12] =	ssyncset.done $0x0  }
0xb4: {  	s29 =	rddreg [dreg:$0x3];
	[sflag:s12] =	ssyncadd.s32 $0xFFFFC000  }
0xb5: {  	[tilespmem:s15], [sflag:$0x1] =	stream.indirect.gather [hbm4b:s4+s14], $0x80, s29, s14, $0xb8;
	[tilespmem:$0x1F000] =	vst v63  }
0xb6: {  	_ =	swait.ge [sflag:s18], $0x4000  }
0xb7: {  	[sflag:s18] =	ssyncset.done $0x0  }
0xb8: {  	s30 =	sadd.s32 $0x880, s26;
	[sflag:s18] =	ssyncadd.s32 $0xFFFFC000  }
0xb9: {  	[spmem:s2] =	stream.indirect.scatter.add.f32 [tilespmem:s16], [sflag:$0x3], $0x80, s30, s14, $0xb8;
	[tilespmem:$0x1F000] =	vst v63  }
0xba: {  	_ =	swait.ge [sflag:s12], $0x4000  }
0xbb: {  	[sflag:s12] =	ssyncset.done $0x0  }
0xbc: {  	s31 =	rddreg [dreg:$0x4];
	[sflag:s12] =	ssyncadd.s32 $0xFFFFC000  }
0xbd: {  	[tilespmem:s16], [sflag:$0x2] =	stream.indirect.gather [hbm4b:s4+s14], $0x80, s31, s14, $0xb8;
	[tilespmem:$0x1F000] =	vst v63  }
0xbe: {  	_ =	swait.ge [sflag:s17], $0x4000  }
0xbf: {  	[sflag:s17] =	ssyncset.done $0x0  }
0xc0: {  	s29 =	sadd.s32 $0x900, s26;
	[sflag:s17] =	ssyncadd.s32 $0xFFFFC000  }
0xc1: {  	[spmem:s2] =	stream.indirect.scatter.add.f32 [tilespmem:s15], [sflag:$0x3], $0x80, s29, s14, $0xb8;
	[tilespmem:$0x1F000] =	vst v63  }
0xc2: {  	_ =	swait.ge [sflag:s12], $0x4000  }
0xc3: {  	[sflag:s12] =	ssyncset.done $0x0  }
0xc4: {  	s30 =	rddreg [dreg:$0x5];
	[sflag:s12] =	ssyncadd.s32 $0xFFFFC000  }
0xc5: {  	[tilespmem:s15], [sflag:$0x1] =	stream.indirect.gather [hbm4b:s4+s14], $0x80, s30, s14, $0xb8;
	[tilespmem:$0x1F000] =	vst v63  }
0xc6: {  	_ =	swait.ge [sflag:s18], $0x4000  }
0xc7: {  	[sflag:s18] =	ssyncset.done $0x0  }
0xc8: {  	s31 =	sadd.s32 $0x980, s26;
	[sflag:s18] =	ssyncadd.s32 $0xFFFFC000  }
0xc9: {  	[spmem:s2] =	stream.indirect.scatter.add.f32 [tilespmem:s16], [sflag:$0x3], $0x80, s31, s14, $0xb8;
	[tilespmem:$0x1F000] =	vst v63  }
0xca: {  	_ =	swait.ge [sflag:s12], $0x4000  }
0xcb: {  	[sflag:s12] =	ssyncset.done $0x0  }
0xcc: {  	s29 =	rddreg [dreg:$0x6];
	[sflag:s12] =	ssyncadd.s32 $0xFFFFC000  }
0xcd: {  	[tilespmem:s16], [sflag:$0x2] =	stream.indirect.gather [hbm4b:s4+s14], $0x80, s29, s14, $0xb8;
	[tilespmem:$0x1F000] =	vst v63  }
0xce: {  	_ =	swait.ge [sflag:s17], $0x4000  }
0xcf: {  	[sflag:s17] =	ssyncset.done $0x0  }
0xd0: {  	s30 =	sadd.s32 $0xA00, s26;
	[sflag:s17] =	ssyncadd.s32 $0xFFFFC000  }
0xd1: {  	[spmem:s2] =	stream.indirect.scatter.add.f32 [tilespmem:s15], [sflag:$0x3], $0x80, s30, s14, $0xb8;
	[tilespmem:$0x1F000] =	vst v63  }
0xd2: {  	_ =	swait.ge [sflag:s12], $0x4000  }
0xd3: {  	[sflag:s12] =	ssyncset.done $0x0  }
0xd4: {  	s31 =	rddreg [dreg:$0x7];
	[sflag:s12] =	ssyncadd.s32 $0xFFFFC000  }
0xd5: {  	[tilespmem:s15], [sflag:$0x1] =	stream.indirect.gather [hbm4b:s4+s14], $0x80, s31, s14, $0xb8;
	[tilespmem:$0x1F000] =	vst v63  }
0xd6: {  	_ =	swait.ge [sflag:s18], $0x4000  }
0xd7: {  	[sflag:s18] =	ssyncset.done $0x0  }
0xd8: {  	s29 =	sadd.s32 $0xA80, s26;
	[sflag:s18] =	ssyncadd.s32 $0xFFFFC000  }
0xd9: {  	[spmem:s2] =	stream.indirect.scatter.add.f32 [tilespmem:s16], [sflag:$0x3], $0x80, s29, s14, $0xb8;
	[tilespmem:$0x1F000] =	vst v63  }
0xda: {  	_ =	swait.ge [sflag:s12], $0x4000  }
0xdb: {  	[sflag:s12] =	ssyncset.done $0x0  }
0xdc: {  	s30 =	rddreg [dreg:$0x8];
	[sflag:s12] =	ssyncadd.s32 $0xFFFFC000  }
0xdd: {  	[tilespmem:s16], [sflag:$0x2] =	stream.indirect.gather [hbm4b:s4+s14], $0x80, s30, s14, $0xb8;
	[tilespmem:$0x1F000] =	vst v63  }
0xde: {  	_ =	swait.ge [sflag:s17], $0x4000  }
0xdf: {  	[sflag:s17] =	ssyncset.done $0x0  }
0xe0: {  	s31 =	sadd.s32 $0xB00, s26;
	[sflag:s17] =	ssyncadd.s32 $0xFFFFC000  }
0xe1: {  	[spmem:s2] =	stream.indirect.scatter.add.f32 [tilespmem:s15], [sflag:$0x3], $0x80, s31, s14, $0xb8;
	[tilespmem:$0x1F000] =	vst v63  }
0xe2: {  	_ =	swait.ge [sflag:s12], $0x4000  }
0xe3: {  	[sflag:s12] =	ssyncset.done $0x0  }
0xe4: {  	s29 =	rddreg [dreg:$0x9];
	[sflag:s12] =	ssyncadd.s32 $0xFFFFC000  }
0xe5: {  	[tilespmem:s15], [sflag:$0x1] =	stream.indirect.gather [hbm4b:s4+s14], $0x80, s29, s14, $0xb8;
	[tilespmem:$0x1F000] =	vst v63  }
0xe6: {  	_ =	swait.ge [sflag:s18], $0x4000  }
0xe7: {  	[sflag:s18] =	ssyncset.done $0x0  }
0xe8: {  	s30 =	sadd.s32 $0xB80, s26;
	[sflag:s18] =	ssyncadd.s32 $0xFFFFC000  }
0xe9: {  	[spmem:s2] =	stream.indirect.scatter.add.f32 [tilespmem:s16], [sflag:$0x3], $0x80, s30, s14, $0xb8;
	[tilespmem:$0x1F000] =	vst v63  }
0xea: {  	_ =	swait.ge [sflag:s12], $0x4000  }
0xeb: {  	[sflag:s12] =	ssyncset.done $0x0  }
0xec: {  	s31 =	rddreg [dreg:$0xa];
	[sflag:s12] =	ssyncadd.s32 $0xFFFFC000  }
0xed: {  	[tilespmem:s16], [sflag:$0x2] =	stream.indirect.gather [hbm4b:s4+s14], $0x80, s31, s14, $0xb8;
	[tilespmem:$0x1F000] =	vst v63  }
0xee: {  	_ =	swait.ge [sflag:s17], $0x4000  }
0xef: {  	[sflag:s17] =	ssyncset.done $0x0  }
0xf0: {  	s29 =	sadd.s32 $0xC00, s26;
	[sflag:s17] =	ssyncadd.s32 $0xFFFFC000  }
0xf1: {  	[spmem:s2] =	stream.indirect.scatter.add.f32 [tilespmem:s15], [sflag:$0x3], $0x80, s29, s14, $0xb8;
	[tilespmem:$0x1F000] =	vst v63  }
0xf2: {  	_ =	swait.ge [sflag:s12], $0x4000  }
0xf3: {  	[sflag:s12] =	ssyncset.done $0x0  }
0xf4: {  	s30 =	rddreg [dreg:$0xb];
	[sflag:s12] =	ssyncadd.s32 $0xFFFFC000  }
0xf5: {  	[tilespmem:s15], [sflag:$0x1] =	stream.indirect.gather [hbm4b:s4+s14], $0x80, s30, s14, $0xb8;
	[tilespmem:$0x1F000] =	vst v63  }
0xf6: {  	_ =	swait.ge [sflag:s18], $0x4000  }
0xf7: {  	[sflag:s18] =	ssyncset.done $0x0  }
0xf8: {  	s31 =	sadd.s32 $0xC80, s26;
	[sflag:s18] =	ssyncadd.s32 $0xFFFFC000  }
0xf9: {  	[spmem:s2] =	stream.indirect.scatter.add.f32 [tilespmem:s16], [sflag:$0x3], $0x80, s31, s14, $0xb8;
	[tilespmem:$0x1F000] =	vst v63  }
0xfa: {  	_ =	swait.ge [sflag:s12], $0x4000  }
0xfb: {  	[sflag:s12] =	ssyncset.done $0x0  }
0xfc: {  	s29 =	rddreg [dreg:$0xc];
	[sflag:s12] =	ssyncadd.s32 $0xFFFFC000  }
0xfd: {  	[tilespmem:s16], [sflag:$0x2] =	stream.indirect.gather [hbm4b:s4+s14], $0x80, s29, s14, $0xb8;
	[tilespmem:$0x1F000] =	vst v63  }
0xfe: {  	_ =	swait.ge [sflag:s17], $0x4000  }
0xff: {  	[sflag:s17] =	ssyncset.done $0x0  }
0x100: {  	s30 =	sadd.s32 $0xD00, s26;
	[sflag:s17] =	ssyncadd.s32 $0xFFFFC000  }
0x101: {  	[spmem:s2] =	stream.indirect.scatter.add.f32 [tilespmem:s15], [sflag:$0x3], $0x80, s30, s14, $0xb8;
	[tilespmem:$0x1F000] =	vst v63  }
0x102: {  	_ =	swait.ge [sflag:s12], $0x4000  }
0x103: {  	[sflag:s12] =	ssyncset.done $0x0  }
0x104: {  	[sflag:s12] =	ssyncadd.s32 $0xFFFFC000  }
0x105: {  	[tilespmem:s15], [sflag:$0x1] =	stream.indirect.gather [hbm4b:s4+s14], $0x80, s19, s14, $0xb8;
	[tilespmem:$0x1F000] =	vst v63  }
0x106: {  	_ =	swait.ge [sflag:s18], $0x4000  }
0x107: {  	[sflag:s18] =	ssyncset.done $0x0  }
0x108: {  	s31 =	sadd.s32 $0xD80, s26;
	[sflag:s18] =	ssyncadd.s32 $0xFFFFC000  }
0x109: {  	[spmem:s2] =	stream.indirect.scatter.add.f32 [tilespmem:s16], [sflag:$0x3], $0x80, s31, s14, $0xb8;
	[tilespmem:$0x1F000] =	vst v63  }
0x10a: {  	_ =	swait.ge [sflag:s12], $0x4000  }
0x10b: {  	[sflag:s12] =	ssyncset.done $0x0  }
0x10c: {  	[sflag:s12] =	ssyncadd.s32 $0xFFFFC000  }
0x10d: {  	[tilespmem:s16], [sflag:$0x2] =	stream.indirect.gather [hbm4b:s4+s14], $0x80, s20, s14, $0xb8;
	[tilespmem:$0x1F000] =	vst v63  }
0x10e: {  	_ =	swait.ge [sflag:s17], $0x4000  }
0x10f: {  	[sflag:s17] =	ssyncset.done $0x0  }
0x110: {  	s29 =	sadd.s32 $0xE00, s26;
	[sflag:s17] =	ssyncadd.s32 $0xFFFFC000  }
0x111: {  	[spmem:s2] =	stream.indirect.scatter.add.f32 [tilespmem:s15], [sflag:$0x3], $0x80, s29, s14, $0xb8;
	[tilespmem:$0x1F000] =	vst v63  }
0x112: {  	_ =	swait.ge [sflag:s12], $0x4000  }
0x113: {  	[sflag:s12] =	ssyncset.done $0x0  }
0x114: {  	[sflag:s12] =	ssyncadd.s32 $0xFFFFC000  }
0x115: {  	[tilespmem:s15], [sflag:$0x1] =	stream.indirect.gather [hbm4b:s4+s14], $0x80, s21, s14, $0xb8;
	[tilespmem:$0x1F000] =	vst v63  }
0x116: {  	_ =	swait.ge [sflag:s18], $0x4000  }
0x117: {  	[sflag:s18] =	ssyncset.done $0x0  }
0x118: {  	s30 =	sadd.s32 $0xE80, s26;
	[sflag:s18] =	ssyncadd.s32 $0xFFFFC000  }
0x119: {  	[spmem:s2] =	stream.indirect.scatter.add.f32 [tilespmem:s16], [sflag:$0x3], $0x80, s30, s14, $0xb8;
	[tilespmem:$0x1F000] =	vst v63  }
0x11a: {  	_ =	swait.ge [sflag:s12], $0x4000  }
0x11b: {  	[sflag:s12] =	ssyncset.done $0x0  }
0x11c: {  	[sflag:s12] =	ssyncadd.s32 $0xFFFFC000  }
0x11d: {  	[tilespmem:s16], [sflag:$0x2] =	stream.indirect.gather [hbm4b:s4+s14], $0x80, s22, s14, $0xb8;
	[tilespmem:$0x1F000] =	vst v63  }
0x11e: {  	_ =	swait.ge [sflag:s17], $0x4000  }
0x11f: {  	[sflag:s17] =	ssyncset.done $0x0  }
0x120: {  	s31 =	sadd.s32 $0xF00, s26;
	[sflag:s17] =	ssyncadd.s32 $0xFFFFC000  }
0x121: {  	[spmem:s2] =	stream.indirect.scatter.add.f32 [tilespmem:s15], [sflag:$0x3], $0x80, s31, s14, $0xb8;
	[tilespmem:$0x1F000] =	vst v63  }
0x122: {  	_ =	swait.ge [sflag:s12], $0x4000  }
0x123: {  	[sflag:s12] =	ssyncset.done $0x0  }
0x124: {  	[sflag:s12] =	ssyncadd.s32 $0xFFFFC000  }
0x125: {  	p0 =	sne.s32 s24, $0x8000;
	_ =	swait.ge [sflag:s18], $0x4000  }
.Ltmp0:
0x126: {  	[sflag:s18] =	ssyncset.done $0x0;
	(pc) =	sbr.rel @p0 .LBB2_2-.Ltmp0, $4  }
0x127: {  	s26 =	sadd.s32 $0xF80, s26;
	[sflag:s18] =	ssyncadd.s32 $0xFFFFC000  }
0x128: {  	[spmem:s2] =	stream.indirect.scatter.add.f32 [tilespmem:s16], [sflag:$0x3], $0x80, s26, s14, $0xb8;
	[tilespmem:$0x1F000] =	vst v63  }
0x129: {  	_ =	swait.ge [sflag:s12], $0x4000  }
0x12a: {  	s24 =	sadd.s32 $0x2000, s24;
	[sflag:s12] =	ssyncset.done $0x0  }
0x12b: {  	s23 =	sadd.s32 $0x1, s23  }
0x12c: {  	[sflag:s12] =	ssyncadd.s32 $0xFFFFC000;
	p0 =	sne.s32 s23, s9  }
.Ltmp1:
0x12d: {  	[bflag:$0x0] =	sbarrier.arrive $0xFFFF;
	(pc) =	sbr.rel @p0 .LBB2_1-.Ltmp1, $4  }
0x12e: {  	[hbm:s8], [sflag:s6] =	dma.local [spmem:s11], $0x2800  }
0x12f: {  	_ =	swait.ge [sflag:s12], $0x2800  }
0x130: {  	[sflag:s12] =	ssyncset.done $0x0  }
0x131: {  	[sflag:s12] =	ssyncadd.s32 $0xFFFFD800  }
0x132: {  	_ =	sfence.sel $0x180000  }
0x133: {  	[bflag:$0x0] =	sbarrier.arrive $0xFFFF  }
0x134: {  	p0 =	sne.s32 s0, $0x0;
	_ =	strace $0x9000004D  }
0x135: {  	s0 =	sadd.s32 @!p0 $0x100000, s1;
	[bflag:$0x2] =	sbarrier.arrive $0xFFFF  }
0x136: {  	[sflag:s0] =	ssyncadd.tile.s32 @!p0 $0x1;
	_ =	shalt  }
.Lfunc_end2:
_tile_overlayer_lowered:
.L_overlay_start_2:
0x137: {  	(tag) =	ssettag $0x2  }
0x138: {  	s0 =	rddreg [dreg:$0x0];
	s2 =	stileid.u32  }
0x139: {  	s1 =	rddreg [dreg:$0x1];
	p0 =	sne.s32 s2, $0x0  }
0x13a: {  	s3 =	rddreg [dreg:$0x2];
	[bflag:$0x3] =	sbarrier.arrive $0xFFFF;
	s2 =	simm.s32 @!p0 $0x1C03  }
0x13b: {  	[timem:s3], [sflag:s2] =	dma.local @!p0 [hbm:s0], s1  }
0x13c: {  	s0 =	simm.s32 @!p0 $0x3  }
0x13d: {  	_ =	swait.ge @!p0 [sflag:s0], s1  }
0x13e: {  	s1 =	ssub.s32 @!p0 $0x0, s1;
	[sflag:s0] =	ssyncset.done @!p0 $0x0  }
0x13f: {  	[sflag:s0] =	ssyncadd.s32 @!p0 s1  }
0x140: {  	[bflag:$0x3] =	sbarrier.arrive $0xFFFF  }
0x141: {  	_ =	shalt  }

// kernel: kernel.19.cloned.1.call-start
scs
__scs_entry_jumppad:
0x0: {  	(pc) =	sbr.rel $0x88, $3  }
0x1: {  	(tag) =	ssettag $0x0;
	lr =	simm.s32 $0x1  }
0x2: {  	[smem:$0x3F96] =	sst lr;
	_ =	strace $0xD0000000  }
0x3: {  	_ = 	snop  }
0x4: {  	_ = 	snop  }
0x5: {  	_ = 	snop  }
0x6: {  	_ = 	snop  }
0x7: {  	_ = 	snop  }
__scs_overlays_trampoline_lowered:
0x8: {  	[smem:$0x3FA5] =	sst s0  }
0x9: {  	[smem:$0x3FA6] =	sst s1  }
0xa: {  	[smem:$0x3FA7] =	sst s2  }
0xb: {  	[smem:$0x3FA8] =	sst s3  }
0xc: {  	[smem:$0x3FA9] =	sst s4  }
0xd: {  	[smem:$0x3FAA] =	sst s5  }
0xe: {  	[smem:$0x3FAB] =	sst s6  }
0xf: {  	[smem:$0x3FAC] =	sst s7  }
0x10: {  	[smem:$0x3FAD] =	sst s8  }
0x11: {  	[smem:$0x3FAE] =	sst s9;
	s0 =	simm.s32 @!p0 $0x0  }
0x12: {  	s1 =	sld [smem:$0x3F94];
	s0 =	simm.s32 @p0 $0x1  }
0x13: {  	[smem:$0x3FAF] =	sst s0;
	s0 =	simm.s32 @!p1 $0x0  }
0x14: {  	s2 =	sld [smem:$0x3F93];
	s0 =	simm.s32 @p1 $0x1  }
0x15: {  	[smem:$0x3FB0] =	sst s0;
	s0 =	simm.s32 @!p2 $0x0  }
0x16: {  	s3 =	sld [smem:$0x3FDB];
	s0 =	simm.s32 @p2 $0x1  }
0x17: {  	s4 =	simm.s32 $0x1BF5;
	[smem:$0x3FB2] =	sst s0  }
0x18: {  	s0 =	sld [smem:$0x3F95];
	_ =	swait.ge [sflag:s4], $0x0  }
0x19: {  	s7 =	sld [smem:$0x3F96]  }
0x1a: {  	s8 =	sadd.s32 $0xFFFFE003, lr  }
0x1b: {  	s9 =	sadd.s32 $0xFFFFFEF7, lr;
	s5 =	simm.s32 $0xFFFFFFFF;
	p2 =	slt.u32 s8, $0xFFFFF086  }
0x1c: {  	p1 =	slt.u32 s9, $0xF7A;
	s5 =	simm.s32 @!p2 $0x0  }
0x1d: {  	s5 =	simm.s32 @p1 $0x1;
	p0 =	seq.s32 s7, s2  }
0x1e: {  	s7 =	smul.u32 @!p0 $0xF7A, s2;
	p2 =	seq.s32 @!p0 s5, $0x0  }
0x1f: {  	s9 =	smul.u32 $0xF7A, s1;
	s8 =	simm.s32 @!p0 $0x1BF5;
	p2 =	por !p2, p0  }
0x20: {  	[sflag:s8] =	ssyncset.s32 @!p0 $0xFFFFF086;
	s6 =	sadd.s32 @!p0 s3, s7;
	s7 =	simm.s32 @!p0 $0x108  }
0x21: {  	s3 =	sadd.s32 s3, s9;
	s6 =	sadd.s32 @!p0 $0x88, s6;
	s7 =	simm.s32 @p2 $0x1082  }
0x22: {  	[simem:s7], [sflag:s8] =	dma.local @!p0 [hbm:s6], $0xF7A  }
0x23: {  	s9 =	sor.u32 $0xD0000000, s2;
	s6 =	simm.s32 $0x108;
	_ =	swait.ge @!p0 [sflag:s8], $0x0  }
0x24: {  	s3 =	sadd.s32 $0x88, s3;
	s6 =	simm.s32 @!p1 $0x1082;
	[sflag:s4] =	ssyncset.s32 $0xFFFFF086  }
0x25: {  	[simem:s6], [sflag:s4] =	dma.local [hbm:s3], $0xF7A  }
0x26: {  	[smem:$0x3F96] =	sst s1;
	(tag) =	ssettag s2;
	_ =	strace s9  }
0x27: {  	s1 =	sld [smem:$0x3FA6]  }
0x28: {  	s2 =	sld [smem:$0x3FA7]  }
0x29: {  	s4 =	sld [smem:$0x3FA9]  }
0x2a: {  	p0 =	seq.s32 s5, $0x0;
	s5 =	sld [smem:$0x3FAA]  }
0x2b: {  	s6 =	sld [smem:$0x3FAB]  }
0x2c: {  	s7 =	sld [smem:$0x3FAC]  }
0x2d: {  	s3 =	simm.s32 $0x108;
	s8 =	sld [smem:$0x3FAD]  }
0x2e: {  	s3 =	simm.s32 @!p0 $0x1082;
	s9 =	sld [smem:$0x3FAE]  }
0x2f: {  	lr =	sadd.s32 s0, s3;
	s0 =	sld [smem:$0x3FA5]  }
0x30: {  	s3 =	sld [smem:$0x3FA8]  }
0x31: {  	[smem:$0x3FB1] =	sst s10  }
0x32: {  	s10 =	sld [smem:$0x3FAF];
	_ =	sdelay $0x3  }
0x33: {  	p0 =	seq.s32 s10, $0x1;
	s10 =	sld [smem:$0x3FB1];
	_ =	sdelay $0x3  }
0x34: {  	[smem:$0x3FB1] =	sst s10  }
0x35: {  	s10 =	sld [smem:$0x3FB0];
	_ =	sdelay $0x3  }
0x36: {  	p1 =	seq.s32 s10, $0x1;
	s10 =	sld [smem:$0x3FB1];
	_ =	sdelay $0x3  }
0x37: {  	[smem:$0x3FB1] =	sst s10  }
0x38: {  	s10 =	sld [smem:$0x3FB2]  }
0x39: {  	_ = 	snop;
	(pc) =	sbr.ind lr, $3  }
0x3a: {  	_ = 	snop  }
0x3b: {  	_ = 	snop  }
0x3c: {  	p2 =	seq.s32 s10, $0x1;
	s10 =	sld [smem:$0x3FB1]  }
0x3d: {  	_ =	shalt  }
0x3e: {  	_ =	shalt  }
0x3f: {  	_ =	shalt  }
0x40: {  	_ =	shalt  }
0x41: {  	_ =	shalt  }
0x42: {  	_ =	shalt  }
0x43: {  	_ =	shalt  }
0x44: {  	_ =	shalt  }
0x45: {  	_ =	shalt  }
0x46: {  	_ =	shalt  }
0x47: {  	_ =	shalt  }
0x48: {  	_ =	shalt  }
0x49: {  	_ =	shalt  }
0x4a: {  	_ =	shalt  }
0x4b: {  	_ =	shalt  }
0x4c: {  	_ =	shalt  }
0x4d: {  	_ =	shalt  }
0x4e: {  	_ =	shalt  }
0x4f: {  	_ =	shalt  }
0x50: {  	_ =	shalt  }
0x51: {  	_ =	shalt  }
0x52: {  	_ =	shalt  }
0x53: {  	_ =	shalt  }
0x54: {  	_ =	shalt  }
0x55: {  	_ =	shalt  }
0x56: {  	_ =	shalt  }
0x57: {  	_ =	shalt  }
0x58: {  	_ =	shalt  }
0x59: {  	_ =	shalt  }
0x5a: {  	_ =	shalt  }
0x5b: {  	_ =	shalt  }
0x5c: {  	_ =	shalt  }
0x5d: {  	_ =	shalt  }
0x5e: {  	_ =	shalt  }
0x5f: {  	_ =	shalt  }
0x60: {  	_ =	shalt  }
0x61: {  	_ =	shalt  }
0x62: {  	_ =	shalt  }
0x63: {  	_ =	shalt  }
0x64: {  	_ =	shalt  }
0x65: {  	_ =	shalt  }
0x66: {  	_ =	shalt  }
0x67: {  	_ =	shalt  }
0x68: {  	_ =	shalt  }
0x69: {  	_ =	shalt  }
0x6a: {  	_ =	shalt  }
0x6b: {  	_ =	shalt  }
0x6c: {  	_ =	shalt  }
0x6d: {  	_ =	shalt  }
0x6e: {  	_ =	shalt  }
0x6f: {  	_ =	shalt  }
0x70: {  	_ =	shalt  }
0x71: {  	_ =	shalt  }
0x72: {  	_ =	shalt  }
0x73: {  	_ =	shalt  }
0x74: {  	_ =	shalt  }
0x75: {  	_ =	shalt  }
0x76: {  	_ =	shalt  }
0x77: {  	_ =	shalt  }
0x78: {  	_ =	shalt  }
0x79: {  	_ =	shalt  }
0x7a: {  	_ =	shalt  }
0x7b: {  	_ =	shalt  }
0x7c: {  	_ =	shalt  }
0x7d: {  	_ =	shalt  }
0x7e: {  	_ =	shalt  }
0x7f: {  	_ =	shalt  }
0x80: {  	_ =	shalt  }
0x81: {  	_ =	shalt  }
0x82: {  	_ =	shalt  }
0x83: {  	_ =	shalt  }
0x84: {  	_ =	shalt  }
0x85: {  	_ =	shalt  }
0x86: {  	_ =	shalt  }
0x87: {  	_ =	shalt  }
.Lfunc_end0:
.L_simem_size_0:
called_computation.3_lowered:
.L_overlay_start_0:
0x88: {  	s2 =	sld [smem:$0x3FD9]  }
0x89: {  	s3 =	sld [smem:$0x3FFE];
	_ =	sdelay $0x1  }
0x8a: {  	s1 =	srdreg.scid  }
0x8b: {  	s0 =	sand.u32 $0x1, s1  }
0x8c: {  	s16 =	sshll.u32 s0, $0xA;
	s2 =	sadd.s32 s3, s2  }
0x8d: {  	s2 =	sadd.s32 s2, s16  }
0x8e: {  	[smem:$0x3FBD] =	sst s2  }
0x8f: {  	_ = 	snop  }
0x90: {  	(tm) =	ssettm $0x1  }
0x91: {  	s17 =	sld [smem:$0x3FFB];
	_ =	sdelay $0x3  }
0x92: {  	_ =	strace s17  }
0x93: {  	s2 =	sld [smem:$0x3FFC];
	_ =	sdelay $0x3  }
0x94: {  	_ =	strace s2  }
0x95: {  	s2 =	sld [smem:$0x3FFD];
	_ =	sdelay $0x3  }
0x96: {  	_ =	strace s2  }
0x97: {  	_ =	strace $0x8FFFFFFF  }
0x98: {  	s18 =	sld [smem:$0x3FDB];
	_ =	sdelay $0x1  }
0x99: {  	s19 =	simm.s32 $_scs_section_size  }
0x9a: {  	s4 =	simm.s32 $_size__tile_overlayer_lowered;
	s5 =	simm.s32 $_tile_overlayer_lowered  }
0x9b: {  	s22 =	simm.s32 $0x1BFF;
	s21 =	sshll.u32 s5, $0x1;
	s2 =	sadd.s32 s19, s18  }
0x9c: {  	s6 =	simm.s32 $0x0;
	s20 =	sshll.u32 s4, $0x1;
	s4 =	sadd.s32 s21, s2  }
0x9d: {  	[timem:s6], [sflag:s22] =	dma.local [hbm:s4], s20  }
0x9e: {  	_ =	swait.ge [sflag:s22], s20  }
0x9f: {  	s3 =	ssub.s32 $0x0, s20;
	[sflag:s22] =	ssyncset.done $0x0  }
0xa0: {  	[sflag:s22] =	ssyncadd.s32 s3;
	_ =	sdelay $0x1  }
0xa1: {  	s23 =	simm.s32 $0x1B8B  }
0xa2: {  	_ =	swait.ge [sflag:s23], $0x1  }
0xa3: {  	[sflag:s23] =	ssyncset.done $0x0  }
0xa4: {  	s25 =	simm.s32 $0x1B8E;
	s24 =	sld [smem:$0x3FFE];
	[sflag:s23] =	ssyncadd.s32 $0xFFFFFFFF  }
0xa5: {  	s26 =	simm.s32 $execute0_lowered;
	[smem:$0x3FD2] =	sst s25  }
0xa6: {  	s4 =	sshll.u32 s26, $0x1;
	_ =	strace $0x8000004F;
	[dreg:$0x1] =	wrdreg $0xFFFFFFFF  }
0xa7: {  	s28 =	simm.s32 $_size_execute0_lowered;
	s2 =	sadd.s32 s2, s4;
	[dreg:$0x0] =	wrdreg $0x0  }
0xa8: {  	s4 =	sshll.u32 s28, $0x1;
	[dreg:$0x2] =	wrdreg s2  }
0xa9: {  	[dreg:$0x3] =	wrdreg s4  }
0xaa: {  	[dreg:$0x4] =	wrdreg $0xC0  }
0xab: {  	_ =	task [dreg:s6], $0x5FFFF  }
0xac: {  	[dreg:$0x1] =	wrdreg $0xFFFFFFFF  }
0xad: {  	[dreg:$0x0] =	wrdreg $0x60  }
0xae: {  	[dreg:$0x2] =	wrdreg s24  }
0xaf: {  	[dreg:$0x3] =	wrdreg $0xB0000  }
0xb0: {  	[dreg:$0x4] =	wrdreg $0x9  }
0xb1: {  	_ =	task.clear_ibuf [dreg:s6], $0x5FFFF;
	_ =	strace $0x9000004F  }
0xb2: {  	s29 =	simm.s32 $0x9;
	_ =	strace $0x80000051  }
0xb3: {  	_ =	swait.ge [sflag:s29], $0x1  }
0xb4: {  	[sflag:s29] =	ssyncadd.s32 $0xFFFFFFFF  }
0xb5: {  	_ =	strace $0x90000051  }
0xb6: {  	_ =	sfence  }
0xb7: {  	s30 =	sld [smem:$0x0];
	_ =	sdelay $0x2  }
0xb8: {  	s31 =	sshll.u32 s1, $0xD;
	s1 =	sshrl.u32 s1, $0x2  }
0xb9: {  	s3 =	sand.u32 $0x4000, s31;
	s1 =	sadd.s32 s1, s30  }
0xba: {  	s0 =	sor.u32 s3, s0;
	s1 =	sshll.u32 s1, $0x11  }
0xbb: {  	s0 =	sor.u32 s1, s0  }
0xbc: {  	s0 =	sadd.s32 $0x8F2B, s0  }
0xbd: {  	[sflag:s0] =	ssyncadd.remote.s32 $0x1  }
0xbe: {  	_ =	sfence.sel $0xFFFF  }
0xbf: {  	[dreg:$0x0] =	wrdreg $0xFFFFFFFF;
	(pc) =	sbr.abs _section_cstart, $3  }
0xc0: {  	[dreg:$0x1] =	wrdreg $0xFFFFFFFF  }
0xc1: {  	_ =	task.clear_ibuf [dreg:s6], $0x2FFFF;
	_ =	strace $0x9FFFFFFF  }
0xc2: {  	(tm) =	ssettm $0x7FFFFFFF  }
0xc3: {  	_ =	shalt  }
tec
execute0_lowered:
.L_overlay_start_1:
0x0: {  	(tag) =	ssettag $0x1  }
0x1: {  	s0 =	stileid.u32  }
0x2: {  	s1 =	srdreg.scid;
	s5 =	rddreg [dreg:$0x0]  }
0x3: {  	s2 =	rddreg [dreg:$0x1];
	s3 =	simm.s32 $0x0;
	s28 =	simm.s32 $0x100  }
0x4: {  	s29 =	simm.s32 $0x180;
	s30 =	simm.s32 $0x200;
	s14 =	simm.s32 $0x280  }
0x5: {  	s15 =	simm.s32 $0x300;
	s6 =	sand.u32 $0x1, s1;
	s1 =	rddreg [dreg:$0x2]  }
0x6: {  	s16 =	simm.s32 $0x380;
	s17 =	simm.s32 $0x400;
	[smem:$0x7FF] =	sst s3  }
0x7: {  	s18 =	simm.s32 $0x480;
	_ =	strace $0x80000050;
	[dreg:$0x3] =	wrdreg s28  }
0x8: {  	s19 =	simm.s32 $0x500;
	s7 =	smul.u32 $0xA00, s0;
	[dreg:$0x4] =	wrdreg s29  }
0x9: {  	s31 =	simm.s32 $0x580;
	s9 =	smul.u32 $0x2800, s0;
	[dreg:$0x5] =	wrdreg s30  }
0xa: {  	s20 =	sshll.u32 s0, $0x1;
	s21 =	smul.u32 $0x50000, s0;
	[dreg:$0x6] =	wrdreg s14  }
0xb: {  	s24 =	sshll.u32 s0, $0x6;
	s4 =	sor.u32 s6, s20;
	[dreg:$0x7] =	wrdreg s15  }
0xc: {  	s10 =	smul.u32 $0x28000, s6;
	s13 =	ssub.s32 $0x2, s6;
	[dreg:$0x8] =	wrdreg s16  }
0xd: {  	s25 =	smul.u32 $0x500, s6;
	s6 =	sor.u32 $0x1C03, s24;
	[dreg:$0x9] =	wrdreg s17  }
0xe: {  	s14 =	simm.s32 $0x80;
	s15 =	simm.s32 $0x3000;
	[dreg:$0xa] =	wrdreg s18  }
0xf: {  	s16 =	simm.s32 $0x7000;
	s17 =	simm.s32 $0x1;
	[dreg:$0xb] =	wrdreg s19  }
0x10: {  	s18 =	simm.s32 $0x2;
	[dreg:$0xc] =	wrdreg s31;
	s19 =	simm.s32 $0x600  }
0x11: {  	s20 =	simm.s32 $0x680;
	s8 =	smul.u32 $0x500, s4;
	s4 =	sadd.s32 $0x41600, s5  }
0x12: {  	s11 =	sadd.s32 s7, s5;
	s12 =	sadd.s32 s9, s5;
	s22 =	sshrl.u32 s13, $0x1  }
0x13: {  	s7 =	sshrl.u32 s21, $0x2;
	s21 =	simm.s32 $0x700;
	s9 =	sadd.s32 s9, s10  }
0x14: {  	s10 =	ssub.s32 s13, s22;
	s23 =	sadd.s32 s7, s2;
	s26 =	sadd.s32 s25, s11  }
0x15: {  	s13 =	simm.s32 $0x800;
	s22 =	simm.s32 $0x780;
	s8 =	sadd.s32 s8, s5  }
0x16: {  	s9 =	sadd.s32 s9, s5;
	s5 =	sadd.s32 $0x19600, s12;
	s11 =	sshrl.u32 s23, $0x3  }
0x17: {  	s12 =	simm.s32 $0x3;
	s23 =	simm.s32 $0x0;
	s7 =	sadd.s32 $0x5600, s8  }
0x18: {  	s8 =	sadd.s32 $0x91600, s9;
	s9 =	smax.u32 s10, $0x1;
	s10 =	sadd.s32 $0xF600, s26  }
.LBB2_1:
0x19: {  	[spmem:s11], [sflag:s6] =	dma.local [hbm:s5], $0x2800  }
0x1a: {  	_ =	swait.ge [sflag:s12], $0x2800  }
0x1b: {  	[sflag:s12] =	ssyncset.done $0x0  }
0x1c: {  	[sflag:s12] =	ssyncadd.s32 $0xFFFFD800  }
0x1d: {  	[tilespmem:s13], [sflag:$0x3] =	stream.linear.gather [hbm4b:s7+s3], $0x2800, $0x38;
	[tilespmem:$0x1F000] =	vst v63  }
0x1e: {  	_ =	swait.ge [sflag:s12], $0x2800  }
0x1f: {  	[sflag:s12] =	ssyncset.done $0x0  }
0x20: {  	[sflag:s12] =	ssyncadd.s32 $0xFFFFD800  }
0x21: {  	[bflag:$0x0] =	sbarrier.arrive $0xFFFF  }
0x22: {  	[tilespmem:s3], [sflag:$0x3] =	stream.linear.gather [hbm4b:s10+s3], $0x800, $0x38;
	[tilespmem:$0x1F000] =	vst v63  }
0x23: {  	_ =	swait.ge [sflag:s12], $0x800  }
0x24: {  	[sflag:s12] =	ssyncset.done $0x0  }
0x25: {  	[sflag:s12] =	ssyncadd.s32 $0xFFFFF800  }
0x26: {  	[tilespmem:s15], [sflag:$0x1] =	stream.indirect.gather [hbm4b:s4+s14], $0x80, s3, s14, $0xb8;
	[tilespmem:$0x1F000] =	vst v63  }
0x27: {  	_ = 	snop  }
0x28: {  	[tilespmem:s16], [sflag:$0x2] =	stream.indirect.gather [hbm4b:s4+s14], $0x80, s14, s14, $0xb8;
	[tilespmem:$0x1F000] =	vst v63  }
0x29: {  	_ =	swait.ge [sflag:s17], $0x4000  }
0x2a: {  	[sflag:s17] =	ssyncset.done $0x0  }
0x2b: {  	s24 =	simm.s32 $0x800;
	[sflag:s17] =	ssyncadd.s32 $0xFFFFC000  }
0x2c: {  	[spmem:s2] =	stream.indirect.scatter.add.f32 [tilespmem:s15], [sflag:$0x3], $0x80, s24, s14, $0xb8;
	[tilespmem:$0x1F000] =	vst v63  }
0x2d: {  	_ =	swait.ge [sflag:s12], $0x4000  }
0x2e: {  	[sflag:s12] =	ssyncset.done $0x0  }
0x2f: {  	s31 =	rddreg [dreg:$0x3];
	[sflag:s12] =	ssyncadd.s32 $0xFFFFC000  }
0x30: {  	[tilespmem:s15], [sflag:$0x1] =	stream.indirect.gather [hbm4b:s4+s14], $0x80, s31, s14, $0xb8;
	[tilespmem:$0x1F000] =	vst v63  }
0x31: {  	_ =	swait.ge [sflag:s18], $0x4000  }
0x32: {  	[sflag:s18] =	ssyncset.done $0x0  }
0x33: {  	s25 =	simm.s32 $0x880;
	[sflag:s18] =	ssyncadd.s32 $0xFFFFC000  }
0x34: {  	[spmem:s2] =	stream.indirect.scatter.add.f32 [tilespmem:s16], [sflag:$0x3], $0x80, s25, s14, $0xb8;
	[tilespmem:$0x1F000] =	vst v63  }
0x35: {  	_ =	swait.ge [sflag:s12], $0x4000  }
0x36: {  	[sflag:s12] =	ssyncset.done $0x0  }
0x37: {  	s26 =	rddreg [dreg:$0x4];
	[sflag:s12] =	ssyncadd.s32 $0xFFFFC000  }
0x38: {  	[tilespmem:s16], [sflag:$0x2] =	stream.indirect.gather [hbm4b:s4+s14], $0x80, s26, s14, $0xb8;
	[tilespmem:$0x1F000] =	vst v63  }
0x39: {  	_ =	swait.ge [sflag:s17], $0x4000  }
0x3a: {  	[sflag:s17] =	ssyncset.done $0x0  }
0x3b: {  	s28 =	simm.s32 $0x900;
	[sflag:s17] =	ssyncadd.s32 $0xFFFFC000  }
0x3c: {  	[spmem:s2] =	stream.indirect.scatter.add.f32 [tilespmem:s15], [sflag:$0x3], $0x80, s28, s14, $0xb8;
	[tilespmem:$0x1F000] =	vst v63  }
0x3d: {  	_ =	swait.ge [sflag:s12], $0x4000  }
0x3e: {  	[sflag:s12] =	ssyncset.done $0x0  }
0x3f: {  	s29 =	rddreg [dreg:$0x5];
	[sflag:s12] =	ssyncadd.s32 $0xFFFFC000  }
0x40: {  	[tilespmem:s15], [sflag:$0x1] =	stream.indirect.gather [hbm4b:s4+s14], $0x80, s29, s14, $0xb8;
	[tilespmem:$0x1F000] =	vst v63  }
0x41: {  	_ =	swait.ge [sflag:s18], $0x4000  }
0x42: {  	[sflag:s18] =	ssyncset.done $0x0  }
0x43: {  	s30 =	simm.s32 $0x980;
	[sflag:s18] =	ssyncadd.s32 $0xFFFFC000  }
0x44: {  	[spmem:s2] =	stream.indirect.scatter.add.f32 [tilespmem:s16], [sflag:$0x3], $0x80, s30, s14, $0xb8;
	[tilespmem:$0x1F000] =	vst v63  }
0x45: {  	_ =	swait.ge [sflag:s12], $0x4000  }
0x46: {  	[sflag:s12] =	ssyncset.done $0x0  }
0x47: {  	s31 =	rddreg [dreg:$0x6];
	[sflag:s12] =	ssyncadd.s32 $0xFFFFC000  }
0x48: {  	[tilespmem:s16], [sflag:$0x2] =	stream.indirect.gather [hbm4b:s4+s14], $0x80, s31, s14, $0xb8;
	[tilespmem:$0x1F000] =	vst v63  }
0x49: {  	_ =	swait.ge [sflag:s17], $0x4000  }
0x4a: {  	[sflag:s17] =	ssyncset.done $0x0  }
0x4b: {  	s25 =	simm.s32 $0xA00;
	[sflag:s17] =	ssyncadd.s32 $0xFFFFC000  }
0x4c: {  	[spmem:s2] =	stream.indirect.scatter.add.f32 [tilespmem:s15], [sflag:$0x3], $0x80, s25, s14, $0xb8;
	[tilespmem:$0x1F000] =	vst v63  }
0x4d: {  	_ =	swait.ge [sflag:s12], $0x4000  }
0x4e: {  	[sflag:s12] =	ssyncset.done $0x0  }
0x4f: {  	s26 =	rddreg [dreg:$0x7];
	[sflag:s12] =	ssyncadd.s32 $0xFFFFC000  }
0x50: {  	[tilespmem:s15], [sflag:$0x1] =	stream.indirect.gather [hbm4b:s4+s14], $0x80, s26, s14, $0xb8;
	[tilespmem:$0x1F000] =	vst v63  }
0x51: {  	_ =	swait.ge [sflag:s18], $0x4000  }
0x52: {  	[sflag:s18] =	ssyncset.done $0x0  }
0x53: {  	s28 =	simm.s32 $0xA80;
	[sflag:s18] =	ssyncadd.s32 $0xFFFFC000  }
0x54: {  	[spmem:s2] =	stream.indirect.scatter.add.f32 [tilespmem:s16], [sflag:$0x3], $0x80, s28, s14, $0xb8;
	[tilespmem:$0x1F000] =	vst v63  }
0x55: {  	_ =	swait.ge [sflag:s12], $0x4000  }
0x56: {  	[sflag:s12] =	ssyncset.done $0x0  }
0x57: {  	s29 =	rddreg [dreg:$0x8];
	[sflag:s12] =	ssyncadd.s32 $0xFFFFC000  }
0x58: {  	[tilespmem:s16], [sflag:$0x2] =	stream.indirect.gather [hbm4b:s4+s14], $0x80, s29, s14, $0xb8;
	[tilespmem:$0x1F000] =	vst v63  }
0x59: {  	_ =	swait.ge [sflag:s17], $0x4000  }
0x5a: {  	[sflag:s17] =	ssyncset.done $0x0  }
0x5b: {  	s30 =	simm.s32 $0xB00;
	[sflag:s17] =	ssyncadd.s32 $0xFFFFC000  }
0x5c: {  	[spmem:s2] =	stream.indirect.scatter.add.f32 [tilespmem:s15], [sflag:$0x3], $0x80, s30, s14, $0xb8;
	[tilespmem:$0x1F000] =	vst v63  }
0x5d: {  	_ =	swait.ge [sflag:s12], $0x4000  }
0x5e: {  	[sflag:s12] =	ssyncset.done $0x0  }
0x5f: {  	s31 =	rddreg [dreg:$0x9];
	[sflag:s12] =	ssyncadd.s32 $0xFFFFC000  }
0x60: {  	[tilespmem:s15], [sflag:$0x1] =	stream.indirect.gather [hbm4b:s4+s14], $0x80, s31, s14, $0xb8;
	[tilespmem:$0x1F000] =	vst v63  }
0x61: {  	_ =	swait.ge [sflag:s18], $0x4000  }
0x62: {  	[sflag:s18] =	ssyncset.done $0x0  }
0x63: {  	s25 =	simm.s32 $0xB80;
	[sflag:s18] =	ssyncadd.s32 $0xFFFFC000  }
0x64: {  	[spmem:s2] =	stream.indirect.scatter.add.f32 [tilespmem:s16], [sflag:$0x3], $0x80, s25, s14, $0xb8;
	[tilespmem:$0x1F000] =	vst v63  }
0x65: {  	_ =	swait.ge [sflag:s12], $0x4000  }
0x66: {  	[sflag:s12] =	ssyncset.done $0x0  }
0x67: {  	s26 =	rddreg [dreg:$0xa];
	[sflag:s12] =	ssyncadd.s32 $0xFFFFC000  }
0x68: {  	[tilespmem:s16], [sflag:$0x2] =	stream.indirect.gather [hbm4b:s4+s14], $0x80, s26, s14, $0xb8;
	[tilespmem:$0x1F000] =	vst v63  }
0x69: {  	_ =	swait.ge [sflag:s17], $0x4000  }
0x6a: {  	[sflag:s17] =	ssyncset.done $0x0  }
0x6b: {  	s28 =	simm.s32 $0xC00;
	[sflag:s17] =	ssyncadd.s32 $0xFFFFC000  }
0x6c: {  	[spmem:s2] =	stream.indirect.scatter.add.f32 [tilespmem:s15], [sflag:$0x3], $0x80, s28, s14, $0xb8;
	[tilespmem:$0x1F000] =	vst v63  }
0x6d: {  	_ =	swait.ge [sflag:s12], $0x4000  }
0x6e: {  	[sflag:s12] =	ssyncset.done $0x0  }
0x6f: {  	s29 =	rddreg [dreg:$0xb];
	[sflag:s12] =	ssyncadd.s32 $0xFFFFC000  }
0x70: {  	[tilespmem:s15], [sflag:$0x1] =	stream.indirect.gather [hbm4b:s4+s14], $0x80, s29, s14, $0xb8;
	[tilespmem:$0x1F000] =	vst v63  }
0x71: {  	_ =	swait.ge [sflag:s18], $0x4000  }
0x72: {  	[sflag:s18] =	ssyncset.done $0x0  }
0x73: {  	s30 =	simm.s32 $0xC80;
	[sflag:s18] =	ssyncadd.s32 $0xFFFFC000  }
0x74: {  	[spmem:s2] =	stream.indirect.scatter.add.f32 [tilespmem:s16], [sflag:$0x3], $0x80, s30, s14, $0xb8;
	[tilespmem:$0x1F000] =	vst v63  }
0x75: {  	_ =	swait.ge [sflag:s12], $0x4000  }
0x76: {  	[sflag:s12] =	ssyncset.done $0x0  }
0x77: {  	s31 =	rddreg [dreg:$0xc];
	[sflag:s12] =	ssyncadd.s32 $0xFFFFC000  }
0x78: {  	[tilespmem:s16], [sflag:$0x2] =	stream.indirect.gather [hbm4b:s4+s14], $0x80, s31, s14, $0xb8;
	[tilespmem:$0x1F000] =	vst v63  }
0x79: {  	_ =	swait.ge [sflag:s17], $0x4000  }
0x7a: {  	[sflag:s17] =	ssyncset.done $0x0  }
0x7b: {  	s25 =	simm.s32 $0xD00;
	[sflag:s17] =	ssyncadd.s32 $0xFFFFC000  }
0x7c: {  	[spmem:s2] =	stream.indirect.scatter.add.f32 [tilespmem:s15], [sflag:$0x3], $0x80, s25, s14, $0xb8;
	[tilespmem:$0x1F000] =	vst v63  }
0x7d: {  	_ =	swait.ge [sflag:s12], $0x4000  }
0x7e: {  	[sflag:s12] =	ssyncset.done $0x0  }
0x7f: {  	[sflag:s12] =	ssyncadd.s32 $0xFFFFC000  }
0x80: {  	[tilespmem:s15], [sflag:$0x1] =	stream.indirect.gather [hbm4b:s4+s14], $0x80, s19, s14, $0xb8;
	[tilespmem:$0x1F000] =	vst v63  }
0x81: {  	_ =	swait.ge [sflag:s18], $0x4000  }
0x82: {  	[sflag:s18] =	ssyncset.done $0x0  }
0x83: {  	s26 =	simm.s32 $0xD80;
	[sflag:s18] =	ssyncadd.s32 $0xFFFFC000  }
0x84: {  	[spmem:s2] =	stream.indirect.scatter.add.f32 [tilespmem:s16], [sflag:$0x3], $0x80, s26, s14, $0xb8;
	[tilespmem:$0x1F000] =	vst v63  }
0x85: {  	_ =	swait.ge [sflag:s12], $0x4000  }
0x86: {  	[sflag:s12] =	ssyncset.done $0x0  }
0x87: {  	[sflag:s12] =	ssyncadd.s32 $0xFFFFC000  }
0x88: {  	[tilespmem:s16], [sflag:$0x2] =	stream.indirect.gather [hbm4b:s4+s14], $0x80, s20, s14, $0xb8;
	[tilespmem:$0x1F000] =	vst v63  }
0x89: {  	_ =	swait.ge [sflag:s17], $0x4000  }
0x8a: {  	[sflag:s17] =	ssyncset.done $0x0  }
0x8b: {  	s28 =	simm.s32 $0xE00;
	[sflag:s17] =	ssyncadd.s32 $0xFFFFC000  }
0x8c: {  	[spmem:s2] =	stream.indirect.scatter.add.f32 [tilespmem:s15], [sflag:$0x3], $0x80, s28, s14, $0xb8;
	[tilespmem:$0x1F000] =	vst v63  }
0x8d: {  	_ =	swait.ge [sflag:s12], $0x4000  }
0x8e: {  	[sflag:s12] =	ssyncset.done $0x0  }
0x8f: {  	[sflag:s12] =	ssyncadd.s32 $0xFFFFC000  }
0x90: {  	[tilespmem:s15], [sflag:$0x1] =	stream.indirect.gather [hbm4b:s4+s14], $0x80, s21, s14, $0xb8;
	[tilespmem:$0x1F000] =	vst v63  }
0x91: {  	_ =	swait.ge [sflag:s18], $0x4000  }
0x92: {  	[sflag:s18] =	ssyncset.done $0x0  }
0x93: {  	s29 =	simm.s32 $0xE80;
	[sflag:s18] =	ssyncadd.s32 $0xFFFFC000  }
0x94: {  	[spmem:s2] =	stream.indirect.scatter.add.f32 [tilespmem:s16], [sflag:$0x3], $0x80, s29, s14, $0xb8;
	[tilespmem:$0x1F000] =	vst v63  }
0x95: {  	_ =	swait.ge [sflag:s12], $0x4000  }
0x96: {  	[sflag:s12] =	ssyncset.done $0x0  }
0x97: {  	[sflag:s12] =	ssyncadd.s32 $0xFFFFC000  }
0x98: {  	[tilespmem:s16], [sflag:$0x2] =	stream.indirect.gather [hbm4b:s4+s14], $0x80, s22, s14, $0xb8;
	[tilespmem:$0x1F000] =	vst v63  }
0x99: {  	_ =	swait.ge [sflag:s17], $0x4000  }
0x9a: {  	[sflag:s17] =	ssyncset.done $0x0  }
0x9b: {  	s30 =	simm.s32 $0xF00;
	[sflag:s17] =	ssyncadd.s32 $0xFFFFC000  }
0x9c: {  	[spmem:s2] =	stream.indirect.scatter.add.f32 [tilespmem:s15], [sflag:$0x3], $0x80, s30, s14, $0xb8;
	[tilespmem:$0x1F000] =	vst v63  }
0x9d: {  	_ =	swait.ge [sflag:s12], $0x4000  }
0x9e: {  	[sflag:s12] =	ssyncset.done $0x0  }
0x9f: {  	[sflag:s12] =	ssyncadd.s32 $0xFFFFC000  }
0xa0: {  	_ =	swait.ge [sflag:s18], $0x4000  }
0xa1: {  	[sflag:s18] =	ssyncset.done $0x0  }
0xa2: {  	s31 =	simm.s32 $0xF80;
	[sflag:s18] =	ssyncadd.s32 $0xFFFFC000  }
0xa3: {  	[spmem:s2] =	stream.indirect.scatter.add.f32 [tilespmem:s16], [sflag:$0x3], $0x80, s31, s14, $0xb8;
	[tilespmem:$0x1F000] =	vst v63  }
0xa4: {  	_ =	swait.ge [sflag:s12], $0x4000  }
0xa5: {  	s24 =	simm.s32 $0x2000;
	s25 =	smov.u32 s10;
	[sflag:s12] =	ssyncset.done $0x0  }
.LBB2_2:
0xa6: {  	[sflag:s12] =	ssyncadd.s32 $0xFFFFC000;
	s25 =	sadd.s32 $0x100, s25  }
0xa7: {  	[tilespmem:s3], [sflag:$0x3] =	stream.linear.gather [hbm4b:s25+s3], $0x800, $0x38;
	[tilespmem:$0x1F000] =	vst v63  }
0xa8: {  	_ =	swait.ge [sflag:s12], $0x800  }
0xa9: {  	[sflag:s12] =	ssyncset.done $0x0  }
0xaa: {  	[sflag:s12] =	ssyncadd.s32 $0xFFFFF800  }
0xab: {  	[tilespmem:s15], [sflag:$0x1] =	stream.indirect.gather [hbm4b:s4+s14], $0x80, s3, s14, $0xb8;
	[tilespmem:$0x1F000] =	vst v63  }
0xac: {  	_ = 	snop  }
0xad: {  	[tilespmem:s16], [sflag:$0x2] =	stream.indirect.gather [hbm4b:s4+s14], $0x80, s14, s14, $0xb8;
	[tilespmem:$0x1F000] =	vst v63  }
0xae: {  	s26 =	smov.u32 s24;
	_ =	swait.ge [sflag:s17], $0x4000  }
0xaf: {  	s26 =	sshra.s32 s26, $0x2;
	[sflag:s17] =	ssyncset.done $0x0  }
0xb0: {  	s28 =	sadd.s32 $0x800, s26;
	[sflag:s17] =	ssyncadd.s32 $0xFFFFC000  }
0xb1: {  	[spmem:s2] =	stream.indirect.scatter.add.f32 [tilespmem:s15], [sflag:$0x3], $0x80, s28, s14, $0xb8;
	[tilespmem:$0x1F000] =	vst v63  }
0xb2: {  	_ =	swait.ge [sflag:s12], $0x4000  }
0xb3: {  	[sflag:s12] =	ssyncset.done $0x0  }
0xb4: {  	s29 =	rddreg [dreg:$0x3];
	[sflag:s12] =	ssyncadd.s32 $0xFFFFC000  }
0xb5: {  	[tilespmem:s15], [sflag:$0x1] =	stream.indirect.gather [hbm4b:s4+s14], $0x80, s29, s14, $0xb8;
	[tilespmem:$0x1F000] =	vst v63  }
0xb6: {  	_ =	swait.ge [sflag:s18], $0x4000  }
0xb7: {  	[sflag:s18] =	ssyncset.done $0x0  }
0xb8: {  	s30 =	sadd.s32 $0x880, s26;
	[sflag:s18] =	ssyncadd.s32 $0xFFFFC000  }
0xb9: {  	[spmem:s2] =	stream.indirect.scatter.add.f32 [tilespmem:s16], [sflag:$0x3], $0x80, s30, s14, $0xb8;
	[tilespmem:$0x1F000] =	vst v63  }
0xba: {  	_ =	swait.ge [sflag:s12], $0x4000  }
0xbb: {  	[sflag:s12] =	ssyncset.done $0x0  }
0xbc: {  	s31 =	rddreg [dreg:$0x4];
	[sflag:s12] =	ssyncadd.s32 $0xFFFFC000  }
0xbd: {  	[tilespmem:s16], [sflag:$0x2] =	stream.indirect.gather [hbm4b:s4+s14], $0x80, s31, s14, $0xb8;
	[tilespmem:$0x1F000] =	vst v63  }
0xbe: {  	_ =	swait.ge [sflag:s17], $0x4000  }
0xbf: {  	[sflag:s17] =	ssyncset.done $0x0  }
0xc0: {  	s29 =	sadd.s32 $0x900, s26;
	[sflag:s17] =	ssyncadd.s32 $0xFFFFC000  }
0xc1: {  	[spmem:s2] =	stream.indirect.scatter.add.f32 [tilespmem:s15], [sflag:$0x3], $0x80, s29, s14, $0xb8;
	[tilespmem:$0x1F000] =	vst v63  }
0xc2: {  	_ =	swait.ge [sflag:s12], $0x4000  }
0xc3: {  	[sflag:s12] =	ssyncset.done $0x0  }
0xc4: {  	s30 =	rddreg [dreg:$0x5];
	[sflag:s12] =	ssyncadd.s32 $0xFFFFC000  }
0xc5: {  	[tilespmem:s15], [sflag:$0x1] =	stream.indirect.gather [hbm4b:s4+s14], $0x80, s30, s14, $0xb8;
	[tilespmem:$0x1F000] =	vst v63  }
0xc6: {  	_ =	swait.ge [sflag:s18], $0x4000  }
0xc7: {  	[sflag:s18] =	ssyncset.done $0x0  }
0xc8: {  	s31 =	sadd.s32 $0x980, s26;
	[sflag:s18] =	ssyncadd.s32 $0xFFFFC000  }
0xc9: {  	[spmem:s2] =	stream.indirect.scatter.add.f32 [tilespmem:s16], [sflag:$0x3], $0x80, s31, s14, $0xb8;
	[tilespmem:$0x1F000] =	vst v63  }
0xca: {  	_ =	swait.ge [sflag:s12], $0x4000  }
0xcb: {  	[sflag:s12] =	ssyncset.done $0x0  }
0xcc: {  	s29 =	rddreg [dreg:$0x6];
	[sflag:s12] =	ssyncadd.s32 $0xFFFFC000  }
0xcd: {  	[tilespmem:s16], [sflag:$0x2] =	stream.indirect.gather [hbm4b:s4+s14], $0x80, s29, s14, $0xb8;
	[tilespmem:$0x1F000] =	vst v63  }
0xce: {  	_ =	swait.ge [sflag:s17], $0x4000  }
0xcf: {  	[sflag:s17] =	ssyncset.done $0x0  }
0xd0: {  	s30 =	sadd.s32 $0xA00, s26;
	[sflag:s17] =	ssyncadd.s32 $0xFFFFC000  }
0xd1: {  	[spmem:s2] =	stream.indirect.scatter.add.f32 [tilespmem:s15], [sflag:$0x3], $0x80, s30, s14, $0xb8;
	[tilespmem:$0x1F000] =	vst v63  }
0xd2: {  	_ =	swait.ge [sflag:s12], $0x4000  }
0xd3: {  	[sflag:s12] =	ssyncset.done $0x0  }
0xd4: {  	s31 =	rddreg [dreg:$0x7];
	[sflag:s12] =	ssyncadd.s32 $0xFFFFC000  }
0xd5: {  	[tilespmem:s15], [sflag:$0x1] =	stream.indirect.gather [hbm4b:s4+s14], $0x80, s31, s14, $0xb8;
	[tilespmem:$0x1F000] =	vst v63  }
0xd6: {  	_ =	swait.ge [sflag:s18], $0x4000  }
0xd7: {  	[sflag:s18] =	ssyncset.done $0x0  }
0xd8: {  	s29 =	sadd.s32 $0xA80, s26;
	[sflag:s18] =	ssyncadd.s32 $0xFFFFC000  }
0xd9: {  	[spmem:s2] =	stream.indirect.scatter.add.f32 [tilespmem:s16], [sflag:$0x3], $0x80, s29, s14, $0xb8;
	[tilespmem:$0x1F000] =	vst v63  }
0xda: {  	_ =	swait.ge [sflag:s12], $0x4000  }
0xdb: {  	[sflag:s12] =	ssyncset.done $0x0  }
0xdc: {  	s30 =	rddreg [dreg:$0x8];
	[sflag:s12] =	ssyncadd.s32 $0xFFFFC000  }
0xdd: {  	[tilespmem:s16], [sflag:$0x2] =	stream.indirect.gather [hbm4b:s4+s14], $0x80, s30, s14, $0xb8;
	[tilespmem:$0x1F000] =	vst v63  }
0xde: {  	_ =	swait.ge [sflag:s17], $0x4000  }
0xdf: {  	[sflag:s17] =	ssyncset.done $0x0  }
0xe0: {  	s31 =	sadd.s32 $0xB00, s26;
	[sflag:s17] =	ssyncadd.s32 $0xFFFFC000  }
0xe1: {  	[spmem:s2] =	stream.indirect.scatter.add.f32 [tilespmem:s15], [sflag:$0x3], $0x80, s31, s14, $0xb8;
	[tilespmem:$0x1F000] =	vst v63  }
0xe2: {  	_ =	swait.ge [sflag:s12], $0x4000  }
0xe3: {  	[sflag:s12] =	ssyncset.done $0x0  }
0xe4: {  	s29 =	rddreg [dreg:$0x9];
	[sflag:s12] =	ssyncadd.s32 $0xFFFFC000  }
0xe5: {  	[tilespmem:s15], [sflag:$0x1] =	stream.indirect.gather [hbm4b:s4+s14], $0x80, s29, s14, $0xb8;
	[tilespmem:$0x1F000] =	vst v63  }
0xe6: {  	_ =	swait.ge [sflag:s18], $0x4000  }
0xe7: {  	[sflag:s18] =	ssyncset.done $0x0  }
0xe8: {  	s30 =	sadd.s32 $0xB80, s26;
	[sflag:s18] =	ssyncadd.s32 $0xFFFFC000  }
0xe9: {  	[spmem:s2] =	stream.indirect.scatter.add.f32 [tilespmem:s16], [sflag:$0x3], $0x80, s30, s14, $0xb8;
	[tilespmem:$0x1F000] =	vst v63  }
0xea: {  	_ =	swait.ge [sflag:s12], $0x4000  }
0xeb: {  	[sflag:s12] =	ssyncset.done $0x0  }
0xec: {  	s31 =	rddreg [dreg:$0xa];
	[sflag:s12] =	ssyncadd.s32 $0xFFFFC000  }
0xed: {  	[tilespmem:s16], [sflag:$0x2] =	stream.indirect.gather [hbm4b:s4+s14], $0x80, s31, s14, $0xb8;
	[tilespmem:$0x1F000] =	vst v63  }
0xee: {  	_ =	swait.ge [sflag:s17], $0x4000  }
0xef: {  	[sflag:s17] =	ssyncset.done $0x0  }
0xf0: {  	s29 =	sadd.s32 $0xC00, s26;
	[sflag:s17] =	ssyncadd.s32 $0xFFFFC000  }
0xf1: {  	[spmem:s2] =	stream.indirect.scatter.add.f32 [tilespmem:s15], [sflag:$0x3], $0x80, s29, s14, $0xb8;
	[tilespmem:$0x1F000] =	vst v63  }
0xf2: {  	_ =	swait.ge [sflag:s12], $0x4000  }
0xf3: {  	[sflag:s12] =	ssyncset.done $0x0  }
0xf4: {  	s30 =	rddreg [dreg:$0xb];
	[sflag:s12] =	ssyncadd.s32 $0xFFFFC000  }
0xf5: {  	[tilespmem:s15], [sflag:$0x1] =	stream.indirect.gather [hbm4b:s4+s14], $0x80, s30, s14, $0xb8;
	[tilespmem:$0x1F000] =	vst v63  }
0xf6: {  	_ =	swait.ge [sflag:s18], $0x4000  }
0xf7: {  	[sflag:s18] =	ssyncset.done $0x0  }
0xf8: {  	s31 =	sadd.s32 $0xC80, s26;
	[sflag:s18] =	ssyncadd.s32 $0xFFFFC000  }
0xf9: {  	[spmem:s2] =	stream.indirect.scatter.add.f32 [tilespmem:s16], [sflag:$0x3], $0x80, s31, s14, $0xb8;
	[tilespmem:$0x1F000] =	vst v63  }
0xfa: {  	_ =	swait.ge [sflag:s12], $0x4000  }
0xfb: {  	[sflag:s12] =	ssyncset.done $0x0  }
0xfc: {  	s29 =	rddreg [dreg:$0xc];
	[sflag:s12] =	ssyncadd.s32 $0xFFFFC000  }
0xfd: {  	[tilespmem:s16], [sflag:$0x2] =	stream.indirect.gather [hbm4b:s4+s14], $0x80, s29, s14, $0xb8;
	[tilespmem:$0x1F000] =	vst v63  }
0xfe: {  	_ =	swait.ge [sflag:s17], $0x4000  }
0xff: {  	[sflag:s17] =	ssyncset.done $0x0  }
0x100: {  	s30 =	sadd.s32 $0xD00, s26;
	[sflag:s17] =	ssyncadd.s32 $0xFFFFC000  }
0x101: {  	[spmem:s2] =	stream.indirect.scatter.add.f32 [tilespmem:s15], [sflag:$0x3], $0x80, s30, s14, $0xb8;
	[tilespmem:$0x1F000] =	vst v63  }
0x102: {  	_ =	swait.ge [sflag:s12], $0x4000  }
0x103: {  	[sflag:s12] =	ssyncset.done $0x0  }
0x104: {  	[sflag:s12] =	ssyncadd.s32 $0xFFFFC000  }
0x105: {  	[tilespmem:s15], [sflag:$0x1] =	stream.indirect.gather [hbm4b:s4+s14], $0x80, s19, s14, $0xb8;
	[tilespmem:$0x1F000] =	vst v63  }
0x106: {  	_ =	swait.ge [sflag:s18], $0x4000  }
0x107: {  	[sflag:s18] =	ssyncset.done $0x0  }
0x108: {  	s31 =	sadd.s32 $0xD80, s26;
	[sflag:s18] =	ssyncadd.s32 $0xFFFFC000  }
0x109: {  	[spmem:s2] =	stream.indirect.scatter.add.f32 [tilespmem:s16], [sflag:$0x3], $0x80, s31, s14, $0xb8;
	[tilespmem:$0x1F000] =	vst v63  }
0x10a: {  	_ =	swait.ge [sflag:s12], $0x4000  }
0x10b: {  	[sflag:s12] =	ssyncset.done $0x0  }
0x10c: {  	[sflag:s12] =	ssyncadd.s32 $0xFFFFC000  }
0x10d: {  	[tilespmem:s16], [sflag:$0x2] =	stream.indirect.gather [hbm4b:s4+s14], $0x80, s20, s14, $0xb8;
	[tilespmem:$0x1F000] =	vst v63  }
0x10e: {  	_ =	swait.ge [sflag:s17], $0x4000  }
0x10f: {  	[sflag:s17] =	ssyncset.done $0x0  }
0x110: {  	s29 =	sadd.s32 $0xE00, s26;
	[sflag:s17] =	ssyncadd.s32 $0xFFFFC000  }
0x111: {  	[spmem:s2] =	stream.indirect.scatter.add.f32 [tilespmem:s15], [sflag:$0x3], $0x80, s29, s14, $0xb8;
	[tilespmem:$0x1F000] =	vst v63  }
0x112: {  	_ =	swait.ge [sflag:s12], $0x4000  }
0x113: {  	[sflag:s12] =	ssyncset.done $0x0  }
0x114: {  	[sflag:s12] =	ssyncadd.s32 $0xFFFFC000  }
0x115: {  	[tilespmem:s15], [sflag:$0x1] =	stream.indirect.gather [hbm4b:s4+s14], $0x80, s21, s14, $0xb8;
	[tilespmem:$0x1F000] =	vst v63  }
0x116: {  	_ =	swait.ge [sflag:s18], $0x4000  }
0x117: {  	[sflag:s18] =	ssyncset.done $0x0  }
0x118: {  	s30 =	sadd.s32 $0xE80, s26;
	[sflag:s18] =	ssyncadd.s32 $0xFFFFC000  }
0x119: {  	[spmem:s2] =	stream.indirect.scatter.add.f32 [tilespmem:s16], [sflag:$0x3], $0x80, s30, s14, $0xb8;
	[tilespmem:$0x1F000] =	vst v63  }
0x11a: {  	_ =	swait.ge [sflag:s12], $0x4000  }
0x11b: {  	[sflag:s12] =	ssyncset.done $0x0  }
0x11c: {  	[sflag:s12] =	ssyncadd.s32 $0xFFFFC000  }
0x11d: {  	[tilespmem:s16], [sflag:$0x2] =	stream.indirect.gather [hbm4b:s4+s14], $0x80, s22, s14, $0xb8;
	[tilespmem:$0x1F000] =	vst v63  }
0x11e: {  	_ =	swait.ge [sflag:s17], $0x4000  }
0x11f: {  	[sflag:s17] =	ssyncset.done $0x0  }
0x120: {  	s31 =	sadd.s32 $0xF00, s26;
	[sflag:s17] =	ssyncadd.s32 $0xFFFFC000  }
0x121: {  	[spmem:s2] =	stream.indirect.scatter.add.f32 [tilespmem:s15], [sflag:$0x3], $0x80, s31, s14, $0xb8;
	[tilespmem:$0x1F000] =	vst v63  }
0x122: {  	_ =	swait.ge [sflag:s12], $0x4000  }
0x123: {  	[sflag:s12] =	ssyncset.done $0x0  }
0x124: {  	[sflag:s12] =	ssyncadd.s32 $0xFFFFC000  }
0x125: {  	p0 =	sne.s32 s24, $0x8000;
	_ =	swait.ge [sflag:s18], $0x4000  }
.Ltmp0:
0x126: {  	[sflag:s18] =	ssyncset.done $0x0;
	(pc) =	sbr.rel @p0 .LBB2_2-.Ltmp0, $4  }
0x127: {  	s26 =	sadd.s32 $0xF80, s26;
	[sflag:s18] =	ssyncadd.s32 $0xFFFFC000  }
0x128: {  	[spmem:s2] =	stream.indirect.scatter.add.f32 [tilespmem:s16], [sflag:$0x3], $0x80, s26, s14, $0xb8;
	[tilespmem:$0x1F000] =	vst v63  }
0x129: {  	_ =	swait.ge [sflag:s12], $0x4000  }
0x12a: {  	s24 =	sadd.s32 $0x2000, s24;
	[sflag:s12] =	ssyncset.done $0x0  }
0x12b: {  	s23 =	sadd.s32 $0x1, s23  }
0x12c: {  	[sflag:s12] =	ssyncadd.s32 $0xFFFFC000;
	p0 =	sne.s32 s23, s9  }
.Ltmp1:
0x12d: {  	[bflag:$0x0] =	sbarrier.arrive $0xFFFF;
	(pc) =	sbr.rel @p0 .LBB2_1-.Ltmp1, $4  }
0x12e: {  	[hbm:s8], [sflag:s6] =	dma.local [spmem:s11], $0x2800  }
0x12f: {  	_ =	swait.ge [sflag:s12], $0x2800  }
0x130: {  	[sflag:s12] =	ssyncset.done $0x0  }
0x131: {  	[sflag:s12] =	ssyncadd.s32 $0xFFFFD800  }
0x132: {  	_ =	sfence.sel $0x180000  }
0x133: {  	[bflag:$0x0] =	sbarrier.arrive $0xFFFF  }
0x134: {  	p0 =	sne.s32 s0, $0x0;
	_ =	strace $0x90000050  }
0x135: {  	s0 =	sadd.s32 @!p0 $0x100000, s1;
	[bflag:$0x2] =	sbarrier.arrive $0xFFFF  }
0x136: {  	[sflag:s0] =	ssyncadd.tile.s32 @!p0 $0x1;
	_ =	shalt  }
.Lfunc_end2:
_tile_overlayer_lowered:
.L_overlay_start_2:
0x137: {  	(tag) =	ssettag $0x2  }
0x138: {  	s0 =	rddreg [dreg:$0x0];
	s2 =	stileid.u32  }
0x139: {  	s1 =	rddreg [dreg:$0x1];
	p0 =	sne.s32 s2, $0x0  }
0x13a: {  	s3 =	rddreg [dreg:$0x2];
	[bflag:$0x3] =	sbarrier.arrive $0xFFFF;
	s2 =	simm.s32 @!p0 $0x1C03  }
0x13b: {  	[timem:s3], [sflag:s2] =	dma.local @!p0 [hbm:s0], s1  }
0x13c: {  	s0 =	simm.s32 @!p0 $0x3  }
0x13d: {  	_ =	swait.ge @!p0 [sflag:s0], s1  }
0x13e: {  	s1 =	ssub.s32 @!p0 $0x0, s1;
	[sflag:s0] =	ssyncset.done @!p0 $0x0  }
0x13f: {  	[sflag:s0] =	ssyncadd.s32 @!p0 s1  }
0x140: {  	[bflag:$0x3] =	sbarrier.arrive $0xFFFF  }
0x141: {  	_ =	shalt  }

</sc_bundles>
